<compile_context>
chip_gen: v7x
topology: tpu7x:2x2x1
jax: 0.10.2.dev20260603
libtpu: 0.0.44.dev20260713+nightly
codegen_flags: <defaults>
</compile_context>

<pallas_src>
import jax
import jax.numpy as jnp
from jax import lax
from jax.experimental import pallas as pl
from jax.experimental.pallas import tpu as pltpu
from jax.experimental.pallas import tpu_sc as plsc

N_NODES = 10000
N_EDGES = 320000
D_FEAT = 128

NC = 2
NS = 16
NW = NC * NS

CHUNK = 128
ROWS_PER_W = 80
N_ROWS = NW * ROWS_PER_W
E_PAD = N_ROWS * CHUNK
ZROWS = 640
N_ACC = NS * ZROWS


def _sc_accumulate(x_hbm, src_hbm, dst_hbm, part_hbm,
                   acc_sh, src_v, dst_v, rows_v, gsem, ssem):
    c = lax.axis_index("c")
    s = lax.axis_index("s")
    wid = s * NC + c

    def _zero_vmem(i, _):
        for j in range(8):
            rows_v[0, i, pl.ds(j * 16, 16)] = jnp.zeros((16,), jnp.float32)
        return 0
    lax.fori_loop(0, CHUNK, _zero_vmem, 0)
    zbase = s * ZROWS
    for k in range(ZROWS // CHUNK):
        pltpu.sync_copy(rows_v.at[0],
                        acc_sh.at[pl.ds(zbase + k * CHUNK, CHUNK), :])
    plsc.subcore_barrier()

    rbase = wid * ROWS_PER_W
    FIFTH = 16

    def _gather_start(b, i):
        pltpu.async_copy(x_hbm.at[src_v.at[i]], rows_v.at[b], gsem.at[b])

    def _gather_wait(b, i):
        pltpu.make_async_copy(x_hbm.at[src_v.at[i]], rows_v.at[b],
                              gsem.at[b]).wait()

    def _scatter_start(b, i):
        pltpu.async_copy(rows_v.at[b], acc_sh.at[dst_v.at[i]], ssem.at[b],
                         add=True)

    def _scatter_wait(b, i):
        pltpu.make_async_copy(rows_v.at[b], acc_sh.at[dst_v.at[i]],
                              ssem.at[b]).wait()

    for f in range(ROWS_PER_W // FIFTH):
        fb = rbase + f * FIFTH
        pltpu.sync_copy(src_hbm.at[pl.ds(fb, FIFTH), :], src_v)
        pltpu.sync_copy(dst_hbm.at[pl.ds(fb, FIFTH), :], dst_v)
        _gather_start(0, 0)

        def _pair(pr, _):
            i0 = 2 * pr
            _gather_wait(0, i0)
            _scatter_start(0, i0)

            @pl.when(pr > 0)
            def _free_buf1():
                _scatter_wait(1, i0 - 1)
            _gather_start(1, i0 + 1)
            _gather_wait(1, i0 + 1)
            _scatter_start(1, i0 + 1)
            _scatter_wait(0, i0)

            @pl.when(pr < FIFTH // 2 - 1)
            def _next_even():
                _gather_start(0, i0 + 2)
            return 0

        lax.fori_loop(0, FIFTH // 2, _pair, 0)
        _scatter_wait(1, FIFTH - 1)
    plsc.subcore_barrier()

    wbase = s * ZROWS
    pltpu.sync_copy(acc_sh.at[pl.ds(wbase, ZROWS), :],
                    part_hbm.at[c, pl.ds(wbase, ZROWS), :])


def _combine_body(p_ref, o_ref):
    o_ref[...] = p_ref[0] + p_ref[1]


@jax.jit
def kernel(x, edge_index):
    n_pad = E_PAD - N_EDGES
    ar = jnp.arange(n_pad, dtype=jnp.int32)
    pad_src = ar % N_NODES
    pad_dst = N_NODES + (ar % (N_ACC - N_NODES))
    src2d = jnp.concatenate(
        [edge_index[0], pad_src]).reshape(N_ROWS, CHUNK)
    dst2d = jnp.concatenate(
        [edge_index[1], pad_dst]).reshape(N_ROWS, CHUNK)

    mesh = plsc.VectorSubcoreMesh(core_axis_name="c", subcore_axis_name="s",
                                  num_cores=NC, num_subcores=NS)
    partials = pl.kernel(
        _sc_accumulate,
        out_type=jax.ShapeDtypeStruct((NC, N_ACC, D_FEAT), jnp.float32),
        mesh=mesh,
        scratch_types=[
            pltpu.VMEM_SHARED((N_ACC, D_FEAT), jnp.float32),
            pltpu.VMEM((16, CHUNK), jnp.int32),
            pltpu.VMEM((16, CHUNK), jnp.int32),
            pltpu.VMEM((2, CHUNK, D_FEAT), jnp.float32),
            pltpu.SemaphoreType.DMA((2,)),
            pltpu.SemaphoreType.DMA((2,)),
        ],
    )(x, src2d, dst2d)

    out = pl.pallas_call(
        _combine_body,
        out_shape=jax.ShapeDtypeStruct((N_NODES, D_FEAT), jnp.float32),
        grid=(10,),
        in_specs=[pl.BlockSpec((NC, N_NODES // 10, D_FEAT),
                               lambda i: (0, i, 0))],
        out_specs=pl.BlockSpec((N_NODES // 10, D_FEAT), lambda i: (i, 0)),
    )(partials)
    return out

# --- scband reference (transcript-rebuilt; emitter-appended) ---
"""Pipeline reference for scband-message-passing-81003083203027 (READ-ONLY COPY).

The authoritative reference and input builder live on the scoring server;
editing this copy changes nothing except your own understanding.
"""

import jax, jax.numpy as jnp
import numpy as np

N_NODES = 10000
N_EDGES = 320000
D_FEAT = 128


def setup_inputs(seed: int = 0) -> dict:
    key = jax.random.key(seed)
    k1, k2 = jax.random.split(key)
    x = jax.random.normal(k1, (N_NODES, D_FEAT), dtype=jnp.float32)
    edge_index = jax.random.randint(k2, (2, N_EDGES), 0, N_NODES).astype(jnp.int32)
    return {"x": x, "edge_index": edge_index}


def reference(x, edge_index):
    # MessagePassing with aggr='add', flow='source_to_target':
    # message(x_i, x_j) defaults to x_j (gather source-node features per edge),
    # aggregate via scatter_add onto destination nodes, update is identity.
    src = edge_index[0]
    dst = edge_index[1]
    messages = jnp.take(x, src, axis=0)          # gather: [E, d]
    aggr_out = jax.ops.segment_sum(messages, dst, num_segments=x.shape[0])  # scatter-add: [N, d]
    return aggr_out

if __name__ == "__main__":
    import jax
    _d = setup_inputs()
    print(jax.jit(kernel)(*tuple(_d.values())))

</pallas_src>

<mosaic_0001>
#map = affine_map<(d0, d1) -> (0, 0)>
#map1 = affine_map<(d0, d1) -> (0, 0, 0)>
module attributes {stable_mosaic.version = 14 : i64} {
  func.func @_sc_accumulate(%arg0: i32, %arg1: i32, %arg2: memref<10000x128xf32, #tpu.memory_space<hbm>>, %arg3: memref<2560x128xi32, #tpu.memory_space<hbm>>, %arg4: memref<2560x128xi32, #tpu.memory_space<hbm>>, %arg5: memref<2x10240x128xf32, #tpu.memory_space<hbm>>, %arg6: memref<10240x128xf32, #tpu.memory_space<vmem_shared>>, %arg7: memref<16x128xi32, #tpu.memory_space<vmem>>, %arg8: memref<16x128xi32, #tpu.memory_space<vmem>>, %arg9: memref<2x128x128xf32, #tpu.memory_space<vmem>>, %arg10: memref<2x!tpu.dma_semaphore, #tpu.memory_space<semaphore_mem>>, %arg11: memref<2x!tpu.dma_semaphore, #tpu.memory_space<semaphore_mem>>) attributes {dimension_semantics = [#tpu.dimension_semantics<core_parallel>, #tpu.dimension_semantics<subcore_parallel>], iteration_bounds = array<i64: 2, 16>, scalar_prefetch = 0 : i64, scratch_operands = 6 : i64, tpu.core_type = #tpu.core_type<sc_vector_subcore>, window_params = [{transform_indices = #map}, {transform_indices = #map}, {transform_indices = #map}, {transform_indices = #map1}]} {
    %mul3A = arith.constant 2 : i32
    %mul3A_0 = arith.muli %arg1, %mul3A : i32
    %add3A = arith.addi %mul3A_0, %arg0 : i32
    %scan3A = arith.constant 0 : i32
    %scan3A_1 = arith.constant 0 : i32
    %scan3A_2 = arith.constant 128 : i32
    %scan3A_3 = arith.addi %scan3A_1, %scan3A_2 : i32
    %scan3A_4 = arith.constant 1 : i32
    %scan3A_5 = scf.for %scan3A_221 = %scan3A_1 to %scan3A_3 step %scan3A_4 iter_args(%scan3A_222 = %scan3A) -> (i32)  : i32 {
      %broadcast_in_dim3A = arith.constant 0.000000e+00 : f32
      %broadcast_in_dim3A_223 = vector.broadcast %broadcast_in_dim3A : f32 to vector<16xf32>
      %swap3A = arith.constant 0 : i32
      %swap3A_224 = arith.index_cast %swap3A : i32 to index
      %swap3A_225 = arith.index_cast %scan3A_221 : i32 to index
      %swap3A_226 = arith.constant 0 : index
      %swap3A_227 = tpu.vector_load %arg9[%swap3A_224, %swap3A_225, %swap3A_226] {strides = array<i32>} : memref<2x128x128xf32, #tpu.memory_space<vmem>>, vector<1x1x16xf32>,
      %swap3A_228 = vector.shape_cast %swap3A_227 : vector<1x1x16xf32> to vector<16xf32>
      %swap3A_229 = vector.shape_cast %broadcast_in_dim3A_223 : vector<16xf32> to vector<1x1x16xf32>
      tpu.vector_store %arg9[%swap3A_224, %swap3A_225, %swap3A_226], %swap3A_229 {strides = array<i32>} : memref<2x128x128xf32, #tpu.memory_space<vmem>>, vector<1x1x16xf32>,
      %broadcast_in_dim3A_230 = arith.constant 0.000000e+00 : f32
      %broadcast_in_dim3A_231 = vector.broadcast %broadcast_in_dim3A_230 : f32 to vector<16xf32>
      %swap3A_232 = arith.constant 0 : i32
      %swap3A_233 = arith.index_cast %swap3A_232 : i32 to index
      %swap3A_234 = arith.index_cast %scan3A_221 : i32 to index
      %swap3A_235 = arith.constant 16 : index
      %swap3A_236 = tpu.vector_load %arg9[%swap3A_233, %swap3A_234, %swap3A_235] {strides = array<i32>} : memref<2x128x128xf32, #tpu.memory_space<vmem>>, vector<1x1x16xf32>,
      %swap3A_237 = vector.shape_cast %swap3A_236 : vector<1x1x16xf32> to vector<16xf32>
      %swap3A_238 = vector.shape_cast %broadcast_in_dim3A_231 : vector<16xf32> to vector<1x1x16xf32>
      tpu.vector_store %arg9[%swap3A_233, %swap3A_234, %swap3A_235], %swap3A_238 {strides = array<i32>} : memref<2x128x128xf32, #tpu.memory_space<vmem>>, vector<1x1x16xf32>,
      %broadcast_in_dim3A_239 = arith.constant 0.000000e+00 : f32
      %broadcast_in_dim3A_240 = vector.broadcast %broadcast_in_dim3A_239 : f32 to vector<16xf32>
      %swap3A_241 = arith.constant 0 : i32
      %swap3A_242 = arith.index_cast %swap3A_241 : i32 to index
      %swap3A_243 = arith.index_cast %scan3A_221 : i32 to index
      %swap3A_244 = arith.constant 32 : index
      %swap3A_245 = tpu.vector_load %arg9[%swap3A_242, %swap3A_243, %swap3A_244] {strides = array<i32>} : memref<2x128x128xf32, #tpu.memory_space<vmem>>, vector<1x1x16xf32>,
      %swap3A_246 = vector.shape_cast %swap3A_245 : vector<1x1x16xf32> to vector<16xf32>
      %swap3A_247 = vector.shape_cast %broadcast_in_dim3A_240 : vector<16xf32> to vector<1x1x16xf32>
      tpu.vector_store %arg9[%swap3A_242, %swap3A_243, %swap3A_244], %swap3A_247 {strides = array<i32>} : memref<2x128x128xf32, #tpu.memory_space<vmem>>, vector<1x1x16xf32>,
      %broadcast_in_dim3A_248 = arith.constant 0.000000e+00 : f32
      %broadcast_in_dim3A_249 = vector.broadcast %broadcast_in_dim3A_248 : f32 to vector<16xf32>
      %swap3A_250 = arith.constant 0 : i32
      %swap3A_251 = arith.index_cast %swap3A_250 : i32 to index
      %swap3A_252 = arith.index_cast %scan3A_221 : i32 to index
      %swap3A_253 = arith.constant 48 : index
      %swap3A_254 = tpu.vector_load %arg9[%swap3A_251, %swap3A_252, %swap3A_253] {strides = array<i32>} : memref<2x128x128xf32, #tpu.memory_space<vmem>>, vector<1x1x16xf32>,
      %swap3A_255 = vector.shape_cast %swap3A_254 : vector<1x1x16xf32> to vector<16xf32>
      %swap3A_256 = vector.shape_cast %broadcast_in_dim3A_249 : vector<16xf32> to vector<1x1x16xf32>
      tpu.vector_store %arg9[%swap3A_251, %swap3A_252, %swap3A_253], %swap3A_256 {strides = array<i32>} : memref<2x128x128xf32, #tpu.memory_space<vmem>>, vector<1x1x16xf32>,
      %broadcast_in_dim3A_257 = arith.constant 0.000000e+00 : f32
      %broadcast_in_dim3A_258 = vector.broadcast %broadcast_in_dim3A_257 : f32 to vector<16xf32>
      %swap3A_259 = arith.constant 0 : i32
      %swap3A_260 = arith.index_cast %swap3A_259 : i32 to index
      %swap3A_261 = arith.index_cast %scan3A_221 : i32 to index
      %swap3A_262 = arith.constant 64 : index
      %swap3A_263 = tpu.vector_load %arg9[%swap3A_260, %swap3A_261, %swap3A_262] {strides = array<i32>} : memref<2x128x128xf32, #tpu.memory_space<vmem>>, vector<1x1x16xf32>,
      %swap3A_264 = vector.shape_cast %swap3A_263 : vector<1x1x16xf32> to vector<16xf32>
      %swap3A_265 = vector.shape_cast %broadcast_in_dim3A_258 : vector<16xf32> to vector<1x1x16xf32>
      tpu.vector_store %arg9[%swap3A_260, %swap3A_261, %swap3A_262], %swap3A_265 {strides = array<i32>} : memref<2x128x128xf32, #tpu.memory_space<vmem>>, vector<1x1x16xf32>,
      %broadcast_in_dim3A_266 = arith.constant 0.000000e+00 : f32
      %broadcast_in_dim3A_267 = vector.broadcast %broadcast_in_dim3A_266 : f32 to vector<16xf32>
      %swap3A_268 = arith.constant 0 : i32
      %swap3A_269 = arith.index_cast %swap3A_268 : i32 to index
      %swap3A_270 = arith.index_cast %scan3A_221 : i32 to index
      %swap3A_271 = arith.constant 80 : index
      %swap3A_272 = tpu.vector_load %arg9[%swap3A_269, %swap3A_270, %swap3A_271] {strides = array<i32>} : memref<2x128x128xf32, #tpu.memory_space<vmem>>, vector<1x1x16xf32>,
      %swap3A_273 = vector.shape_cast %swap3A_272 : vector<1x1x16xf32> to vector<16xf32>
      %swap3A_274 = vector.shape_cast %broadcast_in_dim3A_267 : vector<16xf32> to vector<1x1x16xf32>
      tpu.vector_store %arg9[%swap3A_269, %swap3A_270, %swap3A_271], %swap3A_274 {strides = array<i32>} : memref<2x128x128xf32, #tpu.memory_space<vmem>>, vector<1x1x16xf32>,
      %broadcast_in_dim3A_275 = arith.constant 0.000000e+00 : f32
      %broadcast_in_dim3A_276 = vector.broadcast %broadcast_in_dim3A_275 : f32 to vector<16xf32>
      %swap3A_277 = arith.constant 0 : i32
      %swap3A_278 = arith.index_cast %swap3A_277 : i32 to index
      %swap3A_279 = arith.index_cast %scan3A_221 : i32 to index
      %swap3A_280 = arith.constant 96 : index
      %swap3A_281 = tpu.vector_load %arg9[%swap3A_278, %swap3A_279, %swap3A_280] {strides = array<i32>} : memref<2x128x128xf32, #tpu.memory_space<vmem>>, vector<1x1x16xf32>,
      %swap3A_282 = vector.shape_cast %swap3A_281 : vector<1x1x16xf32> to vector<16xf32>
      %swap3A_283 = vector.shape_cast %broadcast_in_dim3A_276 : vector<16xf32> to vector<1x1x16xf32>
      tpu.vector_store %arg9[%swap3A_278, %swap3A_279, %swap3A_280], %swap3A_283 {strides = array<i32>} : memref<2x128x128xf32, #tpu.memory_space<vmem>>, vector<1x1x16xf32>,
      %broadcast_in_dim3A_284 = arith.constant 0.000000e+00 : f32
      %broadcast_in_dim3A_285 = vector.broadcast %broadcast_in_dim3A_284 : f32 to vector<16xf32>
      %swap3A_286 = arith.constant 0 : i32
      %swap3A_287 = arith.index_cast %swap3A_286 : i32 to index
      %swap3A_288 = arith.index_cast %scan3A_221 : i32 to index
      %swap3A_289 = arith.constant 112 : index
      %swap3A_290 = tpu.vector_load %arg9[%swap3A_287, %swap3A_288, %swap3A_289] {strides = array<i32>} : memref<2x128x128xf32, #tpu.memory_space<vmem>>, vector<1x1x16xf32>,
      %swap3A_291 = vector.shape_cast %swap3A_290 : vector<1x1x16xf32> to vector<16xf32>
      %swap3A_292 = vector.shape_cast %broadcast_in_dim3A_285 : vector<16xf32> to vector<1x1x16xf32>
      tpu.vector_store %arg9[%swap3A_287, %swap3A_288, %swap3A_289], %swap3A_292 {strides = array<i32>} : memref<2x128x128xf32, #tpu.memory_space<vmem>>, vector<1x1x16xf32>,
      %scan3A_293 = arith.constant 0 : i32
      scf.yield %scan3A_293 : i32
    }
    %scan3A_6 = arith.constant 128 : i32
    %mul3A_7 = arith.constant 640 : i32
    %mul3A_8 = arith.muli %arg1, %mul3A_7 : i32
    %add3A_9 = arith.constant 0 : i32
    %add3A_10 = arith.addi %mul3A_8, %add3A_9 : i32
    %run_scoped3A = arith.constant 0 : i32
    "tpu.region"() ({
      %run_scoped3A_221 = tpu.sem_alloc : memref<!tpu.dma_semaphore, #tpu.memory_space<semaphore_mem>>
      %dma_start3A_222 = arith.constant 0 : i32
      %dma_start3A_223 = arith.constant 0 : i32
      %dma_start3A_224 = tpu.memref_slice %arg9[%run_scoped3A, %dma_start3A_222, %dma_start3A_223] : memref<2x128x128xf32, #tpu.memory_space<vmem>> -> memref<1x128x128xf32, #tpu.memory_space<vmem>>
      %dma_start3A_225 = tpu.memref_squeeze %dma_start3A_224 : memref<1x128x128xf32, #tpu.memory_space<vmem>> -> memref<128x128xf32, #tpu.memory_space<vmem>>
      %dma_start3A_226 = arith.constant 0 : i32
      %dma_start3A_227 = tpu.memref_slice %arg6[%add3A_10, %dma_start3A_226] : memref<10240x128xf32, #tpu.memory_space<vmem_shared>> -> memref<128x128xf32, #tpu.memory_space<vmem_shared>>
      %dma_start3A_228 = arith.constant 0 : i32
      %dma_start3A_229 = tpu.memref_slice %arg6[%add3A_10, %dma_start3A_228] : memref<10240x128xf32, #tpu.memory_space<vmem_shared>> -> memref<128x128xf32, #tpu.memory_space<vmem_shared>>
      %dma_start3A_230 = arith.constant 0 : i32
      %dma_start3A_231 = arith.constant 0 : i32
      %dma_start3A_232 = tpu.memref_slice %arg9[%run_scoped3A, %dma_start3A_230, %dma_start3A_231] : memref<2x128x128xf32, #tpu.memory_space<vmem>> -> memref<1x128x128xf32, #tpu.memory_space<vmem>>
      %dma_start3A_233 = tpu.memref_squeeze %dma_start3A_232 : memref<1x128x128xf32, #tpu.memory_space<vmem>> -> memref<128x128xf32, #tpu.memory_space<vmem>>
      tpu.enqueue_dma source(%dma_start3A_233 : memref<128x128xf32, #tpu.memory_space<vmem>>) target(%dma_start3A_229 : memref<128x128xf32, #tpu.memory_space<vmem_shared>>) target_semaphore(%run_scoped3A_221 : memref<!tpu.dma_semaphore, #tpu.memory_space<semaphore_mem>>)
      %dma_wait3A_234 = arith.constant 0 : i32
      %dma_wait3A_235 = arith.constant 0 : i32
      %dma_wait3A_236 = tpu.memref_slice %arg9[%run_scoped3A, %dma_wait3A_234, %dma_wait3A_235] : memref<2x128x128xf32, #tpu.memory_space<vmem>> -> memref<1x128x128xf32, #tpu.memory_space<vmem>>
      %dma_wait3A_237 = tpu.memref_squeeze %dma_wait3A_236 : memref<1x128x128xf32, #tpu.memory_space<vmem>> -> memref<128x128xf32, #tpu.memory_space<vmem>>
      %dma_wait3A_238 = arith.constant 0 : i32
      %dma_wait3A_239 = tpu.memref_slice %arg6[%add3A_10, %dma_wait3A_238] : memref<10240x128xf32, #tpu.memory_space<vmem_shared>> -> memref<128x128xf32, #tpu.memory_space<vmem_shared>>
      %dma_wait3A_240 = arith.constant 0 : i32
      %dma_wait3A_241 = tpu.memref_slice %arg6[%add3A_10, %dma_wait3A_240] : memref<10240x128xf32, #tpu.memory_space<vmem_shared>> -> memref<128x128xf32, #tpu.memory_space<vmem_shared>>
      %dma_wait3A_242 = arith.constant 0 : i32
      %dma_wait3A_243 = arith.constant 0 : i32
      %dma_wait3A_244 = tpu.memref_slice %arg9[%run_scoped3A, %dma_wait3A_242, %dma_wait3A_243] : memref<2x128x128xf32, #tpu.memory_space<vmem>> -> memref<1x128x128xf32, #tpu.memory_space<vmem>>
      %dma_wait3A_245 = tpu.memref_squeeze %dma_wait3A_244 : memref<1x128x128xf32, #tpu.memory_space<vmem>> -> memref<128x128xf32, #tpu.memory_space<vmem>>
      tpu.wait_dma2 semaphore(%run_scoped3A_221 : memref<!tpu.dma_semaphore, #tpu.memory_space<semaphore_mem>>) src(%dma_wait3A_245 : memref<128x128xf32, #tpu.memory_space<vmem>>) dst(%dma_wait3A_241 : memref<128x128xf32, #tpu.memory_space<vmem_shared>>)
      tpu.yield
    }) : () -> ()
    %add3A_11 = arith.constant 128 : i32
    %add3A_12 = arith.addi %mul3A_8, %add3A_11 : i32
    %run_scoped3A_13 = arith.constant 0 : i32
    "tpu.region"() ({
      %run_scoped3A_221 = tpu.sem_alloc : memref<!tpu.dma_semaphore, #tpu.memory_space<semaphore_mem>>
      %dma_start3A_222 = arith.constant 0 : i32
      %dma_start3A_223 = arith.constant 0 : i32
      %dma_start3A_224 = tpu.memref_slice %arg9[%run_scoped3A_13, %dma_start3A_222, %dma_start3A_223] : memref<2x128x128xf32, #tpu.memory_space<vmem>> -> memref<1x128x128xf32, #tpu.memory_space<vmem>>
      %dma_start3A_225 = tpu.memref_squeeze %dma_start3A_224 : memref<1x128x128xf32, #tpu.memory_space<vmem>> -> memref<128x128xf32, #tpu.memory_space<vmem>>
      %dma_start3A_226 = arith.constant 0 : i32
      %dma_start3A_227 = tpu.memref_slice %arg6[%add3A_12, %dma_start3A_226] : memref<10240x128xf32, #tpu.memory_space<vmem_shared>> -> memref<128x128xf32, #tpu.memory_space<vmem_shared>>
      %dma_start3A_228 = arith.constant 0 : i32
      %dma_start3A_229 = tpu.memref_slice %arg6[%add3A_12, %dma_start3A_228] : memref<10240x128xf32, #tpu.memory_space<vmem_shared>> -> memref<128x128xf32, #tpu.memory_space<vmem_shared>>
      %dma_start3A_230 = arith.constant 0 : i32
      %dma_start3A_231 = arith.constant 0 : i32
      %dma_start3A_232 = tpu.memref_slice %arg9[%run_scoped3A_13, %dma_start3A_230, %dma_start3A_231] : memref<2x128x128xf32, #tpu.memory_space<vmem>> -> memref<1x128x128xf32, #tpu.memory_space<vmem>>
      %dma_start3A_233 = tpu.memref_squeeze %dma_start3A_232 : memref<1x128x128xf32, #tpu.memory_space<vmem>> -> memref<128x128xf32, #tpu.memory_space<vmem>>
      tpu.enqueue_dma source(%dma_start3A_233 : memref<128x128xf32, #tpu.memory_space<vmem>>) target(%dma_start3A_229 : memref<128x128xf32, #tpu.memory_space<vmem_shared>>) target_semaphore(%run_scoped3A_221 : memref<!tpu.dma_semaphore, #tpu.memory_space<semaphore_mem>>)
      %dma_wait3A_234 = arith.constant 0 : i32
      %dma_wait3A_235 = arith.constant 0 : i32
      %dma_wait3A_236 = tpu.memref_slice %arg9[%run_scoped3A_13, %dma_wait3A_234, %dma_wait3A_235] : memref<2x128x128xf32, #tpu.memory_space<vmem>> -> memref<1x128x128xf32, #tpu.memory_space<vmem>>
      %dma_wait3A_237 = tpu.memref_squeeze %dma_wait3A_236 : memref<1x128x128xf32, #tpu.memory_space<vmem>> -> memref<128x128xf32, #tpu.memory_space<vmem>>
      %dma_wait3A_238 = arith.constant 0 : i32
      %dma_wait3A_239 = tpu.memref_slice %arg6[%add3A_12, %dma_wait3A_238] : memref<10240x128xf32, #tpu.memory_space<vmem_shared>> -> memref<128x128xf32, #tpu.memory_space<vmem_shared>>
      %dma_wait3A_240 = arith.constant 0 : i32
      %dma_wait3A_241 = tpu.memref_slice %arg6[%add3A_12, %dma_wait3A_240] : memref<10240x128xf32, #tpu.memory_space<vmem_shared>> -> memref<128x128xf32, #tpu.memory_space<vmem_shared>>
      %dma_wait3A_242 = arith.constant 0 : i32
      %dma_wait3A_243 = arith.constant 0 : i32
      %dma_wait3A_244 = tpu.memref_slice %arg9[%run_scoped3A_13, %dma_wait3A_242, %dma_wait3A_243] : memref<2x128x128xf32, #tpu.memory_space<vmem>> -> memref<1x128x128xf32, #tpu.memory_space<vmem>>
      %dma_wait3A_245 = tpu.memref_squeeze %dma_wait3A_244 : memref<1x128x128xf32, #tpu.memory_space<vmem>> -> memref<128x128xf32, #tpu.memory_space<vmem>>
      tpu.wait_dma2 semaphore(%run_scoped3A_221 : memref<!tpu.dma_semaphore, #tpu.memory_space<semaphore_mem>>) src(%dma_wait3A_245 : memref<128x128xf32, #tpu.memory_space<vmem>>) dst(%dma_wait3A_241 : memref<128x128xf32, #tpu.memory_space<vmem_shared>>)
      tpu.yield
    }) : () -> ()
    %add3A_14 = arith.constant 256 : i32
    %add3A_15 = arith.addi %mul3A_8, %add3A_14 : i32
    %run_scoped3A_16 = arith.constant 0 : i32
    "tpu.region"() ({
      %run_scoped3A_221 = tpu.sem_alloc : memref<!tpu.dma_semaphore, #tpu.memory_space<semaphore_mem>>
      %dma_start3A_222 = arith.constant 0 : i32
      %dma_start3A_223 = arith.constant 0 : i32
      %dma_start3A_224 = tpu.memref_slice %arg9[%run_scoped3A_16, %dma_start3A_222, %dma_start3A_223] : memref<2x128x128xf32, #tpu.memory_space<vmem>> -> memref<1x128x128xf32, #tpu.memory_space<vmem>>
      %dma_start3A_225 = tpu.memref_squeeze %dma_start3A_224 : memref<1x128x128xf32, #tpu.memory_space<vmem>> -> memref<128x128xf32, #tpu.memory_space<vmem>>
      %dma_start3A_226 = arith.constant 0 : i32
      %dma_start3A_227 = tpu.memref_slice %arg6[%add3A_15, %dma_start3A_226] : memref<10240x128xf32, #tpu.memory_space<vmem_shared>> -> memref<128x128xf32, #tpu.memory_space<vmem_shared>>
      %dma_start3A_228 = arith.constant 0 : i32
      %dma_start3A_229 = tpu.memref_slice %arg6[%add3A_15, %dma_start3A_228] : memref<10240x128xf32, #tpu.memory_space<vmem_shared>> -> memref<128x128xf32, #tpu.memory_space<vmem_shared>>
      %dma_start3A_230 = arith.constant 0 : i32
      %dma_start3A_231 = arith.constant 0 : i32
      %dma_start3A_232 = tpu.memref_slice %arg9[%run_scoped3A_16, %dma_start3A_230, %dma_start3A_231] : memref<2x128x128xf32, #tpu.memory_space<vmem>> -> memref<1x128x128xf32, #tpu.memory_space<vmem>>
      %dma_start3A_233 = tpu.memref_squeeze %dma_start3A_232 : memref<1x128x128xf32, #tpu.memory_space<vmem>> -> memref<128x128xf32, #tpu.memory_space<vmem>>
      tpu.enqueue_dma source(%dma_start3A_233 : memref<128x128xf32, #tpu.memory_space<vmem>>) target(%dma_start3A_229 : memref<128x128xf32, #tpu.memory_space<vmem_shared>>) target_semaphore(%run_scoped3A_221 : memref<!tpu.dma_semaphore, #tpu.memory_space<semaphore_mem>>)
      %dma_wait3A_234 = arith.constant 0 : i32
      %dma_wait3A_235 = arith.constant 0 : i32
      %dma_wait3A_236 = tpu.memref_slice %arg9[%run_scoped3A_16, %dma_wait3A_234, %dma_wait3A_235] : memref<2x128x128xf32, #tpu.memory_space<vmem>> -> memref<1x128x128xf32, #tpu.memory_space<vmem>>
      %dma_wait3A_237 = tpu.memref_squeeze %dma_wait3A_236 : memref<1x128x128xf32, #tpu.memory_space<vmem>> -> memref<128x128xf32, #tpu.memory_space<vmem>>
      %dma_wait3A_238 = arith.constant 0 : i32
      %dma_wait3A_239 = tpu.memref_slice %arg6[%add3A_15, %dma_wait3A_238] : memref<10240x128xf32, #tpu.memory_space<vmem_shared>> -> memref<128x128xf32, #tpu.memory_space<vmem_shared>>
      %dma_wait3A_240 = arith.constant 0 : i32
      %dma_wait3A_241 = tpu.memref_slice %arg6[%add3A_15, %dma_wait3A_240] : memref<10240x128xf32, #tpu.memory_space<vmem_shared>> -> memref<128x128xf32, #tpu.memory_space<vmem_shared>>
      %dma_wait3A_242 = arith.constant 0 : i32
      %dma_wait3A_243 = arith.constant 0 : i32
      %dma_wait3A_244 = tpu.memref_slice %arg9[%run_scoped3A_16, %dma_wait3A_242, %dma_wait3A_243] : memref<2x128x128xf32, #tpu.memory_space<vmem>> -> memref<1x128x128xf32, #tpu.memory_space<vmem>>
      %dma_wait3A_245 = tpu.memref_squeeze %dma_wait3A_244 : memref<1x128x128xf32, #tpu.memory_space<vmem>> -> memref<128x128xf32, #tpu.memory_space<vmem>>
      tpu.wait_dma2 semaphore(%run_scoped3A_221 : memref<!tpu.dma_semaphore, #tpu.memory_space<semaphore_mem>>) src(%dma_wait3A_245 : memref<128x128xf32, #tpu.memory_space<vmem>>) dst(%dma_wait3A_241 : memref<128x128xf32, #tpu.memory_space<vmem_shared>>)
      tpu.yield
    }) : () -> ()
    %add3A_17 = arith.constant 384 : i32
    %add3A_18 = arith.addi %mul3A_8, %add3A_17 : i32
    %run_scoped3A_19 = arith.constant 0 : i32
    "tpu.region"() ({
      %run_scoped3A_221 = tpu.sem_alloc : memref<!tpu.dma_semaphore, #tpu.memory_space<semaphore_mem>>
      %dma_start3A_222 = arith.constant 0 : i32
      %dma_start3A_223 = arith.constant 0 : i32
      %dma_start3A_224 = tpu.memref_slice %arg9[%run_scoped3A_19, %dma_start3A_222, %dma_start3A_223] : memref<2x128x128xf32, #tpu.memory_space<vmem>> -> memref<1x128x128xf32, #tpu.memory_space<vmem>>
      %dma_start3A_225 = tpu.memref_squeeze %dma_start3A_224 : memref<1x128x128xf32, #tpu.memory_space<vmem>> -> memref<128x128xf32, #tpu.memory_space<vmem>>
      %dma_start3A_226 = arith.constant 0 : i32
      %dma_start3A_227 = tpu.memref_slice %arg6[%add3A_18, %dma_start3A_226] : memref<10240x128xf32, #tpu.memory_space<vmem_shared>> -> memref<128x128xf32, #tpu.memory_space<vmem_shared>>
      %dma_start3A_228 = arith.constant 0 : i32
      %dma_start3A_229 = tpu.memref_slice %arg6[%add3A_18, %dma_start3A_228] : memref<10240x128xf32, #tpu.memory_space<vmem_shared>> -> memref<128x128xf32, #tpu.memory_space<vmem_shared>>
      %dma_start3A_230 = arith.constant 0 : i32
      %dma_start3A_231 = arith.constant 0 : i32
      %dma_start3A_232 = tpu.memref_slice %arg9[%run_scoped3A_19, %dma_start3A_230, %dma_start3A_231] : memref<2x128x128xf32, #tpu.memory_space<vmem>> -> memref<1x128x128xf32, #tpu.memory_space<vmem>>
      %dma_start3A_233 = tpu.memref_squeeze %dma_start3A_232 : memref<1x128x128xf32, #tpu.memory_space<vmem>> -> memref<128x128xf32, #tpu.memory_space<vmem>>
      tpu.enqueue_dma source(%dma_start3A_233 : memref<128x128xf32, #tpu.memory_space<vmem>>) target(%dma_start3A_229 : memref<128x128xf32, #tpu.memory_space<vmem_shared>>) target_semaphore(%run_scoped3A_221 : memref<!tpu.dma_semaphore, #tpu.memory_space<semaphore_mem>>)
      %dma_wait3A_234 = arith.constant 0 : i32
      %dma_wait3A_235 = arith.constant 0 : i32
      %dma_wait3A_236 = tpu.memref_slice %arg9[%run_scoped3A_19, %dma_wait3A_234, %dma_wait3A_235] : memref<2x128x128xf32, #tpu.memory_space<vmem>> -> memref<1x128x128xf32, #tpu.memory_space<vmem>>
      %dma_wait3A_237 = tpu.memref_squeeze %dma_wait3A_236 : memref<1x128x128xf32, #tpu.memory_space<vmem>> -> memref<128x128xf32, #tpu.memory_space<vmem>>
      %dma_wait3A_238 = arith.constant 0 : i32
      %dma_wait3A_239 = tpu.memref_slice %arg6[%add3A_18, %dma_wait3A_238] : memref<10240x128xf32, #tpu.memory_space<vmem_shared>> -> memref<128x128xf32, #tpu.memory_space<vmem_shared>>
      %dma_wait3A_240 = arith.constant 0 : i32
      %dma_wait3A_241 = tpu.memref_slice %arg6[%add3A_18, %dma_wait3A_240] : memref<10240x128xf32, #tpu.memory_space<vmem_shared>> -> memref<128x128xf32, #tpu.memory_space<vmem_shared>>
      %dma_wait3A_242 = arith.constant 0 : i32
      %dma_wait3A_243 = arith.constant 0 : i32
      %dma_wait3A_244 = tpu.memref_slice %arg9[%run_scoped3A_19, %dma_wait3A_242, %dma_wait3A_243] : memref<2x128x128xf32, #tpu.memory_space<vmem>> -> memref<1x128x128xf32, #tpu.memory_space<vmem>>
      %dma_wait3A_245 = tpu.memref_squeeze %dma_wait3A_244 : memref<1x128x128xf32, #tpu.memory_space<vmem>> -> memref<128x128xf32, #tpu.memory_space<vmem>>
      tpu.wait_dma2 semaphore(%run_scoped3A_221 : memref<!tpu.dma_semaphore, #tpu.memory_space<semaphore_mem>>) src(%dma_wait3A_245 : memref<128x128xf32, #tpu.memory_space<vmem>>) dst(%dma_wait3A_241 : memref<128x128xf32, #tpu.memory_space<vmem_shared>>)
      tpu.yield
    }) : () -> ()
    %add3A_20 = arith.constant 512 : i32
    %add3A_21 = arith.addi %mul3A_8, %add3A_20 : i32
    %run_scoped3A_22 = arith.constant 0 : i32
    "tpu.region"() ({
      %run_scoped3A_221 = tpu.sem_alloc : memref<!tpu.dma_semaphore, #tpu.memory_space<semaphore_mem>>
      %dma_start3A_222 = arith.constant 0 : i32
      %dma_start3A_223 = arith.constant 0 : i32
      %dma_start3A_224 = tpu.memref_slice %arg9[%run_scoped3A_22, %dma_start3A_222, %dma_start3A_223] : memref<2x128x128xf32, #tpu.memory_space<vmem>> -> memref<1x128x128xf32, #tpu.memory_space<vmem>>
      %dma_start3A_225 = tpu.memref_squeeze %dma_start3A_224 : memref<1x128x128xf32, #tpu.memory_space<vmem>> -> memref<128x128xf32, #tpu.memory_space<vmem>>
      %dma_start3A_226 = arith.constant 0 : i32
      %dma_start3A_227 = tpu.memref_slice %arg6[%add3A_21, %dma_start3A_226] : memref<10240x128xf32, #tpu.memory_space<vmem_shared>> -> memref<128x128xf32, #tpu.memory_space<vmem_shared>>
      %dma_start3A_228 = arith.constant 0 : i32
      %dma_start3A_229 = tpu.memref_slice %arg6[%add3A_21, %dma_start3A_228] : memref<10240x128xf32, #tpu.memory_space<vmem_shared>> -> memref<128x128xf32, #tpu.memory_space<vmem_shared>>
      %dma_start3A_230 = arith.constant 0 : i32
      %dma_start3A_231 = arith.constant 0 : i32
      %dma_start3A_232 = tpu.memref_slice %arg9[%run_scoped3A_22, %dma_start3A_230, %dma_start3A_231] : memref<2x128x128xf32, #tpu.memory_space<vmem>> -> memref<1x128x128xf32, #tpu.memory_space<vmem>>
      %dma_start3A_233 = tpu.memref_squeeze %dma_start3A_232 : memref<1x128x128xf32, #tpu.memory_space<vmem>> -> memref<128x128xf32, #tpu.memory_space<vmem>>
      tpu.enqueue_dma source(%dma_start3A_233 : memref<128x128xf32, #tpu.memory_space<vmem>>) target(%dma_start3A_229 : memref<128x128xf32, #tpu.memory_space<vmem_shared>>) target_semaphore(%run_scoped3A_221 : memref<!tpu.dma_semaphore, #tpu.memory_space<semaphore_mem>>)
      %dma_wait3A_234 = arith.constant 0 : i32
      %dma_wait3A_235 = arith.constant 0 : i32
      %dma_wait3A_236 = tpu.memref_slice %arg9[%run_scoped3A_22, %dma_wait3A_234, %dma_wait3A_235] : memref<2x128x128xf32, #tpu.memory_space<vmem>> -> memref<1x128x128xf32, #tpu.memory_space<vmem>>
      %dma_wait3A_237 = tpu.memref_squeeze %dma_wait3A_236 : memref<1x128x128xf32, #tpu.memory_space<vmem>> -> memref<128x128xf32, #tpu.memory_space<vmem>>
      %dma_wait3A_238 = arith.constant 0 : i32
      %dma_wait3A_239 = tpu.memref_slice %arg6[%add3A_21, %dma_wait3A_238] : memref<10240x128xf32, #tpu.memory_space<vmem_shared>> -> memref<128x128xf32, #tpu.memory_space<vmem_shared>>
      %dma_wait3A_240 = arith.constant 0 : i32
      %dma_wait3A_241 = tpu.memref_slice %arg6[%add3A_21, %dma_wait3A_240] : memref<10240x128xf32, #tpu.memory_space<vmem_shared>> -> memref<128x128xf32, #tpu.memory_space<vmem_shared>>
      %dma_wait3A_242 = arith.constant 0 : i32
      %dma_wait3A_243 = arith.constant 0 : i32
      %dma_wait3A_244 = tpu.memref_slice %arg9[%run_scoped3A_22, %dma_wait3A_242, %dma_wait3A_243] : memref<2x128x128xf32, #tpu.memory_space<vmem>> -> memref<1x128x128xf32, #tpu.memory_space<vmem>>
      %dma_wait3A_245 = tpu.memref_squeeze %dma_wait3A_244 : memref<1x128x128xf32, #tpu.memory_space<vmem>> -> memref<128x128xf32, #tpu.memory_space<vmem>>
      tpu.wait_dma2 semaphore(%run_scoped3A_221 : memref<!tpu.dma_semaphore, #tpu.memory_space<semaphore_mem>>) src(%dma_wait3A_245 : memref<128x128xf32, #tpu.memory_space<vmem>>) dst(%dma_wait3A_241 : memref<128x128xf32, #tpu.memory_space<vmem_shared>>)
      tpu.yield
    }) : () -> ()
    %barrier3A = arith.constant 0 : index
    tpu.barrier barrier_id(%barrier3A)
    %mul3A_23 = arith.constant 80 : i32
    %mul3A_24 = arith.muli %add3A, %mul3A_23 : i32
    %add3A_25 = arith.constant 0 : i32
    %add3A_26 = arith.addi %mul3A_24, %add3A_25 : i32
    "tpu.region"() ({
      %run_scoped3A_221 = tpu.sem_alloc : memref<!tpu.dma_semaphore, #tpu.memory_space<semaphore_mem>>
      %dma_start3A_222 = arith.constant 0 : i32
      %dma_start3A_223 = tpu.memref_slice %arg3[%add3A_26, %dma_start3A_222] : memref<2560x128xi32, #tpu.memory_space<hbm>> -> memref<16x128xi32, #tpu.memory_space<hbm>>
      %dma_start3A_224 = arith.constant 0 : i32
      %dma_start3A_225 = tpu.memref_slice %arg3[%add3A_26, %dma_start3A_224] : memref<2560x128xi32, #tpu.memory_space<hbm>> -> memref<16x128xi32, #tpu.memory_space<hbm>>
      tpu.enqueue_dma source(%dma_start3A_225 : memref<16x128xi32, #tpu.memory_space<hbm>>) target(%arg7 : memref<16x128xi32, #tpu.memory_space<vmem>>) target_semaphore(%run_scoped3A_221 : memref<!tpu.dma_semaphore, #tpu.memory_space<semaphore_mem>>)
      %dma_wait3A_226 = arith.constant 0 : i32
      %dma_wait3A_227 = tpu.memref_slice %arg3[%add3A_26, %dma_wait3A_226] : memref<2560x128xi32, #tpu.memory_space<hbm>> -> memref<16x128xi32, #tpu.memory_space<hbm>>
      %dma_wait3A_228 = arith.constant 0 : i32
      %dma_wait3A_229 = tpu.memref_slice %arg3[%add3A_26, %dma_wait3A_228] : memref<2560x128xi32, #tpu.memory_space<hbm>> -> memref<16x128xi32, #tpu.memory_space<hbm>>
      tpu.wait_dma2 semaphore(%run_scoped3A_221 : memref<!tpu.dma_semaphore, #tpu.memory_space<semaphore_mem>>) src(%dma_wait3A_229 : memref<16x128xi32, #tpu.memory_space<hbm>>) dst(%arg7 : memref<16x128xi32, #tpu.memory_space<vmem>>)
      tpu.yield
    }) : () -> ()
    "tpu.region"() ({
      %run_scoped3A_221 = tpu.sem_alloc : memref<!tpu.dma_semaphore, #tpu.memory_space<semaphore_mem>>
      %dma_start3A_222 = arith.constant 0 : i32
      %dma_start3A_223 = tpu.memref_slice %arg4[%add3A_26, %dma_start3A_222] : memref<2560x128xi32, #tpu.memory_space<hbm>> -> memref<16x128xi32, #tpu.memory_space<hbm>>
      %dma_start3A_224 = arith.constant 0 : i32
      %dma_start3A_225 = tpu.memref_slice %arg4[%add3A_26, %dma_start3A_224] : memref<2560x128xi32, #tpu.memory_space<hbm>> -> memref<16x128xi32, #tpu.memory_space<hbm>>
      tpu.enqueue_dma source(%dma_start3A_225 : memref<16x128xi32, #tpu.memory_space<hbm>>) target(%arg8 : memref<16x128xi32, #tpu.memory_space<vmem>>) target_semaphore(%run_scoped3A_221 : memref<!tpu.dma_semaphore, #tpu.memory_space<semaphore_mem>>)
      %dma_wait3A_226 = arith.constant 0 : i32
      %dma_wait3A_227 = tpu.memref_slice %arg4[%add3A_26, %dma_wait3A_226] : memref<2560x128xi32, #tpu.memory_space<hbm>> -> memref<16x128xi32, #tpu.memory_space<hbm>>
      %dma_wait3A_228 = arith.constant 0 : i32
      %dma_wait3A_229 = tpu.memref_slice %arg4[%add3A_26, %dma_wait3A_228] : memref<2560x128xi32, #tpu.memory_space<hbm>> -> memref<16x128xi32, #tpu.memory_space<hbm>>
      tpu.wait_dma2 semaphore(%run_scoped3A_221 : memref<!tpu.dma_semaphore, #tpu.memory_space<semaphore_mem>>) src(%dma_wait3A_229 : memref<16x128xi32, #tpu.memory_space<hbm>>) dst(%arg8 : memref<16x128xi32, #tpu.memory_space<vmem>>)
      tpu.yield
    }) : () -> ()
    %dma_start3A = arith.constant 0 : i32
    %dma_start3A_27 = arith.constant 0 : i32
    %dma_start3A_28 = arith.constant 0 : i32
    %dma_start3A_29 = arith.constant 0 : i32
    %dma_start3A_30 = arith.constant 0 : i32
    %dma_start3A_31 = tpu.memref_slice %arg9[%dma_start3A_27, %dma_start3A_29, %dma_start3A_30] : memref<2x128x128xf32, #tpu.memory_space<vmem>> -> memref<1x128x128xf32, #tpu.memory_space<vmem>>
    %dma_start3A_32 = tpu.memref_squeeze %dma_start3A_31 : memref<1x128x128xf32, #tpu.memory_space<vmem>> -> memref<128x128xf32, #tpu.memory_space<vmem>>
    %dma_start3A_33 = arith.constant 0 : i32
    %dma_start3A_34 = tpu.memref_slice %arg7[%dma_start3A, %dma_start3A_33] : memref<16x128xi32, #tpu.memory_space<vmem>> -> memref<1x128xi32, #tpu.memory_space<vmem>>
    %dma_start3A_35 = tpu.memref_squeeze %dma_start3A_34 : memref<1x128xi32, #tpu.memory_space<vmem>> -> memref<128xi32, #tpu.memory_space<vmem>>
    %dma_start3A_36 = arith.constant 0 : i32
    %dma_start3A_37 = arith.constant 0 : i32
    %dma_start3A_38 = tpu.memref_slice %arg2[%dma_start3A_36, %dma_start3A_37] : memref<10000x128xf32, #tpu.memory_space<hbm>> -> memref<10000x128xf32, #tpu.memory_space<hbm>>
    %dma_start3A_39 = tpu.memref_slice %arg10[%dma_start3A_28] : memref<2x!tpu.dma_semaphore, #tpu.memory_space<semaphore_mem>> -> memref<1x!tpu.dma_semaphore, #tpu.memory_space<semaphore_mem>>
    %dma_start3A_40 = tpu.memref_squeeze %dma_start3A_39 : memref<1x!tpu.dma_semaphore, #tpu.memory_space<semaphore_mem>> -> memref<!tpu.dma_semaphore, #tpu.memory_space<semaphore_mem>>
    tpu.enqueue_indirect_dma source(%dma_start3A_38 : memref<10000x128xf32, #tpu.memory_space<hbm>>) target(%dma_start3A_32 : memref<128x128xf32, #tpu.memory_space<vmem>>) offsets(%dma_start3A_35 : memref<128xi32, #tpu.memory_space<vmem>>) semaphore(%dma_start3A_40 : memref<!tpu.dma_semaphore, #tpu.memory_space<semaphore_mem>>)
    %scan3A_41 = arith.constant 0 : i32
    %scan3A_42 = arith.constant 0 : i32
    %scan3A_43 = arith.constant 8 : i32
    %scan3A_44 = arith.addi %scan3A_42, %scan3A_43 : i32
    %scan3A_45 = arith.constant 1 : i32
    %scan3A_46 = scf.for %scan3A_221 = %scan3A_42 to %scan3A_44 step %scan3A_45 iter_args(%scan3A_222 = %scan3A_41) -> (i32)  : i32 {
      %mul3A_223 = arith.constant 2 : i32
      %mul3A_224 = arith.muli %mul3A_223, %scan3A_221 : i32
      %dma_wait3A_225 = arith.constant 0 : i32
      %dma_wait3A_226 = arith.constant 0 : i32
      %dma_wait3A_227 = arith.constant 0 : i32
      %dma_wait3A_228 = arith.constant 0 : i32
      %dma_wait3A_229 = tpu.memref_slice %arg9[%dma_wait3A_225, %dma_wait3A_227, %dma_wait3A_228] : memref<2x128x128xf32, #tpu.memory_space<vmem>> -> memref<1x128x128xf32, #tpu.memory_space<vmem>>
      %dma_wait3A_230 = tpu.memref_squeeze %dma_wait3A_229 : memref<1x128x128xf32, #tpu.memory_space<vmem>> -> memref<128x128xf32, #tpu.memory_space<vmem>>
      %dma_wait3A_231 = arith.constant 0 : i32
      %dma_wait3A_232 = tpu.memref_slice %arg7[%mul3A_224, %dma_wait3A_231] : memref<16x128xi32, #tpu.memory_space<vmem>> -> memref<1x128xi32, #tpu.memory_space<vmem>>
      %dma_wait3A_233 = tpu.memref_squeeze %dma_wait3A_232 : memref<1x128xi32, #tpu.memory_space<vmem>> -> memref<128xi32, #tpu.memory_space<vmem>>
      %dma_wait3A_234 = arith.constant 0 : i32
      %dma_wait3A_235 = arith.constant 0 : i32
      %dma_wait3A_236 = tpu.memref_slice %arg2[%dma_wait3A_234, %dma_wait3A_235] : memref<10000x128xf32, #tpu.memory_space<hbm>> -> memref<10000x128xf32, #tpu.memory_space<hbm>>
      %dma_wait3A_237 = tpu.memref_slice %arg10[%dma_wait3A_226] : memref<2x!tpu.dma_semaphore, #tpu.memory_space<semaphore_mem>> -> memref<1x!tpu.dma_semaphore, #tpu.memory_space<semaphore_mem>>
      %dma_wait3A_238 = tpu.memref_squeeze %dma_wait3A_237 : memref<1x!tpu.dma_semaphore, #tpu.memory_space<semaphore_mem>> -> memref<!tpu.dma_semaphore, #tpu.memory_space<semaphore_mem>>
      tpu.wait_indirect_dma semaphore(%dma_wait3A_238 : memref<!tpu.dma_semaphore, #tpu.memory_space<semaphore_mem>>) src(%dma_wait3A_236 : memref<10000x128xf32, #tpu.memory_space<hbm>>) dst(%dma_wait3A_230 : memref<128x128xf32, #tpu.memory_space<vmem>>)
      %dma_start3A_239 = arith.constant 0 : i32
      %dma_start3A_240 = arith.constant 0 : i32
      %dma_start3A_241 = arith.constant 0 : i32
      %dma_start3A_242 = arith.constant 0 : i32
      %dma_start3A_243 = tpu.memref_slice %arg9[%dma_start3A_239, %dma_start3A_241, %dma_start3A_242] : memref<2x128x128xf32, #tpu.memory_space<vmem>> -> memref<1x128x128xf32, #tpu.memory_space<vmem>>
      %dma_start3A_244 = tpu.memref_squeeze %dma_start3A_243 : memref<1x128x128xf32, #tpu.memory_space<vmem>> -> memref<128x128xf32, #tpu.memory_space<vmem>>
      %dma_start3A_245 = arith.constant 0 : i32
      %dma_start3A_246 = tpu.memref_slice %arg8[%mul3A_224, %dma_start3A_245] : memref<16x128xi32, #tpu.memory_space<vmem>> -> memref<1x128xi32, #tpu.memory_space<vmem>>
      %dma_start3A_247 = tpu.memref_squeeze %dma_start3A_246 : memref<1x128xi32, #tpu.memory_space<vmem>> -> memref<128xi32, #tpu.memory_space<vmem>>
      %dma_start3A_248 = arith.constant 0 : i32
      %dma_start3A_249 = arith.constant 0 : i32
      %dma_start3A_250 = tpu.memref_slice %arg6[%dma_start3A_248, %dma_start3A_249] : memref<10240x128xf32, #tpu.memory_space<vmem_shared>> -> memref<10240x128xf32, #tpu.memory_space<vmem_shared>>
      %dma_start3A_251 = tpu.memref_slice %arg11[%dma_start3A_240] : memref<2x!tpu.dma_semaphore, #tpu.memory_space<semaphore_mem>> -> memref<1x!tpu.dma_semaphore, #tpu.memory_space<semaphore_mem>>
      %dma_start3A_252 = tpu.memref_squeeze %dma_start3A_251 : memref<1x!tpu.dma_semaphore, #tpu.memory_space<semaphore_mem>> -> memref<!tpu.dma_semaphore, #tpu.memory_space<semaphore_mem>>
      tpu.enqueue_indirect_dma source(%dma_start3A_244 : memref<128x128xf32, #tpu.memory_space<vmem>>) target(%dma_start3A_250 : memref<10240x128xf32, #tpu.memory_space<vmem_shared>>) offsets(%dma_start3A_247 : memref<128xi32, #tpu.memory_space<vmem>>) semaphore(%dma_start3A_252 : memref<!tpu.dma_semaphore, #tpu.memory_space<semaphore_mem>>) {add = true}
      %gt3A = arith.constant 0 : i32
      %gt3A_253 = arith.cmpi sgt, %scan3A_221, %gt3A : i32
      %convert_element_type3A = arith.extui %gt3A_253 : i1 to i32
      %cond3A = arith.constant 0 : i32
      %cond3A_254 = arith.cmpi ne, %convert_element_type3A, %cond3A : i32
      scf.if %cond3A_254 {
        %sub3A = arith.constant 1 : i32
        %sub3A_322 = arith.subi %mul3A_224, %sub3A : i32
        %dma_wait3A_323 = arith.constant 1 : i32
        %dma_wait3A_324 = arith.constant 1 : i32
        %dma_wait3A_325 = arith.constant 0 : i32
        %dma_wait3A_326 = arith.constant 0 : i32
        %dma_wait3A_327 = tpu.memref_slice %arg9[%dma_wait3A_323, %dma_wait3A_325, %dma_wait3A_326] : memref<2x128x128xf32, #tpu.memory_space<vmem>> -> memref<1x128x128xf32, #tpu.memory_space<vmem>>
        %dma_wait3A_328 = tpu.memref_squeeze %dma_wait3A_327 : memref<1x128x128xf32, #tpu.memory_space<vmem>> -> memref<128x128xf32, #tpu.memory_space<vmem>>
        %dma_wait3A_329 = arith.constant 0 : i32
        %dma_wait3A_330 = tpu.memref_slice %arg8[%sub3A_322, %dma_wait3A_329] : memref<16x128xi32, #tpu.memory_space<vmem>> -> memref<1x128xi32, #tpu.memory_space<vmem>>
        %dma_wait3A_331 = tpu.memref_squeeze %dma_wait3A_330 : memref<1x128xi32, #tpu.memory_space<vmem>> -> memref<128xi32, #tpu.memory_space<vmem>>
        %dma_wait3A_332 = arith.constant 0 : i32
        %dma_wait3A_333 = arith.constant 0 : i32
        %dma_wait3A_334 = tpu.memref_slice %arg6[%dma_wait3A_332, %dma_wait3A_333] : memref<10240x128xf32, #tpu.memory_space<vmem_shared>> -> memref<10240x128xf32, #tpu.memory_space<vmem_shared>>
        %dma_wait3A_335 = tpu.memref_slice %arg11[%dma_wait3A_324] : memref<2x!tpu.dma_semaphore, #tpu.memory_space<semaphore_mem>> -> memref<1x!tpu.dma_semaphore, #tpu.memory_space<semaphore_mem>>
        %dma_wait3A_336 = tpu.memref_squeeze %dma_wait3A_335 : memref<1x!tpu.dma_semaphore, #tpu.memory_space<semaphore_mem>> -> memref<!tpu.dma_semaphore, #tpu.memory_space<semaphore_mem>>
        tpu.wait_indirect_dma semaphore(%dma_wait3A_336 : memref<!tpu.dma_semaphore, #tpu.memory_space<semaphore_mem>>) src(%dma_wait3A_328 : memref<128x128xf32, #tpu.memory_space<vmem>>) dst(%dma_wait3A_334 : memref<10240x128xf32, #tpu.memory_space<vmem_shared>>)
      } else {
      }
      %add3A_255 = arith.constant 1 : i32
      %add3A_256 = arith.addi %mul3A_224, %add3A_255 : i32
      %dma_start3A_257 = arith.constant 1 : i32
      %dma_start3A_258 = arith.constant 1 : i32
      %dma_start3A_259 = arith.constant 0 : i32
      %dma_start3A_260 = arith.constant 0 : i32
      %dma_start3A_261 = tpu.memref_slice %arg9[%dma_start3A_257, %dma_start3A_259, %dma_start3A_260] : memref<2x128x128xf32, #tpu.memory_space<vmem>> -> memref<1x128x128xf32, #tpu.memory_space<vmem>>
      %dma_start3A_262 = tpu.memref_squeeze %dma_start3A_261 : memref<1x128x128xf32, #tpu.memory_space<vmem>> -> memref<128x128xf32, #tpu.memory_space<vmem>>
      %dma_start3A_263 = arith.constant 0 : i32
      %dma_start3A_264 = tpu.memref_slice %arg7[%add3A_256, %dma_start3A_263] : memref<16x128xi32, #tpu.memory_space<vmem>> -> memref<1x128xi32, #tpu.memory_space<vmem>>
      %dma_start3A_265 = tpu.memref_squeeze %dma_start3A_264 : memref<1x128xi32, #tpu.memory_space<vmem>> -> memref<128xi32, #tpu.memory_space<vmem>>
      %dma_start3A_266 = arith.constant 0 : i32
      %dma_start3A_267 = arith.constant 0 : i32
      %dma_start3A_268 = tpu.memref_slice %arg2[%dma_start3A_266, %dma_start3A_267] : memref<10000x128xf32, #tpu.memory_space<hbm>> -> memref<10000x128xf32, #tpu.memory_space<hbm>>
      %dma_start3A_269 = tpu.memref_slice %arg10[%dma_start3A_258] : memref<2x!tpu.dma_semaphore, #tpu.memory_space<semaphore_mem>> -> memref<1x!tpu.dma_semaphore, #tpu.memory_space<semaphore_mem>>
      %dma_start3A_270 = tpu.memref_squeeze %dma_start3A_269 : memref<1x!tpu.dma_semaphore, #tpu.memory_space<semaphore_mem>> -> memref<!tpu.dma_semaphore, #tpu.memory_space<semaphore_mem>>
      tpu.enqueue_indirect_dma source(%dma_start3A_268 : memref<10000x128xf32, #tpu.memory_space<hbm>>) target(%dma_start3A_262 : memref<128x128xf32, #tpu.memory_space<vmem>>) offsets(%dma_start3A_265 : memref<128xi32, #tpu.memory_space<vmem>>) semaphore(%dma_start3A_270 : memref<!tpu.dma_semaphore, #tpu.memory_space<semaphore_mem>>)
      %add3A_271 = arith.constant 1 : i32
      %add3A_272 = arith.addi %mul3A_224, %add3A_271 : i32
      %dma_wait3A_273 = arith.constant 1 : i32
      %dma_wait3A_274 = arith.constant 1 : i32
      %dma_wait3A_275 = arith.constant 0 : i32
      %dma_wait3A_276 = arith.constant 0 : i32
      %dma_wait3A_277 = tpu.memref_slice %arg9[%dma_wait3A_273, %dma_wait3A_275, %dma_wait3A_276] : memref<2x128x128xf32, #tpu.memory_space<vmem>> -> memref<1x128x128xf32, #tpu.memory_space<vmem>>
      %dma_wait3A_278 = tpu.memref_squeeze %dma_wait3A_277 : memref<1x128x128xf32, #tpu.memory_space<vmem>> -> memref<128x128xf32, #tpu.memory_space<vmem>>
      %dma_wait3A_279 = arith.constant 0 : i32
      %dma_wait3A_280 = tpu.memref_slice %arg7[%add3A_272, %dma_wait3A_279] : memref<16x128xi32, #tpu.memory_space<vmem>> -> memref<1x128xi32, #tpu.memory_space<vmem>>
      %dma_wait3A_281 = tpu.memref_squeeze %dma_wait3A_280 : memref<1x128xi32, #tpu.memory_space<vmem>> -> memref<128xi32, #tpu.memory_space<vmem>>
      %dma_wait3A_282 = arith.constant 0 : i32
      %dma_wait3A_283 = arith.constant 0 : i32
      %dma_wait3A_284 = tpu.memref_slice %arg2[%dma_wait3A_282, %dma_wait3A_283] : memref<10000x128xf32, #tpu.memory_space<hbm>> -> memref<10000x128xf32, #tpu.memory_space<hbm>>
      %dma_wait3A_285 = tpu.memref_slice %arg10[%dma_wait3A_274] : memref<2x!tpu.dma_semaphore, #tpu.memory_space<semaphore_mem>> -> memref<1x!tpu.dma_semaphore, #tpu.memory_space<semaphore_mem>>
      %dma_wait3A_286 = tpu.memref_squeeze %dma_wait3A_285 : memref<1x!tpu.dma_semaphore, #tpu.memory_space<semaphore_mem>> -> memref<!tpu.dma_semaphore, #tpu.memory_space<semaphore_mem>>
      tpu.wait_indirect_dma semaphore(%dma_wait3A_286 : memref<!tpu.dma_semaphore, #tpu.memory_space<semaphore_mem>>) src(%dma_wait3A_284 : memref<10000x128xf32, #tpu.memory_space<hbm>>) dst(%dma_wait3A_278 : memref<128x128xf32, #tpu.memory_space<vmem>>)
      %add3A_287 = arith.constant 1 : i32
      %add3A_288 = arith.addi %mul3A_224, %add3A_287 : i32
      %dma_start3A_289 = arith.constant 1 : i32
      %dma_start3A_290 = arith.constant 1 : i32
      %dma_start3A_291 = arith.constant 0 : i32
      %dma_start3A_292 = arith.constant 0 : i32
      %dma_start3A_293 = tpu.memref_slice %arg9[%dma_start3A_289, %dma_start3A_291, %dma_start3A_292] : memref<2x128x128xf32, #tpu.memory_space<vmem>> -> memref<1x128x128xf32, #tpu.memory_space<vmem>>
      %dma_start3A_294 = tpu.memref_squeeze %dma_start3A_293 : memref<1x128x128xf32, #tpu.memory_space<vmem>> -> memref<128x128xf32, #tpu.memory_space<vmem>>
      %dma_start3A_295 = arith.constant 0 : i32
      %dma_start3A_296 = tpu.memref_slice %arg8[%add3A_288, %dma_start3A_295] : memref<16x128xi32, #tpu.memory_space<vmem>> -> memref<1x128xi32, #tpu.memory_space<vmem>>
      %dma_start3A_297 = tpu.memref_squeeze %dma_start3A_296 : memref<1x128xi32, #tpu.memory_space<vmem>> -> memref<128xi32, #tpu.memory_space<vmem>>
      %dma_start3A_298 = arith.constant 0 : i32
      %dma_start3A_299 = arith.constant 0 : i32
      %dma_start3A_300 = tpu.memref_slice %arg6[%dma_start3A_298, %dma_start3A_299] : memref<10240x128xf32, #tpu.memory_space<vmem_shared>> -> memref<10240x128xf32, #tpu.memory_space<vmem_shared>>
      %dma_start3A_301 = tpu.memref_slice %arg11[%dma_start3A_290] : memref<2x!tpu.dma_semaphore, #tpu.memory_space<semaphore_mem>> -> memref<1x!tpu.dma_semaphore, #tpu.memory_space<semaphore_mem>>
      %dma_start3A_302 = tpu.memref_squeeze %dma_start3A_301 : memref<1x!tpu.dma_semaphore, #tpu.memory_space<semaphore_mem>> -> memref<!tpu.dma_semaphore, #tpu.memory_space<semaphore_mem>>
      tpu.enqueue_indirect_dma source(%dma_start3A_294 : memref<128x128xf32, #tpu.memory_space<vmem>>) target(%dma_start3A_300 : memref<10240x128xf32, #tpu.memory_space<vmem_shared>>) offsets(%dma_start3A_297 : memref<128xi32, #tpu.memory_space<vmem>>) semaphore(%dma_start3A_302 : memref<!tpu.dma_semaphore, #tpu.memory_space<semaphore_mem>>) {add = true}
      %dma_wait3A_303 = arith.constant 0 : i32
      %dma_wait3A_304 = arith.constant 0 : i32
      %dma_wait3A_305 = arith.constant 0 : i32
      %dma_wait3A_306 = arith.constant 0 : i32
      %dma_wait3A_307 = tpu.memref_slice %arg9[%dma_wait3A_303, %dma_wait3A_305, %dma_wait3A_306] : memref<2x128x128xf32, #tpu.memory_space<vmem>> -> memref<1x128x128xf32, #tpu.memory_space<vmem>>
      %dma_wait3A_308 = tpu.memref_squeeze %dma_wait3A_307 : memref<1x128x128xf32, #tpu.memory_space<vmem>> -> memref<128x128xf32, #tpu.memory_space<vmem>>
      %dma_wait3A_309 = arith.constant 0 : i32
      %dma_wait3A_310 = tpu.memref_slice %arg8[%mul3A_224, %dma_wait3A_309] : memref<16x128xi32, #tpu.memory_space<vmem>> -> memref<1x128xi32, #tpu.memory_space<vmem>>
      %dma_wait3A_311 = tpu.memref_squeeze %dma_wait3A_310 : memref<1x128xi32, #tpu.memory_space<vmem>> -> memref<128xi32, #tpu.memory_space<vmem>>
      %dma_wait3A_312 = arith.constant 0 : i32
      %dma_wait3A_313 = arith.constant 0 : i32
      %dma_wait3A_314 = tpu.memref_slice %arg6[%dma_wait3A_312, %dma_wait3A_313] : memref<10240x128xf32, #tpu.memory_space<vmem_shared>> -> memref<10240x128xf32, #tpu.memory_space<vmem_shared>>
      %dma_wait3A_315 = tpu.memref_slice %arg11[%dma_wait3A_304] : memref<2x!tpu.dma_semaphore, #tpu.memory_space<semaphore_mem>> -> memref<1x!tpu.dma_semaphore, #tpu.memory_space<semaphore_mem>>
      %dma_wait3A_316 = tpu.memref_squeeze %dma_wait3A_315 : memref<1x!tpu.dma_semaphore, #tpu.memory_space<semaphore_mem>> -> memref<!tpu.dma_semaphore, #tpu.memory_space<semaphore_mem>>
      tpu.wait_indirect_dma semaphore(%dma_wait3A_316 : memref<!tpu.dma_semaphore, #tpu.memory_space<semaphore_mem>>) src(%dma_wait3A_308 : memref<128x128xf32, #tpu.memory_space<vmem>>) dst(%dma_wait3A_314 : memref<10240x128xf32, #tpu.memory_space<vmem_shared>>)
      %lt3A = arith.constant 7 : i32
      %lt3A_317 = arith.cmpi slt, %scan3A_221, %lt3A : i32
      %convert_element_type3A_318 = arith.extui %lt3A_317 : i1 to i32
      %cond3A_319 = arith.constant 0 : i32
      %cond3A_320 = arith.cmpi ne, %convert_element_type3A_318, %cond3A_319 : i32
      scf.if %cond3A_320 {
        %add3A_322 = arith.constant 2 : i32
        %add3A_323 = arith.addi %mul3A_224, %add3A_322 : i32
        %dma_start3A_324 = arith.constant 0 : i32
        %dma_start3A_325 = arith.constant 0 : i32
        %dma_start3A_326 = arith.constant 0 : i32
        %dma_start3A_327 = arith.constant 0 : i32
        %dma_start3A_328 = tpu.memref_slice %arg9[%dma_start3A_324, %dma_start3A_326, %dma_start3A_327] : memref<2x128x128xf32, #tpu.memory_space<vmem>> -> memref<1x128x128xf32, #tpu.memory_space<vmem>>
        %dma_start3A_329 = tpu.memref_squeeze %dma_start3A_328 : memref<1x128x128xf32, #tpu.memory_space<vmem>> -> memref<128x128xf32, #tpu.memory_space<vmem>>
        %dma_start3A_330 = arith.constant 0 : i32
        %dma_start3A_331 = tpu.memref_slice %arg7[%add3A_323, %dma_start3A_330] : memref<16x128xi32, #tpu.memory_space<vmem>> -> memref<1x128xi32, #tpu.memory_space<vmem>>
        %dma_start3A_332 = tpu.memref_squeeze %dma_start3A_331 : memref<1x128xi32, #tpu.memory_space<vmem>> -> memref<128xi32, #tpu.memory_space<vmem>>
        %dma_start3A_333 = arith.constant 0 : i32
        %dma_start3A_334 = arith.constant 0 : i32
        %dma_start3A_335 = tpu.memref_slice %arg2[%dma_start3A_333, %dma_start3A_334] : memref<10000x128xf32, #tpu.memory_space<hbm>> -> memref<10000x128xf32, #tpu.memory_space<hbm>>
        %dma_start3A_336 = tpu.memref_slice %arg10[%dma_start3A_325] : memref<2x!tpu.dma_semaphore, #tpu.memory_space<semaphore_mem>> -> memref<1x!tpu.dma_semaphore, #tpu.memory_space<semaphore_mem>>
        %dma_start3A_337 = tpu.memref_squeeze %dma_start3A_336 : memref<1x!tpu.dma_semaphore, #tpu.memory_space<semaphore_mem>> -> memref<!tpu.dma_semaphore, #tpu.memory_space<semaphore_mem>>
        tpu.enqueue_indirect_dma source(%dma_start3A_335 : memref<10000x128xf32, #tpu.memory_space<hbm>>) target(%dma_start3A_329 : memref<128x128xf32, #tpu.memory_space<vmem>>) offsets(%dma_start3A_332 : memref<128xi32, #tpu.memory_space<vmem>>) semaphore(%dma_start3A_337 : memref<!tpu.dma_semaphore, #tpu.memory_space<semaphore_mem>>)
      } else {
      }
      %scan3A_321 = arith.constant 0 : i32
      scf.yield %scan3A_321 : i32
    }
    %scan3A_47 = arith.constant 8 : i32
    %dma_wait3A = arith.constant 1 : i32
    %dma_wait3A_48 = arith.constant 15 : i32
    %dma_wait3A_49 = arith.constant 1 : i32
    %dma_wait3A_50 = arith.constant 0 : i32
    %dma_wait3A_51 = arith.constant 0 : i32
    %dma_wait3A_52 = tpu.memref_slice %arg9[%dma_wait3A, %dma_wait3A_50, %dma_wait3A_51] : memref<2x128x128xf32, #tpu.memory_space<vmem>> -> memref<1x128x128xf32, #tpu.memory_space<vmem>>
    %dma_wait3A_53 = tpu.memref_squeeze %dma_wait3A_52 : memref<1x128x128xf32, #tpu.memory_space<vmem>> -> memref<128x128xf32, #tpu.memory_space<vmem>>
    %dma_wait3A_54 = arith.constant 0 : i32
    %dma_wait3A_55 = tpu.memref_slice %arg8[%dma_wait3A_48, %dma_wait3A_54] : memref<16x128xi32, #tpu.memory_space<vmem>> -> memref<1x128xi32, #tpu.memory_space<vmem>>
    %dma_wait3A_56 = tpu.memref_squeeze %dma_wait3A_55 : memref<1x128xi32, #tpu.memory_space<vmem>> -> memref<128xi32, #tpu.memory_space<vmem>>
    %dma_wait3A_57 = arith.constant 0 : i32
    %dma_wait3A_58 = arith.constant 0 : i32
    %dma_wait3A_59 = tpu.memref_slice %arg6[%dma_wait3A_57, %dma_wait3A_58] : memref<10240x128xf32, #tpu.memory_space<vmem_shared>> -> memref<10240x128xf32, #tpu.memory_space<vmem_shared>>
    %dma_wait3A_60 = tpu.memref_slice %arg11[%dma_wait3A_49] : memref<2x!tpu.dma_semaphore, #tpu.memory_space<semaphore_mem>> -> memref<1x!tpu.dma_semaphore, #tpu.memory_space<semaphore_mem>>
    %dma_wait3A_61 = tpu.memref_squeeze %dma_wait3A_60 : memref<1x!tpu.dma_semaphore, #tpu.memory_space<semaphore_mem>> -> memref<!tpu.dma_semaphore, #tpu.memory_space<semaphore_mem>>
    tpu.wait_indirect_dma semaphore(%dma_wait3A_61 : memref<!tpu.dma_semaphore, #tpu.memory_space<semaphore_mem>>) src(%dma_wait3A_53 : memref<128x128xf32, #tpu.memory_space<vmem>>) dst(%dma_wait3A_59 : memref<10240x128xf32, #tpu.memory_space<vmem_shared>>)
    %add3A_62 = arith.constant 16 : i32
    %add3A_63 = arith.addi %mul3A_24, %add3A_62 : i32
    "tpu.region"() ({
      %run_scoped3A_221 = tpu.sem_alloc : memref<!tpu.dma_semaphore, #tpu.memory_space<semaphore_mem>>
      %dma_start3A_222 = arith.constant 0 : i32
      %dma_start3A_223 = tpu.memref_slice %arg3[%add3A_63, %dma_start3A_222] : memref<2560x128xi32, #tpu.memory_space<hbm>> -> memref<16x128xi32, #tpu.memory_space<hbm>>
      %dma_start3A_224 = arith.constant 0 : i32
      %dma_start3A_225 = tpu.memref_slice %arg3[%add3A_63, %dma_start3A_224] : memref<2560x128xi32, #tpu.memory_space<hbm>> -> memref<16x128xi32, #tpu.memory_space<hbm>>
      tpu.enqueue_dma source(%dma_start3A_225 : memref<16x128xi32, #tpu.memory_space<hbm>>) target(%arg7 : memref<16x128xi32, #tpu.memory_space<vmem>>) target_semaphore(%run_scoped3A_221 : memref<!tpu.dma_semaphore, #tpu.memory_space<semaphore_mem>>)
      %dma_wait3A_226 = arith.constant 0 : i32
      %dma_wait3A_227 = tpu.memref_slice %arg3[%add3A_63, %dma_wait3A_226] : memref<2560x128xi32, #tpu.memory_space<hbm>> -> memref<16x128xi32, #tpu.memory_space<hbm>>
      %dma_wait3A_228 = arith.constant 0 : i32
      %dma_wait3A_229 = tpu.memref_slice %arg3[%add3A_63, %dma_wait3A_228] : memref<2560x128xi32, #tpu.memory_space<hbm>> -> memref<16x128xi32, #tpu.memory_space<hbm>>
      tpu.wait_dma2 semaphore(%run_scoped3A_221 : memref<!tpu.dma_semaphore, #tpu.memory_space<semaphore_mem>>) src(%dma_wait3A_229 : memref<16x128xi32, #tpu.memory_space<hbm>>) dst(%arg7 : memref<16x128xi32, #tpu.memory_space<vmem>>)
      tpu.yield
    }) : () -> ()
    "tpu.region"() ({
      %run_scoped3A_221 = tpu.sem_alloc : memref<!tpu.dma_semaphore, #tpu.memory_space<semaphore_mem>>
      %dma_start3A_222 = arith.constant 0 : i32
      %dma_start3A_223 = tpu.memref_slice %arg4[%add3A_63, %dma_start3A_222] : memref<2560x128xi32, #tpu.memory_space<hbm>> -> memref<16x128xi32, #tpu.memory_space<hbm>>
      %dma_start3A_224 = arith.constant 0 : i32
      %dma_start3A_225 = tpu.memref_slice %arg4[%add3A_63, %dma_start3A_224] : memref<2560x128xi32, #tpu.memory_space<hbm>> -> memref<16x128xi32, #tpu.memory_space<hbm>>
      tpu.enqueue_dma source(%dma_start3A_225 : memref<16x128xi32, #tpu.memory_space<hbm>>) target(%arg8 : memref<16x128xi32, #tpu.memory_space<vmem>>) target_semaphore(%run_scoped3A_221 : memref<!tpu.dma_semaphore, #tpu.memory_space<semaphore_mem>>)
      %dma_wait3A_226 = arith.constant 0 : i32
      %dma_wait3A_227 = tpu.memref_slice %arg4[%add3A_63, %dma_wait3A_226] : memref<2560x128xi32, #tpu.memory_space<hbm>> -> memref<16x128xi32, #tpu.memory_space<hbm>>
      %dma_wait3A_228 = arith.constant 0 : i32
      %dma_wait3A_229 = tpu.memref_slice %arg4[%add3A_63, %dma_wait3A_228] : memref<2560x128xi32, #tpu.memory_space<hbm>> -> memref<16x128xi32, #tpu.memory_space<hbm>>
      tpu.wait_dma2 semaphore(%run_scoped3A_221 : memref<!tpu.dma_semaphore, #tpu.memory_space<semaphore_mem>>) src(%dma_wait3A_229 : memref<16x128xi32, #tpu.memory_space<hbm>>) dst(%arg8 : memref<16x128xi32, #tpu.memory_space<vmem>>)
      tpu.yield
    }) : () -> ()
    %dma_start3A_64 = arith.constant 0 : i32
    %dma_start3A_65 = arith.constant 0 : i32
    %dma_start3A_66 = arith.constant 0 : i32
    %dma_start3A_67 = arith.constant 0 : i32
    %dma_start3A_68 = arith.constant 0 : i32
    %dma_start3A_69 = tpu.memref_slice %arg9[%dma_start3A_65, %dma_start3A_67, %dma_start3A_68] : memref<2x128x128xf32, #tpu.memory_space<vmem>> -> memref<1x128x128xf32, #tpu.memory_space<vmem>>
    %dma_start3A_70 = tpu.memref_squeeze %dma_start3A_69 : memref<1x128x128xf32, #tpu.memory_space<vmem>> -> memref<128x128xf32, #tpu.memory_space<vmem>>
    %dma_start3A_71 = arith.constant 0 : i32
    %dma_start3A_72 = tpu.memref_slice %arg7[%dma_start3A_64, %dma_start3A_71] : memref<16x128xi32, #tpu.memory_space<vmem>> -> memref<1x128xi32, #tpu.memory_space<vmem>>
    %dma_start3A_73 = tpu.memref_squeeze %dma_start3A_72 : memref<1x128xi32, #tpu.memory_space<vmem>> -> memref<128xi32, #tpu.memory_space<vmem>>
    %dma_start3A_74 = arith.constant 0 : i32
    %dma_start3A_75 = arith.constant 0 : i32
    %dma_start3A_76 = tpu.memref_slice %arg2[%dma_start3A_74, %dma_start3A_75] : memref<10000x128xf32, #tpu.memory_space<hbm>> -> memref<10000x128xf32, #tpu.memory_space<hbm>>
    %dma_start3A_77 = tpu.memref_slice %arg10[%dma_start3A_66] : memref<2x!tpu.dma_semaphore, #tpu.memory_space<semaphore_mem>> -> memref<1x!tpu.dma_semaphore, #tpu.memory_space<semaphore_mem>>
    %dma_start3A_78 = tpu.memref_squeeze %dma_start3A_77 : memref<1x!tpu.dma_semaphore, #tpu.memory_space<semaphore_mem>> -> memref<!tpu.dma_semaphore, #tpu.memory_space<semaphore_mem>>
    tpu.enqueue_indirect_dma source(%dma_start3A_76 : memref<10000x128xf32, #tpu.memory_space<hbm>>) target(%dma_start3A_70 : memref<128x128xf32, #tpu.memory_space<vmem>>) offsets(%dma_start3A_73 : memref<128xi32, #tpu.memory_space<vmem>>) semaphore(%dma_start3A_78 : memref<!tpu.dma_semaphore, #tpu.memory_space<semaphore_mem>>)
    %scan3A_79 = arith.constant 0 : i32
    %scan3A_80 = arith.constant 0 : i32
    %scan3A_81 = arith.constant 8 : i32
    %scan3A_82 = arith.addi %scan3A_80, %scan3A_81 : i32
    %scan3A_83 = arith.constant 1 : i32
    %scan3A_84 = scf.for %scan3A_221 = %scan3A_80 to %scan3A_82 step %scan3A_83 iter_args(%scan3A_222 = %scan3A_79) -> (i32)  : i32 {
      %mul3A_223 = arith.constant 2 : i32
      %mul3A_224 = arith.muli %mul3A_223, %scan3A_221 : i32
      %dma_wait3A_225 = arith.constant 0 : i32
      %dma_wait3A_226 = arith.constant 0 : i32
      %dma_wait3A_227 = arith.constant 0 : i32
      %dma_wait3A_228 = arith.constant 0 : i32
      %dma_wait3A_229 = tpu.memref_slice %arg9[%dma_wait3A_225, %dma_wait3A_227, %dma_wait3A_228] : memref<2x128x128xf32, #tpu.memory_space<vmem>> -> memref<1x128x128xf32, #tpu.memory_space<vmem>>
      %dma_wait3A_230 = tpu.memref_squeeze %dma_wait3A_229 : memref<1x128x128xf32, #tpu.memory_space<vmem>> -> memref<128x128xf32, #tpu.memory_space<vmem>>
      %dma_wait3A_231 = arith.constant 0 : i32
      %dma_wait3A_232 = tpu.memref_slice %arg7[%mul3A_224, %dma_wait3A_231] : memref<16x128xi32, #tpu.memory_space<vmem>> -> memref<1x128xi32, #tpu.memory_space<vmem>>
      %dma_wait3A_233 = tpu.memref_squeeze %dma_wait3A_232 : memref<1x128xi32, #tpu.memory_space<vmem>> -> memref<128xi32, #tpu.memory_space<vmem>>
      %dma_wait3A_234 = arith.constant 0 : i32
      %dma_wait3A_235 = arith.constant 0 : i32
      %dma_wait3A_236 = tpu.memref_slice %arg2[%dma_wait3A_234, %dma_wait3A_235] : memref<10000x128xf32, #tpu.memory_space<hbm>> -> memref<10000x128xf32, #tpu.memory_space<hbm>>
      %dma_wait3A_237 = tpu.memref_slice %arg10[%dma_wait3A_226] : memref<2x!tpu.dma_semaphore, #tpu.memory_space<semaphore_mem>> -> memref<1x!tpu.dma_semaphore, #tpu.memory_space<semaphore_mem>>
      %dma_wait3A_238 = tpu.memref_squeeze %dma_wait3A_237 : memref<1x!tpu.dma_semaphore, #tpu.memory_space<semaphore_mem>> -> memref<!tpu.dma_semaphore, #tpu.memory_space<semaphore_mem>>
      tpu.wait_indirect_dma semaphore(%dma_wait3A_238 : memref<!tpu.dma_semaphore, #tpu.memory_space<semaphore_mem>>) src(%dma_wait3A_236 : memref<10000x128xf32, #tpu.memory_space<hbm>>) dst(%dma_wait3A_230 : memref<128x128xf32, #tpu.memory_space<vmem>>)
      %dma_start3A_239 = arith.constant 0 : i32
      %dma_start3A_240 = arith.constant 0 : i32
      %dma_start3A_241 = arith.constant 0 : i32
      %dma_start3A_242 = arith.constant 0 : i32
      %dma_start3A_243 = tpu.memref_slice %arg9[%dma_start3A_239, %dma_start3A_241, %dma_start3A_242] : memref<2x128x128xf32, #tpu.memory_space<vmem>> -> memref<1x128x128xf32, #tpu.memory_space<vmem>>
      %dma_start3A_244 = tpu.memref_squeeze %dma_start3A_243 : memref<1x128x128xf32, #tpu.memory_space<vmem>> -> memref<128x128xf32, #tpu.memory_space<vmem>>
      %dma_start3A_245 = arith.constant 0 : i32
      %dma_start3A_246 = tpu.memref_slice %arg8[%mul3A_224, %dma_start3A_245] : memref<16x128xi32, #tpu.memory_space<vmem>> -> memref<1x128xi32, #tpu.memory_space<vmem>>
      %dma_start3A_247 = tpu.memref_squeeze %dma_start3A_246 : memref<1x128xi32, #tpu.memory_space<vmem>> -> memref<128xi32, #tpu.memory_space<vmem>>
      %dma_start3A_248 = arith.constant 0 : i32
      %dma_start3A_249 = arith.constant 0 : i32
      %dma_start3A_250 = tpu.memref_slice %arg6[%dma_start3A_248, %dma_start3A_249] : memref<10240x128xf32, #tpu.memory_space<vmem_shared>> -> memref<10240x128xf32, #tpu.memory_space<vmem_shared>>
      %dma_start3A_251 = tpu.memref_slice %arg11[%dma_start3A_240] : memref<2x!tpu.dma_semaphore, #tpu.memory_space<semaphore_mem>> -> memref<1x!tpu.dma_semaphore, #tpu.memory_space<semaphore_mem>>
      %dma_start3A_252 = tpu.memref_squeeze %dma_start3A_251 : memref<1x!tpu.dma_semaphore, #tpu.memory_space<semaphore_mem>> -> memref<!tpu.dma_semaphore, #tpu.memory_space<semaphore_mem>>
      tpu.enqueue_indirect_dma source(%dma_start3A_244 : memref<128x128xf32, #tpu.memory_space<vmem>>) target(%dma_start3A_250 : memref<10240x128xf32, #tpu.memory_space<vmem_shared>>) offsets(%dma_start3A_247 : memref<128xi32, #tpu.memory_space<vmem>>) semaphore(%dma_start3A_252 : memref<!tpu.dma_semaphore, #tpu.memory_space<semaphore_mem>>) {add = true}
      %gt3A = arith.constant 0 : i32
      %gt3A_253 = arith.cmpi sgt, %scan3A_221, %gt3A : i32
      %convert_element_type3A = arith.extui %gt3A_253 : i1 to i32
      %cond3A = arith.constant 0 : i32
      %cond3A_254 = arith.cmpi ne, %convert_element_type3A, %cond3A : i32
      scf.if %cond3A_254 {
        %sub3A = arith.constant 1 : i32
        %sub3A_322 = arith.subi %mul3A_224, %sub3A : i32
        %dma_wait3A_323 = arith.constant 1 : i32
        %dma_wait3A_324 = arith.constant 1 : i32
        %dma_wait3A_325 = arith.constant 0 : i32
        %dma_wait3A_326 = arith.constant 0 : i32
        %dma_wait3A_327 = tpu.memref_slice %arg9[%dma_wait3A_323, %dma_wait3A_325, %dma_wait3A_326] : memref<2x128x128xf32, #tpu.memory_space<vmem>> -> memref<1x128x128xf32, #tpu.memory_space<vmem>>
        %dma_wait3A_328 = tpu.memref_squeeze %dma_wait3A_327 : memref<1x128x128xf32, #tpu.memory_space<vmem>> -> memref<128x128xf32, #tpu.memory_space<vmem>>
        %dma_wait3A_329 = arith.constant 0 : i32
        %dma_wait3A_330 = tpu.memref_slice %arg8[%sub3A_322, %dma_wait3A_329] : memref<16x128xi32, #tpu.memory_space<vmem>> -> memref<1x128xi32, #tpu.memory_space<vmem>>
        %dma_wait3A_331 = tpu.memref_squeeze %dma_wait3A_330 : memref<1x128xi32, #tpu.memory_space<vmem>> -> memref<128xi32, #tpu.memory_space<vmem>>
        %dma_wait3A_332 = arith.constant 0 : i32
        %dma_wait3A_333 = arith.constant 0 : i32
        %dma_wait3A_334 = tpu.memref_slice %arg6[%dma_wait3A_332, %dma_wait3A_333] : memref<10240x128xf32, #tpu.memory_space<vmem_shared>> -> memref<10240x128xf32, #tpu.memory_space<vmem_shared>>
        %dma_wait3A_335 = tpu.memref_slice %arg11[%dma_wait3A_324] : memref<2x!tpu.dma_semaphore, #tpu.memory_space<semaphore_mem>> -> memref<1x!tpu.dma_semaphore, #tpu.memory_space<semaphore_mem>>
        %dma_wait3A_336 = tpu.memref_squeeze %dma_wait3A_335 : memref<1x!tpu.dma_semaphore, #tpu.memory_space<semaphore_mem>> -> memref<!tpu.dma_semaphore, #tpu.memory_space<semaphore_mem>>
        tpu.wait_indirect_dma semaphore(%dma_wait3A_336 : memref<!tpu.dma_semaphore, #tpu.memory_space<semaphore_mem>>) src(%dma_wait3A_328 : memref<128x128xf32, #tpu.memory_space<vmem>>) dst(%dma_wait3A_334 : memref<10240x128xf32, #tpu.memory_space<vmem_shared>>)
      } else {
      }
      %add3A_255 = arith.constant 1 : i32
      %add3A_256 = arith.addi %mul3A_224, %add3A_255 : i32
      %dma_start3A_257 = arith.constant 1 : i32
      %dma_start3A_258 = arith.constant 1 : i32
      %dma_start3A_259 = arith.constant 0 : i32
      %dma_start3A_260 = arith.constant 0 : i32
      %dma_start3A_261 = tpu.memref_slice %arg9[%dma_start3A_257, %dma_start3A_259, %dma_start3A_260] : memref<2x128x128xf32, #tpu.memory_space<vmem>> -> memref<1x128x128xf32, #tpu.memory_space<vmem>>
      %dma_start3A_262 = tpu.memref_squeeze %dma_start3A_261 : memref<1x128x128xf32, #tpu.memory_space<vmem>> -> memref<128x128xf32, #tpu.memory_space<vmem>>
      %dma_start3A_263 = arith.constant 0 : i32
      %dma_start3A_264 = tpu.memref_slice %arg7[%add3A_256, %dma_start3A_263] : memref<16x128xi32, #tpu.memory_space<vmem>> -> memref<1x128xi32, #tpu.memory_space<vmem>>
      %dma_start3A_265 = tpu.memref_squeeze %dma_start3A_264 : memref<1x128xi32, #tpu.memory_space<vmem>> -> memref<128xi32, #tpu.memory_space<vmem>>
      %dma_start3A_266 = arith.constant 0 : i32
      %dma_start3A_267 = arith.constant 0 : i32
      %dma_start3A_268 = tpu.memref_slice %arg2[%dma_start3A_266, %dma_start3A_267] : memref<10000x128xf32, #tpu.memory_space<hbm>> -> memref<10000x128xf32, #tpu.memory_space<hbm>>
      %dma_start3A_269 = tpu.memref_slice %arg10[%dma_start3A_258] : memref<2x!tpu.dma_semaphore, #tpu.memory_space<semaphore_mem>> -> memref<1x!tpu.dma_semaphore, #tpu.memory_space<semaphore_mem>>
      %dma_start3A_270 = tpu.memref_squeeze %dma_start3A_269 : memref<1x!tpu.dma_semaphore, #tpu.memory_space<semaphore_mem>> -> memref<!tpu.dma_semaphore, #tpu.memory_space<semaphore_mem>>
      tpu.enqueue_indirect_dma source(%dma_start3A_268 : memref<10000x128xf32, #tpu.memory_space<hbm>>) target(%dma_start3A_262 : memref<128x128xf32, #tpu.memory_space<vmem>>) offsets(%dma_start3A_265 : memref<128xi32, #tpu.memory_space<vmem>>) semaphore(%dma_start3A_270 : memref<!tpu.dma_semaphore, #tpu.memory_space<semaphore_mem>>)
      %add3A_271 = arith.constant 1 : i32
      %add3A_272 = arith.addi %mul3A_224, %add3A_271 : i32
      %dma_wait3A_273 = arith.constant 1 : i32
      %dma_wait3A_274 = arith.constant 1 : i32
      %dma_wait3A_275 = arith.constant 0 : i32
      %dma_wait3A_276 = arith.constant 0 : i32
      %dma_wait3A_277 = tpu.memref_slice %arg9[%dma_wait3A_273, %dma_wait3A_275, %dma_wait3A_276] : memref<2x128x128xf32, #tpu.memory_space<vmem>> -> memref<1x128x128xf32, #tpu.memory_space<vmem>>
      %dma_wait3A_278 = tpu.memref_squeeze %dma_wait3A_277 : memref<1x128x128xf32, #tpu.memory_space<vmem>> -> memref<128x128xf32, #tpu.memory_space<vmem>>
      %dma_wait3A_279 = arith.constant 0 : i32
      %dma_wait3A_280 = tpu.memref_slice %arg7[%add3A_272, %dma_wait3A_279] : memref<16x128xi32, #tpu.memory_space<vmem>> -> memref<1x128xi32, #tpu.memory_space<vmem>>
      %dma_wait3A_281 = tpu.memref_squeeze %dma_wait3A_280 : memref<1x128xi32, #tpu.memory_space<vmem>> -> memref<128xi32, #tpu.memory_space<vmem>>
      %dma_wait3A_282 = arith.constant 0 : i32
      %dma_wait3A_283 = arith.constant 0 : i32
      %dma_wait3A_284 = tpu.memref_slice %arg2[%dma_wait3A_282, %dma_wait3A_283] : memref<10000x128xf32, #tpu.memory_space<hbm>> -> memref<10000x128xf32, #tpu.memory_space<hbm>>
      %dma_wait3A_285 = tpu.memref_slice %arg10[%dma_wait3A_274] : memref<2x!tpu.dma_semaphore, #tpu.memory_space<semaphore_mem>> -> memref<1x!tpu.dma_semaphore, #tpu.memory_space<semaphore_mem>>
      %dma_wait3A_286 = tpu.memref_squeeze %dma_wait3A_285 : memref<1x!tpu.dma_semaphore, #tpu.memory_space<semaphore_mem>> -> memref<!tpu.dma_semaphore, #tpu.memory_space<semaphore_mem>>
      tpu.wait_indirect_dma semaphore(%dma_wait3A_286 : memref<!tpu.dma_semaphore, #tpu.memory_space<semaphore_mem>>) src(%dma_wait3A_284 : memref<10000x128xf32, #tpu.memory_space<hbm>>) dst(%dma_wait3A_278 : memref<128x128xf32, #tpu.memory_space<vmem>>)
      %add3A_287 = arith.constant 1 : i32
      %add3A_288 = arith.addi %mul3A_224, %add3A_287 : i32
      %dma_start3A_289 = arith.constant 1 : i32
      %dma_start3A_290 = arith.constant 1 : i32
      %dma_start3A_291 = arith.constant 0 : i32
      %dma_start3A_292 = arith.constant 0 : i32
      %dma_start3A_293 = tpu.memref_slice %arg9[%dma_start3A_289, %dma_start3A_291, %dma_start3A_292] : memref<2x128x128xf32, #tpu.memory_space<vmem>> -> memref<1x128x128xf32, #tpu.memory_space<vmem>>
      %dma_start3A_294 = tpu.memref_squeeze %dma_start3A_293 : memref<1x128x128xf32, #tpu.memory_space<vmem>> -> memref<128x128xf32, #tpu.memory_space<vmem>>
      %dma_start3A_295 = arith.constant 0 : i32
      %dma_start3A_296 = tpu.memref_slice %arg8[%add3A_288, %dma_start3A_295] : memref<16x128xi32, #tpu.memory_space<vmem>> -> memref<1x128xi32, #tpu.memory_space<vmem>>
      %dma_start3A_297 = tpu.memref_squeeze %dma_start3A_296 : memref<1x128xi32, #tpu.memory_space<vmem>> -> memref<128xi32, #tpu.memory_space<vmem>>
      %dma_start3A_298 = arith.constant 0 : i32
      %dma_start3A_299 = arith.constant 0 : i32
      %dma_start3A_300 = tpu.memref_slice %arg6[%dma_start3A_298, %dma_start3A_299] : memref<10240x128xf32, #tpu.memory_space<vmem_shared>> -> memref<10240x128xf32, #tpu.memory_space<vmem_shared>>
      %dma_start3A_301 = tpu.memref_slice %arg11[%dma_start3A_290] : memref<2x!tpu.dma_semaphore, #tpu.memory_space<semaphore_mem>> -> memref<1x!tpu.dma_semaphore, #tpu.memory_space<semaphore_mem>>
      %dma_start3A_302 = tpu.memref_squeeze %dma_start3A_301 : memref<1x!tpu.dma_semaphore, #tpu.memory_space<semaphore_mem>> -> memref<!tpu.dma_semaphore, #tpu.memory_space<semaphore_mem>>
      tpu.enqueue_indirect_dma source(%dma_start3A_294 : memref<128x128xf32, #tpu.memory_space<vmem>>) target(%dma_start3A_300 : memref<10240x128xf32, #tpu.memory_space<vmem_shared>>) offsets(%dma_start3A_297 : memref<128xi32, #tpu.memory_space<vmem>>) semaphore(%dma_start3A_302 : memref<!tpu.dma_semaphore, #tpu.memory_space<semaphore_mem>>) {add = true}
      %dma_wait3A_303 = arith.constant 0 : i32
      %dma_wait3A_304 = arith.constant 0 : i32
      %dma_wait3A_305 = arith.constant 0 : i32
      %dma_wait3A_306 = arith.constant 0 : i32
      %dma_wait3A_307 = tpu.memref_slice %arg9[%dma_wait3A_303, %dma_wait3A_305, %dma_wait3A_306] : memref<2x128x128xf32, #tpu.memory_space<vmem>> -> memref<1x128x128xf32, #tpu.memory_space<vmem>>
      %dma_wait3A_308 = tpu.memref_squeeze %dma_wait3A_307 : memref<1x128x128xf32, #tpu.memory_space<vmem>> -> memref<128x128xf32, #tpu.memory_space<vmem>>
      %dma_wait3A_309 = arith.constant 0 : i32
      %dma_wait3A_310 = tpu.memref_slice %arg8[%mul3A_224, %dma_wait3A_309] : memref<16x128xi32, #tpu.memory_space<vmem>> -> memref<1x128xi32, #tpu.memory_space<vmem>>
      %dma_wait3A_311 = tpu.memref_squeeze %dma_wait3A_310 : memref<1x128xi32, #tpu.memory_space<vmem>> -> memref<128xi32, #tpu.memory_space<vmem>>
      %dma_wait3A_312 = arith.constant 0 : i32
      %dma_wait3A_313 = arith.constant 0 : i32
      %dma_wait3A_314 = tpu.memref_slice %arg6[%dma_wait3A_312, %dma_wait3A_313] : memref<10240x128xf32, #tpu.memory_space<vmem_shared>> -> memref<10240x128xf32, #tpu.memory_space<vmem_shared>>
      %dma_wait3A_315 = tpu.memref_slice %arg11[%dma_wait3A_304] : memref<2x!tpu.dma_semaphore, #tpu.memory_space<semaphore_mem>> -> memref<1x!tpu.dma_semaphore, #tpu.memory_space<semaphore_mem>>
      %dma_wait3A_316 = tpu.memref_squeeze %dma_wait3A_315 : memref<1x!tpu.dma_semaphore, #tpu.memory_space<semaphore_mem>> -> memref<!tpu.dma_semaphore, #tpu.memory_space<semaphore_mem>>
      tpu.wait_indirect_dma semaphore(%dma_wait3A_316 : memref<!tpu.dma_semaphore, #tpu.memory_space<semaphore_mem>>) src(%dma_wait3A_308 : memref<128x128xf32, #tpu.memory_space<vmem>>) dst(%dma_wait3A_314 : memref<10240x128xf32, #tpu.memory_space<vmem_shared>>)
      %lt3A = arith.constant 7 : i32
      %lt3A_317 = arith.cmpi slt, %scan3A_221, %lt3A : i32
      %convert_element_type3A_318 = arith.extui %lt3A_317 : i1 to i32
      %cond3A_319 = arith.constant 0 : i32
      %cond3A_320 = arith.cmpi ne, %convert_element_type3A_318, %cond3A_319 : i32
      scf.if %cond3A_320 {
        %add3A_322 = arith.constant 2 : i32
        %add3A_323 = arith.addi %mul3A_224, %add3A_322 : i32
        %dma_start3A_324 = arith.constant 0 : i32
        %dma_start3A_325 = arith.constant 0 : i32
        %dma_start3A_326 = arith.constant 0 : i32
        %dma_start3A_327 = arith.constant 0 : i32
        %dma_start3A_328 = tpu.memref_slice %arg9[%dma_start3A_324, %dma_start3A_326, %dma_start3A_327] : memref<2x128x128xf32, #tpu.memory_space<vmem>> -> memref<1x128x128xf32, #tpu.memory_space<vmem>>
        %dma_start3A_329 = tpu.memref_squeeze %dma_start3A_328 : memref<1x128x128xf32, #tpu.memory_space<vmem>> -> memref<128x128xf32, #tpu.memory_space<vmem>>
        %dma_start3A_330 = arith.constant 0 : i32
        %dma_start3A_331 = tpu.memref_slice %arg7[%add3A_323, %dma_start3A_330] : memref<16x128xi32, #tpu.memory_space<vmem>> -> memref<1x128xi32, #tpu.memory_space<vmem>>
        %dma_start3A_332 = tpu.memref_squeeze %dma_start3A_331 : memref<1x128xi32, #tpu.memory_space<vmem>> -> memref<128xi32, #tpu.memory_space<vmem>>
        %dma_start3A_333 = arith.constant 0 : i32
        %dma_start3A_334 = arith.constant 0 : i32
        %dma_start3A_335 = tpu.memref_slice %arg2[%dma_start3A_333, %dma_start3A_334] : memref<10000x128xf32, #tpu.memory_space<hbm>> -> memref<10000x128xf32, #tpu.memory_space<hbm>>
        %dma_start3A_336 = tpu.memref_slice %arg10[%dma_start3A_325] : memref<2x!tpu.dma_semaphore, #tpu.memory_space<semaphore_mem>> -> memref<1x!tpu.dma_semaphore, #tpu.memory_space<semaphore_mem>>
        %dma_start3A_337 = tpu.memref_squeeze %dma_start3A_336 : memref<1x!tpu.dma_semaphore, #tpu.memory_space<semaphore_mem>> -> memref<!tpu.dma_semaphore, #tpu.memory_space<semaphore_mem>>
        tpu.enqueue_indirect_dma source(%dma_start3A_335 : memref<10000x128xf32, #tpu.memory_space<hbm>>) target(%dma_start3A_329 : memref<128x128xf32, #tpu.memory_space<vmem>>) offsets(%dma_start3A_332 : memref<128xi32, #tpu.memory_space<vmem>>) semaphore(%dma_start3A_337 : memref<!tpu.dma_semaphore, #tpu.memory_space<semaphore_mem>>)
      } else {
      }
      %scan3A_321 = arith.constant 0 : i32
      scf.yield %scan3A_321 : i32
    }
    %scan3A_85 = arith.constant 8 : i32
    %dma_wait3A_86 = arith.constant 1 : i32
    %dma_wait3A_87 = arith.constant 15 : i32
    %dma_wait3A_88 = arith.constant 1 : i32
    %dma_wait3A_89 = arith.constant 0 : i32
    %dma_wait3A_90 = arith.constant 0 : i32
    %dma_wait3A_91 = tpu.memref_slice %arg9[%dma_wait3A_86, %dma_wait3A_89, %dma_wait3A_90] : memref<2x128x128xf32, #tpu.memory_space<vmem>> -> memref<1x128x128xf32, #tpu.memory_space<vmem>>
    %dma_wait3A_92 = tpu.memref_squeeze %dma_wait3A_91 : memref<1x128x128xf32, #tpu.memory_space<vmem>> -> memref<128x128xf32, #tpu.memory_space<vmem>>
    %dma_wait3A_93 = arith.constant 0 : i32
    %dma_wait3A_94 = tpu.memref_slice %arg8[%dma_wait3A_87, %dma_wait3A_93] : memref<16x128xi32, #tpu.memory_space<vmem>> -> memref<1x128xi32, #tpu.memory_space<vmem>>
    %dma_wait3A_95 = tpu.memref_squeeze %dma_wait3A_94 : memref<1x128xi32, #tpu.memory_space<vmem>> -> memref<128xi32, #tpu.memory_space<vmem>>
    %dma_wait3A_96 = arith.constant 0 : i32
    %dma_wait3A_97 = arith.constant 0 : i32
    %dma_wait3A_98 = tpu.memref_slice %arg6[%dma_wait3A_96, %dma_wait3A_97] : memref<10240x128xf32, #tpu.memory_space<vmem_shared>> -> memref<10240x128xf32, #tpu.memory_space<vmem_shared>>
    %dma_wait3A_99 = tpu.memref_slice %arg11[%dma_wait3A_88] : memref<2x!tpu.dma_semaphore, #tpu.memory_space<semaphore_mem>> -> memref<1x!tpu.dma_semaphore, #tpu.memory_space<semaphore_mem>>
    %dma_wait3A_100 = tpu.memref_squeeze %dma_wait3A_99 : memref<1x!tpu.dma_semaphore, #tpu.memory_space<semaphore_mem>> -> memref<!tpu.dma_semaphore, #tpu.memory_space<semaphore_mem>>
    tpu.wait_indirect_dma semaphore(%dma_wait3A_100 : memref<!tpu.dma_semaphore, #tpu.memory_space<semaphore_mem>>) src(%dma_wait3A_92 : memref<128x128xf32, #tpu.memory_space<vmem>>) dst(%dma_wait3A_98 : memref<10240x128xf32, #tpu.memory_space<vmem_shared>>)
    %add3A_101 = arith.constant 32 : i32
    %add3A_102 = arith.addi %mul3A_24, %add3A_101 : i32
    "tpu.region"() ({
      %run_scoped3A_221 = tpu.sem_alloc : memref<!tpu.dma_semaphore, #tpu.memory_space<semaphore_mem>>
      %dma_start3A_222 = arith.constant 0 : i32
      %dma_start3A_223 = tpu.memref_slice %arg3[%add3A_102, %dma_start3A_222] : memref<2560x128xi32, #tpu.memory_space<hbm>> -> memref<16x128xi32, #tpu.memory_space<hbm>>
      %dma_start3A_224 = arith.constant 0 : i32
      %dma_start3A_225 = tpu.memref_slice %arg3[%add3A_102, %dma_start3A_224] : memref<2560x128xi32, #tpu.memory_space<hbm>> -> memref<16x128xi32, #tpu.memory_space<hbm>>
      tpu.enqueue_dma source(%dma_start3A_225 : memref<16x128xi32, #tpu.memory_space<hbm>>) target(%arg7 : memref<16x128xi32, #tpu.memory_space<vmem>>) target_semaphore(%run_scoped3A_221 : memref<!tpu.dma_semaphore, #tpu.memory_space<semaphore_mem>>)
      %dma_wait3A_226 = arith.constant 0 : i32
      %dma_wait3A_227 = tpu.memref_slice %arg3[%add3A_102, %dma_wait3A_226] : memref<2560x128xi32, #tpu.memory_space<hbm>> -> memref<16x128xi32, #tpu.memory_space<hbm>>
      %dma_wait3A_228 = arith.constant 0 : i32
      %dma_wait3A_229 = tpu.memref_slice %arg3[%add3A_102, %dma_wait3A_228] : memref<2560x128xi32, #tpu.memory_space<hbm>> -> memref<16x128xi32, #tpu.memory_space<hbm>>
      tpu.wait_dma2 semaphore(%run_scoped3A_221 : memref<!tpu.dma_semaphore, #tpu.memory_space<semaphore_mem>>) src(%dma_wait3A_229 : memref<16x128xi32, #tpu.memory_space<hbm>>) dst(%arg7 : memref<16x128xi32, #tpu.memory_space<vmem>>)
      tpu.yield
    }) : () -> ()
    "tpu.region"() ({
      %run_scoped3A_221 = tpu.sem_alloc : memref<!tpu.dma_semaphore, #tpu.memory_space<semaphore_mem>>
      %dma_start3A_222 = arith.constant 0 : i32
      %dma_start3A_223 = tpu.memref_slice %arg4[%add3A_102, %dma_start3A_222] : memref<2560x128xi32, #tpu.memory_space<hbm>> -> memref<16x128xi32, #tpu.memory_space<hbm>>
      %dma_start3A_224 = arith.constant 0 : i32
      %dma_start3A_225 = tpu.memref_slice %arg4[%add3A_102, %dma_start3A_224] : memref<2560x128xi32, #tpu.memory_space<hbm>> -> memref<16x128xi32, #tpu.memory_space<hbm>>
      tpu.enqueue_dma source(%dma_start3A_225 : memref<16x128xi32, #tpu.memory_space<hbm>>) target(%arg8 : memref<16x128xi32, #tpu.memory_space<vmem>>) target_semaphore(%run_scoped3A_221 : memref<!tpu.dma_semaphore, #tpu.memory_space<semaphore_mem>>)
      %dma_wait3A_226 = arith.constant 0 : i32
      %dma_wait3A_227 = tpu.memref_slice %arg4[%add3A_102, %dma_wait3A_226] : memref<2560x128xi32, #tpu.memory_space<hbm>> -> memref<16x128xi32, #tpu.memory_space<hbm>>
      %dma_wait3A_228 = arith.constant 0 : i32
      %dma_wait3A_229 = tpu.memref_slice %arg4[%add3A_102, %dma_wait3A_228] : memref<2560x128xi32, #tpu.memory_space<hbm>> -> memref<16x128xi32, #tpu.memory_space<hbm>>
      tpu.wait_dma2 semaphore(%run_scoped3A_221 : memref<!tpu.dma_semaphore, #tpu.memory_space<semaphore_mem>>) src(%dma_wait3A_229 : memref<16x128xi32, #tpu.memory_space<hbm>>) dst(%arg8 : memref<16x128xi32, #tpu.memory_space<vmem>>)
      tpu.yield
    }) : () -> ()
    %dma_start3A_103 = arith.constant 0 : i32
    %dma_start3A_104 = arith.constant 0 : i32
    %dma_start3A_105 = arith.constant 0 : i32
    %dma_start3A_106 = arith.constant 0 : i32
    %dma_start3A_107 = arith.constant 0 : i32
    %dma_start3A_108 = tpu.memref_slice %arg9[%dma_start3A_104, %dma_start3A_106, %dma_start3A_107] : memref<2x128x128xf32, #tpu.memory_space<vmem>> -> memref<1x128x128xf32, #tpu.memory_space<vmem>>
    %dma_start3A_109 = tpu.memref_squeeze %dma_start3A_108 : memref<1x128x128xf32, #tpu.memory_space<vmem>> -> memref<128x128xf32, #tpu.memory_space<vmem>>
    %dma_start3A_110 = arith.constant 0 : i32
    %dma_start3A_111 = tpu.memref_slice %arg7[%dma_start3A_103, %dma_start3A_110] : memref<16x128xi32, #tpu.memory_space<vmem>> -> memref<1x128xi32, #tpu.memory_space<vmem>>
    %dma_start3A_112 = tpu.memref_squeeze %dma_start3A_111 : memref<1x128xi32, #tpu.memory_space<vmem>> -> memref<128xi32, #tpu.memory_space<vmem>>
    %dma_start3A_113 = arith.constant 0 : i32
    %dma_start3A_114 = arith.constant 0 : i32
    %dma_start3A_115 = tpu.memref_slice %arg2[%dma_start3A_113, %dma_start3A_114] : memref<10000x128xf32, #tpu.memory_space<hbm>> -> memref<10000x128xf32, #tpu.memory_space<hbm>>
    %dma_start3A_116 = tpu.memref_slice %arg10[%dma_start3A_105] : memref<2x!tpu.dma_semaphore, #tpu.memory_space<semaphore_mem>> -> memref<1x!tpu.dma_semaphore, #tpu.memory_space<semaphore_mem>>
    %dma_start3A_117 = tpu.memref_squeeze %dma_start3A_116 : memref<1x!tpu.dma_semaphore, #tpu.memory_space<semaphore_mem>> -> memref<!tpu.dma_semaphore, #tpu.memory_space<semaphore_mem>>
    tpu.enqueue_indirect_dma source(%dma_start3A_115 : memref<10000x128xf32, #tpu.memory_space<hbm>>) target(%dma_start3A_109 : memref<128x128xf32, #tpu.memory_space<vmem>>) offsets(%dma_start3A_112 : memref<128xi32, #tpu.memory_space<vmem>>) semaphore(%dma_start3A_117 : memref<!tpu.dma_semaphore, #tpu.memory_space<semaphore_mem>>)
    %scan3A_118 = arith.constant 0 : i32
    %scan3A_119 = arith.constant 0 : i32
    %scan3A_120 = arith.constant 8 : i32
    %scan3A_121 = arith.addi %scan3A_119, %scan3A_120 : i32
    %scan3A_122 = arith.constant 1 : i32
    %scan3A_123 = scf.for %scan3A_221 = %scan3A_119 to %scan3A_121 step %scan3A_122 iter_args(%scan3A_222 = %scan3A_118) -> (i32)  : i32 {
      %mul3A_223 = arith.constant 2 : i32
      %mul3A_224 = arith.muli %mul3A_223, %scan3A_221 : i32
      %dma_wait3A_225 = arith.constant 0 : i32
      %dma_wait3A_226 = arith.constant 0 : i32
      %dma_wait3A_227 = arith.constant 0 : i32
      %dma_wait3A_228 = arith.constant 0 : i32
      %dma_wait3A_229 = tpu.memref_slice %arg9[%dma_wait3A_225, %dma_wait3A_227, %dma_wait3A_228] : memref<2x128x128xf32, #tpu.memory_space<vmem>> -> memref<1x128x128xf32, #tpu.memory_space<vmem>>
      %dma_wait3A_230 = tpu.memref_squeeze %dma_wait3A_229 : memref<1x128x128xf32, #tpu.memory_space<vmem>> -> memref<128x128xf32, #tpu.memory_space<vmem>>
      %dma_wait3A_231 = arith.constant 0 : i32
      %dma_wait3A_232 = tpu.memref_slice %arg7[%mul3A_224, %dma_wait3A_231] : memref<16x128xi32, #tpu.memory_space<vmem>> -> memref<1x128xi32, #tpu.memory_space<vmem>>
      %dma_wait3A_233 = tpu.memref_squeeze %dma_wait3A_232 : memref<1x128xi32, #tpu.memory_space<vmem>> -> memref<128xi32, #tpu.memory_space<vmem>>
      %dma_wait3A_234 = arith.constant 0 : i32
      %dma_wait3A_235 = arith.constant 0 : i32
      %dma_wait3A_236 = tpu.memref_slice %arg2[%dma_wait3A_234, %dma_wait3A_235] : memref<10000x128xf32, #tpu.memory_space<hbm>> -> memref<10000x128xf32, #tpu.memory_space<hbm>>
      %dma_wait3A_237 = tpu.memref_slice %arg10[%dma_wait3A_226] : memref<2x!tpu.dma_semaphore, #tpu.memory_space<semaphore_mem>> -> memref<1x!tpu.dma_semaphore, #tpu.memory_space<semaphore_mem>>
      %dma_wait3A_238 = tpu.memref_squeeze %dma_wait3A_237 : memref<1x!tpu.dma_semaphore, #tpu.memory_space<semaphore_mem>> -> memref<!tpu.dma_semaphore, #tpu.memory_space<semaphore_mem>>
      tpu.wait_indirect_dma semaphore(%dma_wait3A_238 : memref<!tpu.dma_semaphore, #tpu.memory_space<semaphore_mem>>) src(%dma_wait3A_236 : memref<10000x128xf32, #tpu.memory_space<hbm>>) dst(%dma_wait3A_230 : memref<128x128xf32, #tpu.memory_space<vmem>>)
      %dma_start3A_239 = arith.constant 0 : i32
      %dma_start3A_240 = arith.constant 0 : i32
      %dma_start3A_241 = arith.constant 0 : i32
      %dma_start3A_242 = arith.constant 0 : i32
      %dma_start3A_243 = tpu.memref_slice %arg9[%dma_start3A_239, %dma_start3A_241, %dma_start3A_242] : memref<2x128x128xf32, #tpu.memory_space<vmem>> -> memref<1x128x128xf32, #tpu.memory_space<vmem>>
      %dma_start3A_244 = tpu.memref_squeeze %dma_start3A_243 : memref<1x128x128xf32, #tpu.memory_space<vmem>> -> memref<128x128xf32, #tpu.memory_space<vmem>>
      %dma_start3A_245 = arith.constant 0 : i32
      %dma_start3A_246 = tpu.memref_slice %arg8[%mul3A_224, %dma_start3A_245] : memref<16x128xi32, #tpu.memory_space<vmem>> -> memref<1x128xi32, #tpu.memory_space<vmem>>
      %dma_start3A_247 = tpu.memref_squeeze %dma_start3A_246 : memref<1x128xi32, #tpu.memory_space<vmem>> -> memref<128xi32, #tpu.memory_space<vmem>>
      %dma_start3A_248 = arith.constant 0 : i32
      %dma_start3A_249 = arith.constant 0 : i32
      %dma_start3A_250 = tpu.memref_slice %arg6[%dma_start3A_248, %dma_start3A_249] : memref<10240x128xf32, #tpu.memory_space<vmem_shared>> -> memref<10240x128xf32, #tpu.memory_space<vmem_shared>>
      %dma_start3A_251 = tpu.memref_slice %arg11[%dma_start3A_240] : memref<2x!tpu.dma_semaphore, #tpu.memory_space<semaphore_mem>> -> memref<1x!tpu.dma_semaphore, #tpu.memory_space<semaphore_mem>>
      %dma_start3A_252 = tpu.memref_squeeze %dma_start3A_251 : memref<1x!tpu.dma_semaphore, #tpu.memory_space<semaphore_mem>> -> memref<!tpu.dma_semaphore, #tpu.memory_space<semaphore_mem>>
      tpu.enqueue_indirect_dma source(%dma_start3A_244 : memref<128x128xf32, #tpu.memory_space<vmem>>) target(%dma_start3A_250 : memref<10240x128xf32, #tpu.memory_space<vmem_shared>>) offsets(%dma_start3A_247 : memref<128xi32, #tpu.memory_space<vmem>>) semaphore(%dma_start3A_252 : memref<!tpu.dma_semaphore, #tpu.memory_space<semaphore_mem>>) {add = true}
      %gt3A = arith.constant 0 : i32
      %gt3A_253 = arith.cmpi sgt, %scan3A_221, %gt3A : i32
      %convert_element_type3A = arith.extui %gt3A_253 : i1 to i32
      %cond3A = arith.constant 0 : i32
      %cond3A_254 = arith.cmpi ne, %convert_element_type3A, %cond3A : i32
      scf.if %cond3A_254 {
        %sub3A = arith.constant 1 : i32
        %sub3A_322 = arith.subi %mul3A_224, %sub3A : i32
        %dma_wait3A_323 = arith.constant 1 : i32
        %dma_wait3A_324 = arith.constant 1 : i32
        %dma_wait3A_325 = arith.constant 0 : i32
        %dma_wait3A_326 = arith.constant 0 : i32
        %dma_wait3A_327 = tpu.memref_slice %arg9[%dma_wait3A_323, %dma_wait3A_325, %dma_wait3A_326] : memref<2x128x128xf32, #tpu.memory_space<vmem>> -> memref<1x128x128xf32, #tpu.memory_space<vmem>>
        %dma_wait3A_328 = tpu.memref_squeeze %dma_wait3A_327 : memref<1x128x128xf32, #tpu.memory_space<vmem>> -> memref<128x128xf32, #tpu.memory_space<vmem>>
        %dma_wait3A_329 = arith.constant 0 : i32
        %dma_wait3A_330 = tpu.memref_slice %arg8[%sub3A_322, %dma_wait3A_329] : memref<16x128xi32, #tpu.memory_space<vmem>> -> memref<1x128xi32, #tpu.memory_space<vmem>>
        %dma_wait3A_331 = tpu.memref_squeeze %dma_wait3A_330 : memref<1x128xi32, #tpu.memory_space<vmem>> -> memref<128xi32, #tpu.memory_space<vmem>>
        %dma_wait3A_332 = arith.constant 0 : i32
        %dma_wait3A_333 = arith.constant 0 : i32
        %dma_wait3A_334 = tpu.memref_slice %arg6[%dma_wait3A_332, %dma_wait3A_333] : memref<10240x128xf32, #tpu.memory_space<vmem_shared>> -> memref<10240x128xf32, #tpu.memory_space<vmem_shared>>
        %dma_wait3A_335 = tpu.memref_slice %arg11[%dma_wait3A_324] : memref<2x!tpu.dma_semaphore, #tpu.memory_space<semaphore_mem>> -> memref<1x!tpu.dma_semaphore, #tpu.memory_space<semaphore_mem>>
        %dma_wait3A_336 = tpu.memref_squeeze %dma_wait3A_335 : memref<1x!tpu.dma_semaphore, #tpu.memory_space<semaphore_mem>> -> memref<!tpu.dma_semaphore, #tpu.memory_space<semaphore_mem>>
        tpu.wait_indirect_dma semaphore(%dma_wait3A_336 : memref<!tpu.dma_semaphore, #tpu.memory_space<semaphore_mem>>) src(%dma_wait3A_328 : memref<128x128xf32, #tpu.memory_space<vmem>>) dst(%dma_wait3A_334 : memref<10240x128xf32, #tpu.memory_space<vmem_shared>>)
      } else {
      }
      %add3A_255 = arith.constant 1 : i32
      %add3A_256 = arith.addi %mul3A_224, %add3A_255 : i32
      %dma_start3A_257 = arith.constant 1 : i32
      %dma_start3A_258 = arith.constant 1 : i32
      %dma_start3A_259 = arith.constant 0 : i32
      %dma_start3A_260 = arith.constant 0 : i32
      %dma_start3A_261 = tpu.memref_slice %arg9[%dma_start3A_257, %dma_start3A_259, %dma_start3A_260] : memref<2x128x128xf32, #tpu.memory_space<vmem>> -> memref<1x128x128xf32, #tpu.memory_space<vmem>>
      %dma_start3A_262 = tpu.memref_squeeze %dma_start3A_261 : memref<1x128x128xf32, #tpu.memory_space<vmem>> -> memref<128x128xf32, #tpu.memory_space<vmem>>
      %dma_start3A_263 = arith.constant 0 : i32
      %dma_start3A_264 = tpu.memref_slice %arg7[%add3A_256, %dma_start3A_263] : memref<16x128xi32, #tpu.memory_space<vmem>> -> memref<1x128xi32, #tpu.memory_space<vmem>>
      %dma_start3A_265 = tpu.memref_squeeze %dma_start3A_264 : memref<1x128xi32, #tpu.memory_space<vmem>> -> memref<128xi32, #tpu.memory_space<vmem>>
      %dma_start3A_266 = arith.constant 0 : i32
      %dma_start3A_267 = arith.constant 0 : i32
      %dma_start3A_268 = tpu.memref_slice %arg2[%dma_start3A_266, %dma_start3A_267] : memref<10000x128xf32, #tpu.memory_space<hbm>> -> memref<10000x128xf32, #tpu.memory_space<hbm>>
      %dma_start3A_269 = tpu.memref_slice %arg10[%dma_start3A_258] : memref<2x!tpu.dma_semaphore, #tpu.memory_space<semaphore_mem>> -> memref<1x!tpu.dma_semaphore, #tpu.memory_space<semaphore_mem>>
      %dma_start3A_270 = tpu.memref_squeeze %dma_start3A_269 : memref<1x!tpu.dma_semaphore, #tpu.memory_space<semaphore_mem>> -> memref<!tpu.dma_semaphore, #tpu.memory_space<semaphore_mem>>
      tpu.enqueue_indirect_dma source(%dma_start3A_268 : memref<10000x128xf32, #tpu.memory_space<hbm>>) target(%dma_start3A_262 : memref<128x128xf32, #tpu.memory_space<vmem>>) offsets(%dma_start3A_265 : memref<128xi32, #tpu.memory_space<vmem>>) semaphore(%dma_start3A_270 : memref<!tpu.dma_semaphore, #tpu.memory_space<semaphore_mem>>)
      %add3A_271 = arith.constant 1 : i32
      %add3A_272 = arith.addi %mul3A_224, %add3A_271 : i32
      %dma_wait3A_273 = arith.constant 1 : i32
      %dma_wait3A_274 = arith.constant 1 : i32
      %dma_wait3A_275 = arith.constant 0 : i32
      %dma_wait3A_276 = arith.constant 0 : i32
      %dma_wait3A_277 = tpu.memref_slice %arg9[%dma_wait3A_273, %dma_wait3A_275, %dma_wait3A_276] : memref<2x128x128xf32, #tpu.memory_space<vmem>> -> memref<1x128x128xf32, #tpu.memory_space<vmem>>
      %dma_wait3A_278 = tpu.memref_squeeze %dma_wait3A_277 : memref<1x128x128xf32, #tpu.memory_space<vmem>> -> memref<128x128xf32, #tpu.memory_space<vmem>>
      %dma_wait3A_279 = arith.constant 0 : i32
      %dma_wait3A_280 = tpu.memref_slice %arg7[%add3A_272, %dma_wait3A_279] : memref<16x128xi32, #tpu.memory_space<vmem>> -> memref<1x128xi32, #tpu.memory_space<vmem>>
      %dma_wait3A_281 = tpu.memref_squeeze %dma_wait3A_280 : memref<1x128xi32, #tpu.memory_space<vmem>> -> memref<128xi32, #tpu.memory_space<vmem>>
      %dma_wait3A_282 = arith.constant 0 : i32
      %dma_wait3A_283 = arith.constant 0 : i32
      %dma_wait3A_284 = tpu.memref_slice %arg2[%dma_wait3A_282, %dma_wait3A_283] : memref<10000x128xf32, #tpu.memory_space<hbm>> -> memref<10000x128xf32, #tpu.memory_space<hbm>>
      %dma_wait3A_285 = tpu.memref_slice %arg10[%dma_wait3A_274] : memref<2x!tpu.dma_semaphore, #tpu.memory_space<semaphore_mem>> -> memref<1x!tpu.dma_semaphore, #tpu.memory_space<semaphore_mem>>
      %dma_wait3A_286 = tpu.memref_squeeze %dma_wait3A_285 : memref<1x!tpu.dma_semaphore, #tpu.memory_space<semaphore_mem>> -> memref<!tpu.dma_semaphore, #tpu.memory_space<semaphore_mem>>
      tpu.wait_indirect_dma semaphore(%dma_wait3A_286 : memref<!tpu.dma_semaphore, #tpu.memory_space<semaphore_mem>>) src(%dma_wait3A_284 : memref<10000x128xf32, #tpu.memory_space<hbm>>) dst(%dma_wait3A_278 : memref<128x128xf32, #tpu.memory_space<vmem>>)
      %add3A_287 = arith.constant 1 : i32
      %add3A_288 = arith.addi %mul3A_224, %add3A_287 : i32
      %dma_start3A_289 = arith.constant 1 : i32
      %dma_start3A_290 = arith.constant 1 : i32
      %dma_start3A_291 = arith.constant 0 : i32
      %dma_start3A_292 = arith.constant 0 : i32
      %dma_start3A_293 = tpu.memref_slice %arg9[%dma_start3A_289, %dma_start3A_291, %dma_start3A_292] : memref<2x128x128xf32, #tpu.memory_space<vmem>> -> memref<1x128x128xf32, #tpu.memory_space<vmem>>
      %dma_start3A_294 = tpu.memref_squeeze %dma_start3A_293 : memref<1x128x128xf32, #tpu.memory_space<vmem>> -> memref<128x128xf32, #tpu.memory_space<vmem>>
      %dma_start3A_295 = arith.constant 0 : i32
      %dma_start3A_296 = tpu.memref_slice %arg8[%add3A_288, %dma_start3A_295] : memref<16x128xi32, #tpu.memory_space<vmem>> -> memref<1x128xi32, #tpu.memory_space<vmem>>
      %dma_start3A_297 = tpu.memref_squeeze %dma_start3A_296 : memref<1x128xi32, #tpu.memory_space<vmem>> -> memref<128xi32, #tpu.memory_space<vmem>>
      %dma_start3A_298 = arith.constant 0 : i32
      %dma_start3A_299 = arith.constant 0 : i32
      %dma_start3A_300 = tpu.memref_slice %arg6[%dma_start3A_298, %dma_start3A_299] : memref<10240x128xf32, #tpu.memory_space<vmem_shared>> -> memref<10240x128xf32, #tpu.memory_space<vmem_shared>>
      %dma_start3A_301 = tpu.memref_slice %arg11[%dma_start3A_290] : memref<2x!tpu.dma_semaphore, #tpu.memory_space<semaphore_mem>> -> memref<1x!tpu.dma_semaphore, #tpu.memory_space<semaphore_mem>>
      %dma_start3A_302 = tpu.memref_squeeze %dma_start3A_301 : memref<1x!tpu.dma_semaphore, #tpu.memory_space<semaphore_mem>> -> memref<!tpu.dma_semaphore, #tpu.memory_space<semaphore_mem>>
      tpu.enqueue_indirect_dma source(%dma_start3A_294 : memref<128x128xf32, #tpu.memory_space<vmem>>) target(%dma_start3A_300 : memref<10240x128xf32, #tpu.memory_space<vmem_shared>>) offsets(%dma_start3A_297 : memref<128xi32, #tpu.memory_space<vmem>>) semaphore(%dma_start3A_302 : memref<!tpu.dma_semaphore, #tpu.memory_space<semaphore_mem>>) {add = true}
      %dma_wait3A_303 = arith.constant 0 : i32
      %dma_wait3A_304 = arith.constant 0 : i32
      %dma_wait3A_305 = arith.constant 0 : i32
      %dma_wait3A_306 = arith.constant 0 : i32
      %dma_wait3A_307 = tpu.memref_slice %arg9[%dma_wait3A_303, %dma_wait3A_305, %dma_wait3A_306] : memref<2x128x128xf32, #tpu.memory_space<vmem>> -> memref<1x128x128xf32, #tpu.memory_space<vmem>>
      %dma_wait3A_308 = tpu.memref_squeeze %dma_wait3A_307 : memref<1x128x128xf32, #tpu.memory_space<vmem>> -> memref<128x128xf32, #tpu.memory_space<vmem>>
      %dma_wait3A_309 = arith.constant 0 : i32
      %dma_wait3A_310 = tpu.memref_slice %arg8[%mul3A_224, %dma_wait3A_309] : memref<16x128xi32, #tpu.memory_space<vmem>> -> memref<1x128xi32, #tpu.memory_space<vmem>>
      %dma_wait3A_311 = tpu.memref_squeeze %dma_wait3A_310 : memref<1x128xi32, #tpu.memory_space<vmem>> -> memref<128xi32, #tpu.memory_space<vmem>>
      %dma_wait3A_312 = arith.constant 0 : i32
      %dma_wait3A_313 = arith.constant 0 : i32
      %dma_wait3A_314 = tpu.memref_slice %arg6[%dma_wait3A_312, %dma_wait3A_313] : memref<10240x128xf32, #tpu.memory_space<vmem_shared>> -> memref<10240x128xf32, #tpu.memory_space<vmem_shared>>
      %dma_wait3A_315 = tpu.memref_slice %arg11[%dma_wait3A_304] : memref<2x!tpu.dma_semaphore, #tpu.memory_space<semaphore_mem>> -> memref<1x!tpu.dma_semaphore, #tpu.memory_space<semaphore_mem>>
      %dma_wait3A_316 = tpu.memref_squeeze %dma_wait3A_315 : memref<1x!tpu.dma_semaphore, #tpu.memory_space<semaphore_mem>> -> memref<!tpu.dma_semaphore, #tpu.memory_space<semaphore_mem>>
      tpu.wait_indirect_dma semaphore(%dma_wait3A_316 : memref<!tpu.dma_semaphore, #tpu.memory_space<semaphore_mem>>) src(%dma_wait3A_308 : memref<128x128xf32, #tpu.memory_space<vmem>>) dst(%dma_wait3A_314 : memref<10240x128xf32, #tpu.memory_space<vmem_shared>>)
      %lt3A = arith.constant 7 : i32
      %lt3A_317 = arith.cmpi slt, %scan3A_221, %lt3A : i32
      %convert_element_type3A_318 = arith.extui %lt3A_317 : i1 to i32
      %cond3A_319 = arith.constant 0 : i32
      %cond3A_320 = arith.cmpi ne, %convert_element_type3A_318, %cond3A_319 : i32
      scf.if %cond3A_320 {
        %add3A_322 = arith.constant 2 : i32
        %add3A_323 = arith.addi %mul3A_224, %add3A_322 : i32
        %dma_start3A_324 = arith.constant 0 : i32
        %dma_start3A_325 = arith.constant 0 : i32
        %dma_start3A_326 = arith.constant 0 : i32
        %dma_start3A_327 = arith.constant 0 : i32
        %dma_start3A_328 = tpu.memref_slice %arg9[%dma_start3A_324, %dma_start3A_326, %dma_start3A_327] : memref<2x128x128xf32, #tpu.memory_space<vmem>> -> memref<1x128x128xf32, #tpu.memory_space<vmem>>
        %dma_start3A_329 = tpu.memref_squeeze %dma_start3A_328 : memref<1x128x128xf32, #tpu.memory_space<vmem>> -> memref<128x128xf32, #tpu.memory_space<vmem>>
        %dma_start3A_330 = arith.constant 0 : i32
        %dma_start3A_331 = tpu.memref_slice %arg7[%add3A_323, %dma_start3A_330] : memref<16x128xi32, #tpu.memory_space<vmem>> -> memref<1x128xi32, #tpu.memory_space<vmem>>
        %dma_start3A_332 = tpu.memref_squeeze %dma_start3A_331 : memref<1x128xi32, #tpu.memory_space<vmem>> -> memref<128xi32, #tpu.memory_space<vmem>>
        %dma_start3A_333 = arith.constant 0 : i32
        %dma_start3A_334 = arith.constant 0 : i32
        %dma_start3A_335 = tpu.memref_slice %arg2[%dma_start3A_333, %dma_start3A_334] : memref<10000x128xf32, #tpu.memory_space<hbm>> -> memref<10000x128xf32, #tpu.memory_space<hbm>>
        %dma_start3A_336 = tpu.memref_slice %arg10[%dma_start3A_325] : memref<2x!tpu.dma_semaphore, #tpu.memory_space<semaphore_mem>> -> memref<1x!tpu.dma_semaphore, #tpu.memory_space<semaphore_mem>>
        %dma_start3A_337 = tpu.memref_squeeze %dma_start3A_336 : memref<1x!tpu.dma_semaphore, #tpu.memory_space<semaphore_mem>> -> memref<!tpu.dma_semaphore, #tpu.memory_space<semaphore_mem>>
        tpu.enqueue_indirect_dma source(%dma_start3A_335 : memref<10000x128xf32, #tpu.memory_space<hbm>>) target(%dma_start3A_329 : memref<128x128xf32, #tpu.memory_space<vmem>>) offsets(%dma_start3A_332 : memref<128xi32, #tpu.memory_space<vmem>>) semaphore(%dma_start3A_337 : memref<!tpu.dma_semaphore, #tpu.memory_space<semaphore_mem>>)
      } else {
      }
      %scan3A_321 = arith.constant 0 : i32
      scf.yield %scan3A_321 : i32
    }
    %scan3A_124 = arith.constant 8 : i32
    %dma_wait3A_125 = arith.constant 1 : i32
    %dma_wait3A_126 = arith.constant 15 : i32
    %dma_wait3A_127 = arith.constant 1 : i32
    %dma_wait3A_128 = arith.constant 0 : i32
    %dma_wait3A_129 = arith.constant 0 : i32
    %dma_wait3A_130 = tpu.memref_slice %arg9[%dma_wait3A_125, %dma_wait3A_128, %dma_wait3A_129] : memref<2x128x128xf32, #tpu.memory_space<vmem>> -> memref<1x128x128xf32, #tpu.memory_space<vmem>>
    %dma_wait3A_131 = tpu.memref_squeeze %dma_wait3A_130 : memref<1x128x128xf32, #tpu.memory_space<vmem>> -> memref<128x128xf32, #tpu.memory_space<vmem>>
    %dma_wait3A_132 = arith.constant 0 : i32
    %dma_wait3A_133 = tpu.memref_slice %arg8[%dma_wait3A_126, %dma_wait3A_132] : memref<16x128xi32, #tpu.memory_space<vmem>> -> memref<1x128xi32, #tpu.memory_space<vmem>>
    %dma_wait3A_134 = tpu.memref_squeeze %dma_wait3A_133 : memref<1x128xi32, #tpu.memory_space<vmem>> -> memref<128xi32, #tpu.memory_space<vmem>>
    %dma_wait3A_135 = arith.constant 0 : i32
    %dma_wait3A_136 = arith.constant 0 : i32
    %dma_wait3A_137 = tpu.memref_slice %arg6[%dma_wait3A_135, %dma_wait3A_136] : memref<10240x128xf32, #tpu.memory_space<vmem_shared>> -> memref<10240x128xf32, #tpu.memory_space<vmem_shared>>
    %dma_wait3A_138 = tpu.memref_slice %arg11[%dma_wait3A_127] : memref<2x!tpu.dma_semaphore, #tpu.memory_space<semaphore_mem>> -> memref<1x!tpu.dma_semaphore, #tpu.memory_space<semaphore_mem>>
    %dma_wait3A_139 = tpu.memref_squeeze %dma_wait3A_138 : memref<1x!tpu.dma_semaphore, #tpu.memory_space<semaphore_mem>> -> memref<!tpu.dma_semaphore, #tpu.memory_space<semaphore_mem>>
    tpu.wait_indirect_dma semaphore(%dma_wait3A_139 : memref<!tpu.dma_semaphore, #tpu.memory_space<semaphore_mem>>) src(%dma_wait3A_131 : memref<128x128xf32, #tpu.memory_space<vmem>>) dst(%dma_wait3A_137 : memref<10240x128xf32, #tpu.memory_space<vmem_shared>>)
    %add3A_140 = arith.constant 48 : i32
    %add3A_141 = arith.addi %mul3A_24, %add3A_140 : i32
    "tpu.region"() ({
      %run_scoped3A_221 = tpu.sem_alloc : memref<!tpu.dma_semaphore, #tpu.memory_space<semaphore_mem>>
      %dma_start3A_222 = arith.constant 0 : i32
      %dma_start3A_223 = tpu.memref_slice %arg3[%add3A_141, %dma_start3A_222] : memref<2560x128xi32, #tpu.memory_space<hbm>> -> memref<16x128xi32, #tpu.memory_space<hbm>>
      %dma_start3A_224 = arith.constant 0 : i32
      %dma_start3A_225 = tpu.memref_slice %arg3[%add3A_141, %dma_start3A_224] : memref<2560x128xi32, #tpu.memory_space<hbm>> -> memref<16x128xi32, #tpu.memory_space<hbm>>
      tpu.enqueue_dma source(%dma_start3A_225 : memref<16x128xi32, #tpu.memory_space<hbm>>) target(%arg7 : memref<16x128xi32, #tpu.memory_space<vmem>>) target_semaphore(%run_scoped3A_221 : memref<!tpu.dma_semaphore, #tpu.memory_space<semaphore_mem>>)
      %dma_wait3A_226 = arith.constant 0 : i32
      %dma_wait3A_227 = tpu.memref_slice %arg3[%add3A_141, %dma_wait3A_226] : memref<2560x128xi32, #tpu.memory_space<hbm>> -> memref<16x128xi32, #tpu.memory_space<hbm>>
      %dma_wait3A_228 = arith.constant 0 : i32
      %dma_wait3A_229 = tpu.memref_slice %arg3[%add3A_141, %dma_wait3A_228] : memref<2560x128xi32, #tpu.memory_space<hbm>> -> memref<16x128xi32, #tpu.memory_space<hbm>>
      tpu.wait_dma2 semaphore(%run_scoped3A_221 : memref<!tpu.dma_semaphore, #tpu.memory_space<semaphore_mem>>) src(%dma_wait3A_229 : memref<16x128xi32, #tpu.memory_space<hbm>>) dst(%arg7 : memref<16x128xi32, #tpu.memory_space<vmem>>)
      tpu.yield
    }) : () -> ()
    "tpu.region"() ({
      %run_scoped3A_221 = tpu.sem_alloc : memref<!tpu.dma_semaphore, #tpu.memory_space<semaphore_mem>>
      %dma_start3A_222 = arith.constant 0 : i32
      %dma_start3A_223 = tpu.memref_slice %arg4[%add3A_141, %dma_start3A_222] : memref<2560x128xi32, #tpu.memory_space<hbm>> -> memref<16x128xi32, #tpu.memory_space<hbm>>
      %dma_start3A_224 = arith.constant 0 : i32
      %dma_start3A_225 = tpu.memref_slice %arg4[%add3A_141, %dma_start3A_224] : memref<2560x128xi32, #tpu.memory_space<hbm>> -> memref<16x128xi32, #tpu.memory_space<hbm>>
      tpu.enqueue_dma source(%dma_start3A_225 : memref<16x128xi32, #tpu.memory_space<hbm>>) target(%arg8 : memref<16x128xi32, #tpu.memory_space<vmem>>) target_semaphore(%run_scoped3A_221 : memref<!tpu.dma_semaphore, #tpu.memory_space<semaphore_mem>>)
      %dma_wait3A_226 = arith.constant 0 : i32
      %dma_wait3A_227 = tpu.memref_slice %arg4[%add3A_141, %dma_wait3A_226] : memref<2560x128xi32, #tpu.memory_space<hbm>> -> memref<16x128xi32, #tpu.memory_space<hbm>>
      %dma_wait3A_228 = arith.constant 0 : i32
      %dma_wait3A_229 = tpu.memref_slice %arg4[%add3A_141, %dma_wait3A_228] : memref<2560x128xi32, #tpu.memory_space<hbm>> -> memref<16x128xi32, #tpu.memory_space<hbm>>
      tpu.wait_dma2 semaphore(%run_scoped3A_221 : memref<!tpu.dma_semaphore, #tpu.memory_space<semaphore_mem>>) src(%dma_wait3A_229 : memref<16x128xi32, #tpu.memory_space<hbm>>) dst(%arg8 : memref<16x128xi32, #tpu.memory_space<vmem>>)
      tpu.yield
    }) : () -> ()
    %dma_start3A_142 = arith.constant 0 : i32
    %dma_start3A_143 = arith.constant 0 : i32
    %dma_start3A_144 = arith.constant 0 : i32
    %dma_start3A_145 = arith.constant 0 : i32
    %dma_start3A_146 = arith.constant 0 : i32
    %dma_start3A_147 = tpu.memref_slice %arg9[%dma_start3A_143, %dma_start3A_145, %dma_start3A_146] : memref<2x128x128xf32, #tpu.memory_space<vmem>> -> memref<1x128x128xf32, #tpu.memory_space<vmem>>
    %dma_start3A_148 = tpu.memref_squeeze %dma_start3A_147 : memref<1x128x128xf32, #tpu.memory_space<vmem>> -> memref<128x128xf32, #tpu.memory_space<vmem>>
    %dma_start3A_149 = arith.constant 0 : i32
    %dma_start3A_150 = tpu.memref_slice %arg7[%dma_start3A_142, %dma_start3A_149] : memref<16x128xi32, #tpu.memory_space<vmem>> -> memref<1x128xi32, #tpu.memory_space<vmem>>
    %dma_start3A_151 = tpu.memref_squeeze %dma_start3A_150 : memref<1x128xi32, #tpu.memory_space<vmem>> -> memref<128xi32, #tpu.memory_space<vmem>>
    %dma_start3A_152 = arith.constant 0 : i32
    %dma_start3A_153 = arith.constant 0 : i32
    %dma_start3A_154 = tpu.memref_slice %arg2[%dma_start3A_152, %dma_start3A_153] : memref<10000x128xf32, #tpu.memory_space<hbm>> -> memref<10000x128xf32, #tpu.memory_space<hbm>>
    %dma_start3A_155 = tpu.memref_slice %arg10[%dma_start3A_144] : memref<2x!tpu.dma_semaphore, #tpu.memory_space<semaphore_mem>> -> memref<1x!tpu.dma_semaphore, #tpu.memory_space<semaphore_mem>>
    %dma_start3A_156 = tpu.memref_squeeze %dma_start3A_155 : memref<1x!tpu.dma_semaphore, #tpu.memory_space<semaphore_mem>> -> memref<!tpu.dma_semaphore, #tpu.memory_space<semaphore_mem>>
    tpu.enqueue_indirect_dma source(%dma_start3A_154 : memref<10000x128xf32, #tpu.memory_space<hbm>>) target(%dma_start3A_148 : memref<128x128xf32, #tpu.memory_space<vmem>>) offsets(%dma_start3A_151 : memref<128xi32, #tpu.memory_space<vmem>>) semaphore(%dma_start3A_156 : memref<!tpu.dma_semaphore, #tpu.memory_space<semaphore_mem>>)
    %scan3A_157 = arith.constant 0 : i32
    %scan3A_158 = arith.constant 0 : i32
    %scan3A_159 = arith.constant 8 : i32
    %scan3A_160 = arith.addi %scan3A_158, %scan3A_159 : i32
    %scan3A_161 = arith.constant 1 : i32
    %scan3A_162 = scf.for %scan3A_221 = %scan3A_158 to %scan3A_160 step %scan3A_161 iter_args(%scan3A_222 = %scan3A_157) -> (i32)  : i32 {
      %mul3A_223 = arith.constant 2 : i32
      %mul3A_224 = arith.muli %mul3A_223, %scan3A_221 : i32
      %dma_wait3A_225 = arith.constant 0 : i32
      %dma_wait3A_226 = arith.constant 0 : i32
      %dma_wait3A_227 = arith.constant 0 : i32
      %dma_wait3A_228 = arith.constant 0 : i32
      %dma_wait3A_229 = tpu.memref_slice %arg9[%dma_wait3A_225, %dma_wait3A_227, %dma_wait3A_228] : memref<2x128x128xf32, #tpu.memory_space<vmem>> -> memref<1x128x128xf32, #tpu.memory_space<vmem>>
      %dma_wait3A_230 = tpu.memref_squeeze %dma_wait3A_229 : memref<1x128x128xf32, #tpu.memory_space<vmem>> -> memref<128x128xf32, #tpu.memory_space<vmem>>
      %dma_wait3A_231 = arith.constant 0 : i32
      %dma_wait3A_232 = tpu.memref_slice %arg7[%mul3A_224, %dma_wait3A_231] : memref<16x128xi32, #tpu.memory_space<vmem>> -> memref<1x128xi32, #tpu.memory_space<vmem>>
      %dma_wait3A_233 = tpu.memref_squeeze %dma_wait3A_232 : memref<1x128xi32, #tpu.memory_space<vmem>> -> memref<128xi32, #tpu.memory_space<vmem>>
      %dma_wait3A_234 = arith.constant 0 : i32
      %dma_wait3A_235 = arith.constant 0 : i32
      %dma_wait3A_236 = tpu.memref_slice %arg2[%dma_wait3A_234, %dma_wait3A_235] : memref<10000x128xf32, #tpu.memory_space<hbm>> -> memref<10000x128xf32, #tpu.memory_space<hbm>>
      %dma_wait3A_237 = tpu.memref_slice %arg10[%dma_wait3A_226] : memref<2x!tpu.dma_semaphore, #tpu.memory_space<semaphore_mem>> -> memref<1x!tpu.dma_semaphore, #tpu.memory_space<semaphore_mem>>
      %dma_wait3A_238 = tpu.memref_squeeze %dma_wait3A_237 : memref<1x!tpu.dma_semaphore, #tpu.memory_space<semaphore_mem>> -> memref<!tpu.dma_semaphore, #tpu.memory_space<semaphore_mem>>
      tpu.wait_indirect_dma semaphore(%dma_wait3A_238 : memref<!tpu.dma_semaphore, #tpu.memory_space<semaphore_mem>>) src(%dma_wait3A_236 : memref<10000x128xf32, #tpu.memory_space<hbm>>) dst(%dma_wait3A_230 : memref<128x128xf32, #tpu.memory_space<vmem>>)
      %dma_start3A_239 = arith.constant 0 : i32
      %dma_start3A_240 = arith.constant 0 : i32
      %dma_start3A_241 = arith.constant 0 : i32
      %dma_start3A_242 = arith.constant 0 : i32
      %dma_start3A_243 = tpu.memref_slice %arg9[%dma_start3A_239, %dma_start3A_241, %dma_start3A_242] : memref<2x128x128xf32, #tpu.memory_space<vmem>> -> memref<1x128x128xf32, #tpu.memory_space<vmem>>
      %dma_start3A_244 = tpu.memref_squeeze %dma_start3A_243 : memref<1x128x128xf32, #tpu.memory_space<vmem>> -> memref<128x128xf32, #tpu.memory_space<vmem>>
      %dma_start3A_245 = arith.constant 0 : i32
      %dma_start3A_246 = tpu.memref_slice %arg8[%mul3A_224, %dma_start3A_245] : memref<16x128xi32, #tpu.memory_space<vmem>> -> memref<1x128xi32, #tpu.memory_space<vmem>>
      %dma_start3A_247 = tpu.memref_squeeze %dma_start3A_246 : memref<1x128xi32, #tpu.memory_space<vmem>> -> memref<128xi32, #tpu.memory_space<vmem>>
      %dma_start3A_248 = arith.constant 0 : i32
      %dma_start3A_249 = arith.constant 0 : i32
      %dma_start3A_250 = tpu.memref_slice %arg6[%dma_start3A_248, %dma_start3A_249] : memref<10240x128xf32, #tpu.memory_space<vmem_shared>> -> memref<10240x128xf32, #tpu.memory_space<vmem_shared>>
      %dma_start3A_251 = tpu.memref_slice %arg11[%dma_start3A_240] : memref<2x!tpu.dma_semaphore, #tpu.memory_space<semaphore_mem>> -> memref<1x!tpu.dma_semaphore, #tpu.memory_space<semaphore_mem>>
      %dma_start3A_252 = tpu.memref_squeeze %dma_start3A_251 : memref<1x!tpu.dma_semaphore, #tpu.memory_space<semaphore_mem>> -> memref<!tpu.dma_semaphore, #tpu.memory_space<semaphore_mem>>
      tpu.enqueue_indirect_dma source(%dma_start3A_244 : memref<128x128xf32, #tpu.memory_space<vmem>>) target(%dma_start3A_250 : memref<10240x128xf32, #tpu.memory_space<vmem_shared>>) offsets(%dma_start3A_247 : memref<128xi32, #tpu.memory_space<vmem>>) semaphore(%dma_start3A_252 : memref<!tpu.dma_semaphore, #tpu.memory_space<semaphore_mem>>) {add = true}
      %gt3A = arith.constant 0 : i32
      %gt3A_253 = arith.cmpi sgt, %scan3A_221, %gt3A : i32
      %convert_element_type3A = arith.extui %gt3A_253 : i1 to i32
      %cond3A = arith.constant 0 : i32
      %cond3A_254 = arith.cmpi ne, %convert_element_type3A, %cond3A : i32
      scf.if %cond3A_254 {
        %sub3A = arith.constant 1 : i32
        %sub3A_322 = arith.subi %mul3A_224, %sub3A : i32
        %dma_wait3A_323 = arith.constant 1 : i32
        %dma_wait3A_324 = arith.constant 1 : i32
        %dma_wait3A_325 = arith.constant 0 : i32
        %dma_wait3A_326 = arith.constant 0 : i32
        %dma_wait3A_327 = tpu.memref_slice %arg9[%dma_wait3A_323, %dma_wait3A_325, %dma_wait3A_326] : memref<2x128x128xf32, #tpu.memory_space<vmem>> -> memref<1x128x128xf32, #tpu.memory_space<vmem>>
        %dma_wait3A_328 = tpu.memref_squeeze %dma_wait3A_327 : memref<1x128x128xf32, #tpu.memory_space<vmem>> -> memref<128x128xf32, #tpu.memory_space<vmem>>
        %dma_wait3A_329 = arith.constant 0 : i32
        %dma_wait3A_330 = tpu.memref_slice %arg8[%sub3A_322, %dma_wait3A_329] : memref<16x128xi32, #tpu.memory_space<vmem>> -> memref<1x128xi32, #tpu.memory_space<vmem>>
        %dma_wait3A_331 = tpu.memref_squeeze %dma_wait3A_330 : memref<1x128xi32, #tpu.memory_space<vmem>> -> memref<128xi32, #tpu.memory_space<vmem>>
        %dma_wait3A_332 = arith.constant 0 : i32
        %dma_wait3A_333 = arith.constant 0 : i32
        %dma_wait3A_334 = tpu.memref_slice %arg6[%dma_wait3A_332, %dma_wait3A_333] : memref<10240x128xf32, #tpu.memory_space<vmem_shared>> -> memref<10240x128xf32, #tpu.memory_space<vmem_shared>>
        %dma_wait3A_335 = tpu.memref_slice %arg11[%dma_wait3A_324] : memref<2x!tpu.dma_semaphore, #tpu.memory_space<semaphore_mem>> -> memref<1x!tpu.dma_semaphore, #tpu.memory_space<semaphore_mem>>
        %dma_wait3A_336 = tpu.memref_squeeze %dma_wait3A_335 : memref<1x!tpu.dma_semaphore, #tpu.memory_space<semaphore_mem>> -> memref<!tpu.dma_semaphore, #tpu.memory_space<semaphore_mem>>
        tpu.wait_indirect_dma semaphore(%dma_wait3A_336 : memref<!tpu.dma_semaphore, #tpu.memory_space<semaphore_mem>>) src(%dma_wait3A_328 : memref<128x128xf32, #tpu.memory_space<vmem>>) dst(%dma_wait3A_334 : memref<10240x128xf32, #tpu.memory_space<vmem_shared>>)
      } else {
      }
      %add3A_255 = arith.constant 1 : i32
      %add3A_256 = arith.addi %mul3A_224, %add3A_255 : i32
      %dma_start3A_257 = arith.constant 1 : i32
      %dma_start3A_258 = arith.constant 1 : i32
      %dma_start3A_259 = arith.constant 0 : i32
      %dma_start3A_260 = arith.constant 0 : i32
      %dma_start3A_261 = tpu.memref_slice %arg9[%dma_start3A_257, %dma_start3A_259, %dma_start3A_260] : memref<2x128x128xf32, #tpu.memory_space<vmem>> -> memref<1x128x128xf32, #tpu.memory_space<vmem>>
      %dma_start3A_262 = tpu.memref_squeeze %dma_start3A_261 : memref<1x128x128xf32, #tpu.memory_space<vmem>> -> memref<128x128xf32, #tpu.memory_space<vmem>>
      %dma_start3A_263 = arith.constant 0 : i32
      %dma_start3A_264 = tpu.memref_slice %arg7[%add3A_256, %dma_start3A_263] : memref<16x128xi32, #tpu.memory_space<vmem>> -> memref<1x128xi32, #tpu.memory_space<vmem>>
      %dma_start3A_265 = tpu.memref_squeeze %dma_start3A_264 : memref<1x128xi32, #tpu.memory_space<vmem>> -> memref<128xi32, #tpu.memory_space<vmem>>
      %dma_start3A_266 = arith.constant 0 : i32
      %dma_start3A_267 = arith.constant 0 : i32
      %dma_start3A_268 = tpu.memref_slice %arg2[%dma_start3A_266, %dma_start3A_267] : memref<10000x128xf32, #tpu.memory_space<hbm>> -> memref<10000x128xf32, #tpu.memory_space<hbm>>
      %dma_start3A_269 = tpu.memref_slice %arg10[%dma_start3A_258] : memref<2x!tpu.dma_semaphore, #tpu.memory_space<semaphore_mem>> -> memref<1x!tpu.dma_semaphore, #tpu.memory_space<semaphore_mem>>
      %dma_start3A_270 = tpu.memref_squeeze %dma_start3A_269 : memref<1x!tpu.dma_semaphore, #tpu.memory_space<semaphore_mem>> -> memref<!tpu.dma_semaphore, #tpu.memory_space<semaphore_mem>>
      tpu.enqueue_indirect_dma source(%dma_start3A_268 : memref<10000x128xf32, #tpu.memory_space<hbm>>) target(%dma_start3A_262 : memref<128x128xf32, #tpu.memory_space<vmem>>) offsets(%dma_start3A_265 : memref<128xi32, #tpu.memory_space<vmem>>) semaphore(%dma_start3A_270 : memref<!tpu.dma_semaphore, #tpu.memory_space<semaphore_mem>>)
      %add3A_271 = arith.constant 1 : i32
      %add3A_272 = arith.addi %mul3A_224, %add3A_271 : i32
      %dma_wait3A_273 = arith.constant 1 : i32
      %dma_wait3A_274 = arith.constant 1 : i32
      %dma_wait3A_275 = arith.constant 0 : i32
      %dma_wait3A_276 = arith.constant 0 : i32
      %dma_wait3A_277 = tpu.memref_slice %arg9[%dma_wait3A_273, %dma_wait3A_275, %dma_wait3A_276] : memref<2x128x128xf32, #tpu.memory_space<vmem>> -> memref<1x128x128xf32, #tpu.memory_space<vmem>>
      %dma_wait3A_278 = tpu.memref_squeeze %dma_wait3A_277 : memref<1x128x128xf32, #tpu.memory_space<vmem>> -> memref<128x128xf32, #tpu.memory_space<vmem>>
      %dma_wait3A_279 = arith.constant 0 : i32
      %dma_wait3A_280 = tpu.memref_slice %arg7[%add3A_272, %dma_wait3A_279] : memref<16x128xi32, #tpu.memory_space<vmem>> -> memref<1x128xi32, #tpu.memory_space<vmem>>
      %dma_wait3A_281 = tpu.memref_squeeze %dma_wait3A_280 : memref<1x128xi32, #tpu.memory_space<vmem>> -> memref<128xi32, #tpu.memory_space<vmem>>
      %dma_wait3A_282 = arith.constant 0 : i32
      %dma_wait3A_283 = arith.constant 0 : i32
      %dma_wait3A_284 = tpu.memref_slice %arg2[%dma_wait3A_282, %dma_wait3A_283] : memref<10000x128xf32, #tpu.memory_space<hbm>> -> memref<10000x128xf32, #tpu.memory_space<hbm>>
      %dma_wait3A_285 = tpu.memref_slice %arg10[%dma_wait3A_274] : memref<2x!tpu.dma_semaphore, #tpu.memory_space<semaphore_mem>> -> memref<1x!tpu.dma_semaphore, #tpu.memory_space<semaphore_mem>>
      %dma_wait3A_286 = tpu.memref_squeeze %dma_wait3A_285 : memref<1x!tpu.dma_semaphore, #tpu.memory_space<semaphore_mem>> -> memref<!tpu.dma_semaphore, #tpu.memory_space<semaphore_mem>>
      tpu.wait_indirect_dma semaphore(%dma_wait3A_286 : memref<!tpu.dma_semaphore, #tpu.memory_space<semaphore_mem>>) src(%dma_wait3A_284 : memref<10000x128xf32, #tpu.memory_space<hbm>>) dst(%dma_wait3A_278 : memref<128x128xf32, #tpu.memory_space<vmem>>)
      %add3A_287 = arith.constant 1 : i32
      %add3A_288 = arith.addi %mul3A_224, %add3A_287 : i32
      %dma_start3A_289 = arith.constant 1 : i32
      %dma_start3A_290 = arith.constant 1 : i32
      %dma_start3A_291 = arith.constant 0 : i32
      %dma_start3A_292 = arith.constant 0 : i32
      %dma_start3A_293 = tpu.memref_slice %arg9[%dma_start3A_289, %dma_start3A_291, %dma_start3A_292] : memref<2x128x128xf32, #tpu.memory_space<vmem>> -> memref<1x128x128xf32, #tpu.memory_space<vmem>>
      %dma_start3A_294 = tpu.memref_squeeze %dma_start3A_293 : memref<1x128x128xf32, #tpu.memory_space<vmem>> -> memref<128x128xf32, #tpu.memory_space<vmem>>
      %dma_start3A_295 = arith.constant 0 : i32
      %dma_start3A_296 = tpu.memref_slice %arg8[%add3A_288, %dma_start3A_295] : memref<16x128xi32, #tpu.memory_space<vmem>> -> memref<1x128xi32, #tpu.memory_space<vmem>>
      %dma_start3A_297 = tpu.memref_squeeze %dma_start3A_296 : memref<1x128xi32, #tpu.memory_space<vmem>> -> memref<128xi32, #tpu.memory_space<vmem>>
      %dma_start3A_298 = arith.constant 0 : i32
      %dma_start3A_299 = arith.constant 0 : i32
      %dma_start3A_300 = tpu.memref_slice %arg6[%dma_start3A_298, %dma_start3A_299] : memref<10240x128xf32, #tpu.memory_space<vmem_shared>> -> memref<10240x128xf32, #tpu.memory_space<vmem_shared>>
      %dma_start3A_301 = tpu.memref_slice %arg11[%dma_start3A_290] : memref<2x!tpu.dma_semaphore, #tpu.memory_space<semaphore_mem>> -> memref<1x!tpu.dma_semaphore, #tpu.memory_space<semaphore_mem>>
      %dma_start3A_302 = tpu.memref_squeeze %dma_start3A_301 : memref<1x!tpu.dma_semaphore, #tpu.memory_space<semaphore_mem>> -> memref<!tpu.dma_semaphore, #tpu.memory_space<semaphore_mem>>
      tpu.enqueue_indirect_dma source(%dma_start3A_294 : memref<128x128xf32, #tpu.memory_space<vmem>>) target(%dma_start3A_300 : memref<10240x128xf32, #tpu.memory_space<vmem_shared>>) offsets(%dma_start3A_297 : memref<128xi32, #tpu.memory_space<vmem>>) semaphore(%dma_start3A_302 : memref<!tpu.dma_semaphore, #tpu.memory_space<semaphore_mem>>) {add = true}
      %dma_wait3A_303 = arith.constant 0 : i32
      %dma_wait3A_304 = arith.constant 0 : i32
      %dma_wait3A_305 = arith.constant 0 : i32
      %dma_wait3A_306 = arith.constant 0 : i32
      %dma_wait3A_307 = tpu.memref_slice %arg9[%dma_wait3A_303, %dma_wait3A_305, %dma_wait3A_306] : memref<2x128x128xf32, #tpu.memory_space<vmem>> -> memref<1x128x128xf32, #tpu.memory_space<vmem>>
      %dma_wait3A_308 = tpu.memref_squeeze %dma_wait3A_307 : memref<1x128x128xf32, #tpu.memory_space<vmem>> -> memref<128x128xf32, #tpu.memory_space<vmem>>
      %dma_wait3A_309 = arith.constant 0 : i32
      %dma_wait3A_310 = tpu.memref_slice %arg8[%mul3A_224, %dma_wait3A_309] : memref<16x128xi32, #tpu.memory_space<vmem>> -> memref<1x128xi32, #tpu.memory_space<vmem>>
      %dma_wait3A_311 = tpu.memref_squeeze %dma_wait3A_310 : memref<1x128xi32, #tpu.memory_space<vmem>> -> memref<128xi32, #tpu.memory_space<vmem>>
      %dma_wait3A_312 = arith.constant 0 : i32
      %dma_wait3A_313 = arith.constant 0 : i32
      %dma_wait3A_314 = tpu.memref_slice %arg6[%dma_wait3A_312, %dma_wait3A_313] : memref<10240x128xf32, #tpu.memory_space<vmem_shared>> -> memref<10240x128xf32, #tpu.memory_space<vmem_shared>>
      %dma_wait3A_315 = tpu.memref_slice %arg11[%dma_wait3A_304] : memref<2x!tpu.dma_semaphore, #tpu.memory_space<semaphore_mem>> -> memref<1x!tpu.dma_semaphore, #tpu.memory_space<semaphore_mem>>
      %dma_wait3A_316 = tpu.memref_squeeze %dma_wait3A_315 : memref<1x!tpu.dma_semaphore, #tpu.memory_space<semaphore_mem>> -> memref<!tpu.dma_semaphore, #tpu.memory_space<semaphore_mem>>
      tpu.wait_indirect_dma semaphore(%dma_wait3A_316 : memref<!tpu.dma_semaphore, #tpu.memory_space<semaphore_mem>>) src(%dma_wait3A_308 : memref<128x128xf32, #tpu.memory_space<vmem>>) dst(%dma_wait3A_314 : memref<10240x128xf32, #tpu.memory_space<vmem_shared>>)
      %lt3A = arith.constant 7 : i32
      %lt3A_317 = arith.cmpi slt, %scan3A_221, %lt3A : i32
      %convert_element_type3A_318 = arith.extui %lt3A_317 : i1 to i32
      %cond3A_319 = arith.constant 0 : i32
      %cond3A_320 = arith.cmpi ne, %convert_element_type3A_318, %cond3A_319 : i32
      scf.if %cond3A_320 {
        %add3A_322 = arith.constant 2 : i32
        %add3A_323 = arith.addi %mul3A_224, %add3A_322 : i32
        %dma_start3A_324 = arith.constant 0 : i32
        %dma_start3A_325 = arith.constant 0 : i32
        %dma_start3A_326 = arith.constant 0 : i32
        %dma_start3A_327 = arith.constant 0 : i32
        %dma_start3A_328 = tpu.memref_slice %arg9[%dma_start3A_324, %dma_start3A_326, %dma_start3A_327] : memref<2x128x128xf32, #tpu.memory_space<vmem>> -> memref<1x128x128xf32, #tpu.memory_space<vmem>>
        %dma_start3A_329 = tpu.memref_squeeze %dma_start3A_328 : memref<1x128x128xf32, #tpu.memory_space<vmem>> -> memref<128x128xf32, #tpu.memory_space<vmem>>
        %dma_start3A_330 = arith.constant 0 : i32
        %dma_start3A_331 = tpu.memref_slice %arg7[%add3A_323, %dma_start3A_330] : memref<16x128xi32, #tpu.memory_space<vmem>> -> memref<1x128xi32, #tpu.memory_space<vmem>>
        %dma_start3A_332 = tpu.memref_squeeze %dma_start3A_331 : memref<1x128xi32, #tpu.memory_space<vmem>> -> memref<128xi32, #tpu.memory_space<vmem>>
        %dma_start3A_333 = arith.constant 0 : i32
        %dma_start3A_334 = arith.constant 0 : i32
        %dma_start3A_335 = tpu.memref_slice %arg2[%dma_start3A_333, %dma_start3A_334] : memref<10000x128xf32, #tpu.memory_space<hbm>> -> memref<10000x128xf32, #tpu.memory_space<hbm>>
        %dma_start3A_336 = tpu.memref_slice %arg10[%dma_start3A_325] : memref<2x!tpu.dma_semaphore, #tpu.memory_space<semaphore_mem>> -> memref<1x!tpu.dma_semaphore, #tpu.memory_space<semaphore_mem>>
        %dma_start3A_337 = tpu.memref_squeeze %dma_start3A_336 : memref<1x!tpu.dma_semaphore, #tpu.memory_space<semaphore_mem>> -> memref<!tpu.dma_semaphore, #tpu.memory_space<semaphore_mem>>
        tpu.enqueue_indirect_dma source(%dma_start3A_335 : memref<10000x128xf32, #tpu.memory_space<hbm>>) target(%dma_start3A_329 : memref<128x128xf32, #tpu.memory_space<vmem>>) offsets(%dma_start3A_332 : memref<128xi32, #tpu.memory_space<vmem>>) semaphore(%dma_start3A_337 : memref<!tpu.dma_semaphore, #tpu.memory_space<semaphore_mem>>)
      } else {
      }
      %scan3A_321 = arith.constant 0 : i32
      scf.yield %scan3A_321 : i32
    }
    %scan3A_163 = arith.constant 8 : i32
    %dma_wait3A_164 = arith.constant 1 : i32
    %dma_wait3A_165 = arith.constant 15 : i32
    %dma_wait3A_166 = arith.constant 1 : i32
    %dma_wait3A_167 = arith.constant 0 : i32
    %dma_wait3A_168 = arith.constant 0 : i32
    %dma_wait3A_169 = tpu.memref_slice %arg9[%dma_wait3A_164, %dma_wait3A_167, %dma_wait3A_168] : memref<2x128x128xf32, #tpu.memory_space<vmem>> -> memref<1x128x128xf32, #tpu.memory_space<vmem>>
    %dma_wait3A_170 = tpu.memref_squeeze %dma_wait3A_169 : memref<1x128x128xf32, #tpu.memory_space<vmem>> -> memref<128x128xf32, #tpu.memory_space<vmem>>
    %dma_wait3A_171 = arith.constant 0 : i32
    %dma_wait3A_172 = tpu.memref_slice %arg8[%dma_wait3A_165, %dma_wait3A_171] : memref<16x128xi32, #tpu.memory_space<vmem>> -> memref<1x128xi32, #tpu.memory_space<vmem>>
    %dma_wait3A_173 = tpu.memref_squeeze %dma_wait3A_172 : memref<1x128xi32, #tpu.memory_space<vmem>> -> memref<128xi32, #tpu.memory_space<vmem>>
    %dma_wait3A_174 = arith.constant 0 : i32
    %dma_wait3A_175 = arith.constant 0 : i32
    %dma_wait3A_176 = tpu.memref_slice %arg6[%dma_wait3A_174, %dma_wait3A_175] : memref<10240x128xf32, #tpu.memory_space<vmem_shared>> -> memref<10240x128xf32, #tpu.memory_space<vmem_shared>>
    %dma_wait3A_177 = tpu.memref_slice %arg11[%dma_wait3A_166] : memref<2x!tpu.dma_semaphore, #tpu.memory_space<semaphore_mem>> -> memref<1x!tpu.dma_semaphore, #tpu.memory_space<semaphore_mem>>
    %dma_wait3A_178 = tpu.memref_squeeze %dma_wait3A_177 : memref<1x!tpu.dma_semaphore, #tpu.memory_space<semaphore_mem>> -> memref<!tpu.dma_semaphore, #tpu.memory_space<semaphore_mem>>
    tpu.wait_indirect_dma semaphore(%dma_wait3A_178 : memref<!tpu.dma_semaphore, #tpu.memory_space<semaphore_mem>>) src(%dma_wait3A_170 : memref<128x128xf32, #tpu.memory_space<vmem>>) dst(%dma_wait3A_176 : memref<10240x128xf32, #tpu.memory_space<vmem_shared>>)
    %add3A_179 = arith.constant 64 : i32
    %add3A_180 = arith.addi %mul3A_24, %add3A_179 : i32
    "tpu.region"() ({
      %run_scoped3A_221 = tpu.sem_alloc : memref<!tpu.dma_semaphore, #tpu.memory_space<semaphore_mem>>
      %dma_start3A_222 = arith.constant 0 : i32
      %dma_start3A_223 = tpu.memref_slice %arg3[%add3A_180, %dma_start3A_222] : memref<2560x128xi32, #tpu.memory_space<hbm>> -> memref<16x128xi32, #tpu.memory_space<hbm>>
      %dma_start3A_224 = arith.constant 0 : i32
      %dma_start3A_225 = tpu.memref_slice %arg3[%add3A_180, %dma_start3A_224] : memref<2560x128xi32, #tpu.memory_space<hbm>> -> memref<16x128xi32, #tpu.memory_space<hbm>>
      tpu.enqueue_dma source(%dma_start3A_225 : memref<16x128xi32, #tpu.memory_space<hbm>>) target(%arg7 : memref<16x128xi32, #tpu.memory_space<vmem>>) target_semaphore(%run_scoped3A_221 : memref<!tpu.dma_semaphore, #tpu.memory_space<semaphore_mem>>)
      %dma_wait3A_226 = arith.constant 0 : i32
      %dma_wait3A_227 = tpu.memref_slice %arg3[%add3A_180, %dma_wait3A_226] : memref<2560x128xi32, #tpu.memory_space<hbm>> -> memref<16x128xi32, #tpu.memory_space<hbm>>
      %dma_wait3A_228 = arith.constant 0 : i32
      %dma_wait3A_229 = tpu.memref_slice %arg3[%add3A_180, %dma_wait3A_228] : memref<2560x128xi32, #tpu.memory_space<hbm>> -> memref<16x128xi32, #tpu.memory_space<hbm>>
      tpu.wait_dma2 semaphore(%run_scoped3A_221 : memref<!tpu.dma_semaphore, #tpu.memory_space<semaphore_mem>>) src(%dma_wait3A_229 : memref<16x128xi32, #tpu.memory_space<hbm>>) dst(%arg7 : memref<16x128xi32, #tpu.memory_space<vmem>>)
      tpu.yield
    }) : () -> ()
    "tpu.region"() ({
      %run_scoped3A_221 = tpu.sem_alloc : memref<!tpu.dma_semaphore, #tpu.memory_space<semaphore_mem>>
      %dma_start3A_222 = arith.constant 0 : i32
      %dma_start3A_223 = tpu.memref_slice %arg4[%add3A_180, %dma_start3A_222] : memref<2560x128xi32, #tpu.memory_space<hbm>> -> memref<16x128xi32, #tpu.memory_space<hbm>>
      %dma_start3A_224 = arith.constant 0 : i32
      %dma_start3A_225 = tpu.memref_slice %arg4[%add3A_180, %dma_start3A_224] : memref<2560x128xi32, #tpu.memory_space<hbm>> -> memref<16x128xi32, #tpu.memory_space<hbm>>
      tpu.enqueue_dma source(%dma_start3A_225 : memref<16x128xi32, #tpu.memory_space<hbm>>) target(%arg8 : memref<16x128xi32, #tpu.memory_space<vmem>>) target_semaphore(%run_scoped3A_221 : memref<!tpu.dma_semaphore, #tpu.memory_space<semaphore_mem>>)
      %dma_wait3A_226 = arith.constant 0 : i32
      %dma_wait3A_227 = tpu.memref_slice %arg4[%add3A_180, %dma_wait3A_226] : memref<2560x128xi32, #tpu.memory_space<hbm>> -> memref<16x128xi32, #tpu.memory_space<hbm>>
      %dma_wait3A_228 = arith.constant 0 : i32
      %dma_wait3A_229 = tpu.memref_slice %arg4[%add3A_180, %dma_wait3A_228] : memref<2560x128xi32, #tpu.memory_space<hbm>> -> memref<16x128xi32, #tpu.memory_space<hbm>>
      tpu.wait_dma2 semaphore(%run_scoped3A_221 : memref<!tpu.dma_semaphore, #tpu.memory_space<semaphore_mem>>) src(%dma_wait3A_229 : memref<16x128xi32, #tpu.memory_space<hbm>>) dst(%arg8 : memref<16x128xi32, #tpu.memory_space<vmem>>)
      tpu.yield
    }) : () -> ()
    %dma_start3A_181 = arith.constant 0 : i32
    %dma_start3A_182 = arith.constant 0 : i32
    %dma_start3A_183 = arith.constant 0 : i32
    %dma_start3A_184 = arith.constant 0 : i32
    %dma_start3A_185 = arith.constant 0 : i32
    %dma_start3A_186 = tpu.memref_slice %arg9[%dma_start3A_182, %dma_start3A_184, %dma_start3A_185] : memref<2x128x128xf32, #tpu.memory_space<vmem>> -> memref<1x128x128xf32, #tpu.memory_space<vmem>>
    %dma_start3A_187 = tpu.memref_squeeze %dma_start3A_186 : memref<1x128x128xf32, #tpu.memory_space<vmem>> -> memref<128x128xf32, #tpu.memory_space<vmem>>
    %dma_start3A_188 = arith.constant 0 : i32
    %dma_start3A_189 = tpu.memref_slice %arg7[%dma_start3A_181, %dma_start3A_188] : memref<16x128xi32, #tpu.memory_space<vmem>> -> memref<1x128xi32, #tpu.memory_space<vmem>>
    %dma_start3A_190 = tpu.memref_squeeze %dma_start3A_189 : memref<1x128xi32, #tpu.memory_space<vmem>> -> memref<128xi32, #tpu.memory_space<vmem>>
    %dma_start3A_191 = arith.constant 0 : i32
    %dma_start3A_192 = arith.constant 0 : i32
    %dma_start3A_193 = tpu.memref_slice %arg2[%dma_start3A_191, %dma_start3A_192] : memref<10000x128xf32, #tpu.memory_space<hbm>> -> memref<10000x128xf32, #tpu.memory_space<hbm>>
    %dma_start3A_194 = tpu.memref_slice %arg10[%dma_start3A_183] : memref<2x!tpu.dma_semaphore, #tpu.memory_space<semaphore_mem>> -> memref<1x!tpu.dma_semaphore, #tpu.memory_space<semaphore_mem>>
    %dma_start3A_195 = tpu.memref_squeeze %dma_start3A_194 : memref<1x!tpu.dma_semaphore, #tpu.memory_space<semaphore_mem>> -> memref<!tpu.dma_semaphore, #tpu.memory_space<semaphore_mem>>
    tpu.enqueue_indirect_dma source(%dma_start3A_193 : memref<10000x128xf32, #tpu.memory_space<hbm>>) target(%dma_start3A_187 : memref<128x128xf32, #tpu.memory_space<vmem>>) offsets(%dma_start3A_190 : memref<128xi32, #tpu.memory_space<vmem>>) semaphore(%dma_start3A_195 : memref<!tpu.dma_semaphore, #tpu.memory_space<semaphore_mem>>)
    %scan3A_196 = arith.constant 0 : i32
    %scan3A_197 = arith.constant 0 : i32
    %scan3A_198 = arith.constant 8 : i32
    %scan3A_199 = arith.addi %scan3A_197, %scan3A_198 : i32
    %scan3A_200 = arith.constant 1 : i32
    %scan3A_201 = scf.for %scan3A_221 = %scan3A_197 to %scan3A_199 step %scan3A_200 iter_args(%scan3A_222 = %scan3A_196) -> (i32)  : i32 {
      %mul3A_223 = arith.constant 2 : i32
      %mul3A_224 = arith.muli %mul3A_223, %scan3A_221 : i32
      %dma_wait3A_225 = arith.constant 0 : i32
      %dma_wait3A_226 = arith.constant 0 : i32
      %dma_wait3A_227 = arith.constant 0 : i32
      %dma_wait3A_228 = arith.constant 0 : i32
      %dma_wait3A_229 = tpu.memref_slice %arg9[%dma_wait3A_225, %dma_wait3A_227, %dma_wait3A_228] : memref<2x128x128xf32, #tpu.memory_space<vmem>> -> memref<1x128x128xf32, #tpu.memory_space<vmem>>
      %dma_wait3A_230 = tpu.memref_squeeze %dma_wait3A_229 : memref<1x128x128xf32, #tpu.memory_space<vmem>> -> memref<128x128xf32, #tpu.memory_space<vmem>>
      %dma_wait3A_231 = arith.constant 0 : i32
      %dma_wait3A_232 = tpu.memref_slice %arg7[%mul3A_224, %dma_wait3A_231] : memref<16x128xi32, #tpu.memory_space<vmem>> -> memref<1x128xi32, #tpu.memory_space<vmem>>
      %dma_wait3A_233 = tpu.memref_squeeze %dma_wait3A_232 : memref<1x128xi32, #tpu.memory_space<vmem>> -> memref<128xi32, #tpu.memory_space<vmem>>
      %dma_wait3A_234 = arith.constant 0 : i32
      %dma_wait3A_235 = arith.constant 0 : i32
      %dma_wait3A_236 = tpu.memref_slice %arg2[%dma_wait3A_234, %dma_wait3A_235] : memref<10000x128xf32, #tpu.memory_space<hbm>> -> memref<10000x128xf32, #tpu.memory_space<hbm>>
      %dma_wait3A_237 = tpu.memref_slice %arg10[%dma_wait3A_226] : memref<2x!tpu.dma_semaphore, #tpu.memory_space<semaphore_mem>> -> memref<1x!tpu.dma_semaphore, #tpu.memory_space<semaphore_mem>>
      %dma_wait3A_238 = tpu.memref_squeeze %dma_wait3A_237 : memref<1x!tpu.dma_semaphore, #tpu.memory_space<semaphore_mem>> -> memref<!tpu.dma_semaphore, #tpu.memory_space<semaphore_mem>>
      tpu.wait_indirect_dma semaphore(%dma_wait3A_238 : memref<!tpu.dma_semaphore, #tpu.memory_space<semaphore_mem>>) src(%dma_wait3A_236 : memref<10000x128xf32, #tpu.memory_space<hbm>>) dst(%dma_wait3A_230 : memref<128x128xf32, #tpu.memory_space<vmem>>)
      %dma_start3A_239 = arith.constant 0 : i32
      %dma_start3A_240 = arith.constant 0 : i32
      %dma_start3A_241 = arith.constant 0 : i32
      %dma_start3A_242 = arith.constant 0 : i32
      %dma_start3A_243 = tpu.memref_slice %arg9[%dma_start3A_239, %dma_start3A_241, %dma_start3A_242] : memref<2x128x128xf32, #tpu.memory_space<vmem>> -> memref<1x128x128xf32, #tpu.memory_space<vmem>>
      %dma_start3A_244 = tpu.memref_squeeze %dma_start3A_243 : memref<1x128x128xf32, #tpu.memory_space<vmem>> -> memref<128x128xf32, #tpu.memory_space<vmem>>
      %dma_start3A_245 = arith.constant 0 : i32
      %dma_start3A_246 = tpu.memref_slice %arg8[%mul3A_224, %dma_start3A_245] : memref<16x128xi32, #tpu.memory_space<vmem>> -> memref<1x128xi32, #tpu.memory_space<vmem>>
      %dma_start3A_247 = tpu.memref_squeeze %dma_start3A_246 : memref<1x128xi32, #tpu.memory_space<vmem>> -> memref<128xi32, #tpu.memory_space<vmem>>
      %dma_start3A_248 = arith.constant 0 : i32
      %dma_start3A_249 = arith.constant 0 : i32
      %dma_start3A_250 = tpu.memref_slice %arg6[%dma_start3A_248, %dma_start3A_249] : memref<10240x128xf32, #tpu.memory_space<vmem_shared>> -> memref<10240x128xf32, #tpu.memory_space<vmem_shared>>
      %dma_start3A_251 = tpu.memref_slice %arg11[%dma_start3A_240] : memref<2x!tpu.dma_semaphore, #tpu.memory_space<semaphore_mem>> -> memref<1x!tpu.dma_semaphore, #tpu.memory_space<semaphore_mem>>
      %dma_start3A_252 = tpu.memref_squeeze %dma_start3A_251 : memref<1x!tpu.dma_semaphore, #tpu.memory_space<semaphore_mem>> -> memref<!tpu.dma_semaphore, #tpu.memory_space<semaphore_mem>>
      tpu.enqueue_indirect_dma source(%dma_start3A_244 : memref<128x128xf32, #tpu.memory_space<vmem>>) target(%dma_start3A_250 : memref<10240x128xf32, #tpu.memory_space<vmem_shared>>) offsets(%dma_start3A_247 : memref<128xi32, #tpu.memory_space<vmem>>) semaphore(%dma_start3A_252 : memref<!tpu.dma_semaphore, #tpu.memory_space<semaphore_mem>>) {add = true}
      %gt3A = arith.constant 0 : i32
      %gt3A_253 = arith.cmpi sgt, %scan3A_221, %gt3A : i32
      %convert_element_type3A = arith.extui %gt3A_253 : i1 to i32
      %cond3A = arith.constant 0 : i32
      %cond3A_254 = arith.cmpi ne, %convert_element_type3A, %cond3A : i32
      scf.if %cond3A_254 {
        %sub3A = arith.constant 1 : i32
        %sub3A_322 = arith.subi %mul3A_224, %sub3A : i32
        %dma_wait3A_323 = arith.constant 1 : i32
        %dma_wait3A_324 = arith.constant 1 : i32
        %dma_wait3A_325 = arith.constant 0 : i32
        %dma_wait3A_326 = arith.constant 0 : i32
        %dma_wait3A_327 = tpu.memref_slice %arg9[%dma_wait3A_323, %dma_wait3A_325, %dma_wait3A_326] : memref<2x128x128xf32, #tpu.memory_space<vmem>> -> memref<1x128x128xf32, #tpu.memory_space<vmem>>
        %dma_wait3A_328 = tpu.memref_squeeze %dma_wait3A_327 : memref<1x128x128xf32, #tpu.memory_space<vmem>> -> memref<128x128xf32, #tpu.memory_space<vmem>>
        %dma_wait3A_329 = arith.constant 0 : i32
        %dma_wait3A_330 = tpu.memref_slice %arg8[%sub3A_322, %dma_wait3A_329] : memref<16x128xi32, #tpu.memory_space<vmem>> -> memref<1x128xi32, #tpu.memory_space<vmem>>
        %dma_wait3A_331 = tpu.memref_squeeze %dma_wait3A_330 : memref<1x128xi32, #tpu.memory_space<vmem>> -> memref<128xi32, #tpu.memory_space<vmem>>
        %dma_wait3A_332 = arith.constant 0 : i32
        %dma_wait3A_333 = arith.constant 0 : i32
        %dma_wait3A_334 = tpu.memref_slice %arg6[%dma_wait3A_332, %dma_wait3A_333] : memref<10240x128xf32, #tpu.memory_space<vmem_shared>> -> memref<10240x128xf32, #tpu.memory_space<vmem_shared>>
        %dma_wait3A_335 = tpu.memref_slice %arg11[%dma_wait3A_324] : memref<2x!tpu.dma_semaphore, #tpu.memory_space<semaphore_mem>> -> memref<1x!tpu.dma_semaphore, #tpu.memory_space<semaphore_mem>>
        %dma_wait3A_336 = tpu.memref_squeeze %dma_wait3A_335 : memref<1x!tpu.dma_semaphore, #tpu.memory_space<semaphore_mem>> -> memref<!tpu.dma_semaphore, #tpu.memory_space<semaphore_mem>>
        tpu.wait_indirect_dma semaphore(%dma_wait3A_336 : memref<!tpu.dma_semaphore, #tpu.memory_space<semaphore_mem>>) src(%dma_wait3A_328 : memref<128x128xf32, #tpu.memory_space<vmem>>) dst(%dma_wait3A_334 : memref<10240x128xf32, #tpu.memory_space<vmem_shared>>)
      } else {
      }
      %add3A_255 = arith.constant 1 : i32
      %add3A_256 = arith.addi %mul3A_224, %add3A_255 : i32
      %dma_start3A_257 = arith.constant 1 : i32
      %dma_start3A_258 = arith.constant 1 : i32
      %dma_start3A_259 = arith.constant 0 : i32
      %dma_start3A_260 = arith.constant 0 : i32
      %dma_start3A_261 = tpu.memref_slice %arg9[%dma_start3A_257, %dma_start3A_259, %dma_start3A_260] : memref<2x128x128xf32, #tpu.memory_space<vmem>> -> memref<1x128x128xf32, #tpu.memory_space<vmem>>
      %dma_start3A_262 = tpu.memref_squeeze %dma_start3A_261 : memref<1x128x128xf32, #tpu.memory_space<vmem>> -> memref<128x128xf32, #tpu.memory_space<vmem>>
      %dma_start3A_263 = arith.constant 0 : i32
      %dma_start3A_264 = tpu.memref_slice %arg7[%add3A_256, %dma_start3A_263] : memref<16x128xi32, #tpu.memory_space<vmem>> -> memref<1x128xi32, #tpu.memory_space<vmem>>
      %dma_start3A_265 = tpu.memref_squeeze %dma_start3A_264 : memref<1x128xi32, #tpu.memory_space<vmem>> -> memref<128xi32, #tpu.memory_space<vmem>>
      %dma_start3A_266 = arith.constant 0 : i32
      %dma_start3A_267 = arith.constant 0 : i32
      %dma_start3A_268 = tpu.memref_slice %arg2[%dma_start3A_266, %dma_start3A_267] : memref<10000x128xf32, #tpu.memory_space<hbm>> -> memref<10000x128xf32, #tpu.memory_space<hbm>>
      %dma_start3A_269 = tpu.memref_slice %arg10[%dma_start3A_258] : memref<2x!tpu.dma_semaphore, #tpu.memory_space<semaphore_mem>> -> memref<1x!tpu.dma_semaphore, #tpu.memory_space<semaphore_mem>>
      %dma_start3A_270 = tpu.memref_squeeze %dma_start3A_269 : memref<1x!tpu.dma_semaphore, #tpu.memory_space<semaphore_mem>> -> memref<!tpu.dma_semaphore, #tpu.memory_space<semaphore_mem>>
      tpu.enqueue_indirect_dma source(%dma_start3A_268 : memref<10000x128xf32, #tpu.memory_space<hbm>>) target(%dma_start3A_262 : memref<128x128xf32, #tpu.memory_space<vmem>>) offsets(%dma_start3A_265 : memref<128xi32, #tpu.memory_space<vmem>>) semaphore(%dma_start3A_270 : memref<!tpu.dma_semaphore, #tpu.memory_space<semaphore_mem>>)
      %add3A_271 = arith.constant 1 : i32
      %add3A_272 = arith.addi %mul3A_224, %add3A_271 : i32
      %dma_wait3A_273 = arith.constant 1 : i32
      %dma_wait3A_274 = arith.constant 1 : i32
      %dma_wait3A_275 = arith.constant 0 : i32
      %dma_wait3A_276 = arith.constant 0 : i32
      %dma_wait3A_277 = tpu.memref_slice %arg9[%dma_wait3A_273, %dma_wait3A_275, %dma_wait3A_276] : memref<2x128x128xf32, #tpu.memory_space<vmem>> -> memref<1x128x128xf32, #tpu.memory_space<vmem>>
      %dma_wait3A_278 = tpu.memref_squeeze %dma_wait3A_277 : memref<1x128x128xf32, #tpu.memory_space<vmem>> -> memref<128x128xf32, #tpu.memory_space<vmem>>
      %dma_wait3A_279 = arith.constant 0 : i32
      %dma_wait3A_280 = tpu.memref_slice %arg7[%add3A_272, %dma_wait3A_279] : memref<16x128xi32, #tpu.memory_space<vmem>> -> memref<1x128xi32, #tpu.memory_space<vmem>>
      %dma_wait3A_281 = tpu.memref_squeeze %dma_wait3A_280 : memref<1x128xi32, #tpu.memory_space<vmem>> -> memref<128xi32, #tpu.memory_space<vmem>>
      %dma_wait3A_282 = arith.constant 0 : i32
      %dma_wait3A_283 = arith.constant 0 : i32
      %dma_wait3A_284 = tpu.memref_slice %arg2[%dma_wait3A_282, %dma_wait3A_283] : memref<10000x128xf32, #tpu.memory_space<hbm>> -> memref<10000x128xf32, #tpu.memory_space<hbm>>
      %dma_wait3A_285 = tpu.memref_slice %arg10[%dma_wait3A_274] : memref<2x!tpu.dma_semaphore, #tpu.memory_space<semaphore_mem>> -> memref<1x!tpu.dma_semaphore, #tpu.memory_space<semaphore_mem>>
      %dma_wait3A_286 = tpu.memref_squeeze %dma_wait3A_285 : memref<1x!tpu.dma_semaphore, #tpu.memory_space<semaphore_mem>> -> memref<!tpu.dma_semaphore, #tpu.memory_space<semaphore_mem>>
      tpu.wait_indirect_dma semaphore(%dma_wait3A_286 : memref<!tpu.dma_semaphore, #tpu.memory_space<semaphore_mem>>) src(%dma_wait3A_284 : memref<10000x128xf32, #tpu.memory_space<hbm>>) dst(%dma_wait3A_278 : memref<128x128xf32, #tpu.memory_space<vmem>>)
      %add3A_287 = arith.constant 1 : i32
      %add3A_288 = arith.addi %mul3A_224, %add3A_287 : i32
      %dma_start3A_289 = arith.constant 1 : i32
      %dma_start3A_290 = arith.constant 1 : i32
      %dma_start3A_291 = arith.constant 0 : i32
      %dma_start3A_292 = arith.constant 0 : i32
      %dma_start3A_293 = tpu.memref_slice %arg9[%dma_start3A_289, %dma_start3A_291, %dma_start3A_292] : memref<2x128x128xf32, #tpu.memory_space<vmem>> -> memref<1x128x128xf32, #tpu.memory_space<vmem>>
      %dma_start3A_294 = tpu.memref_squeeze %dma_start3A_293 : memref<1x128x128xf32, #tpu.memory_space<vmem>> -> memref<128x128xf32, #tpu.memory_space<vmem>>
      %dma_start3A_295 = arith.constant 0 : i32
      %dma_start3A_296 = tpu.memref_slice %arg8[%add3A_288, %dma_start3A_295] : memref<16x128xi32, #tpu.memory_space<vmem>> -> memref<1x128xi32, #tpu.memory_space<vmem>>
      %dma_start3A_297 = tpu.memref_squeeze %dma_start3A_296 : memref<1x128xi32, #tpu.memory_space<vmem>> -> memref<128xi32, #tpu.memory_space<vmem>>
      %dma_start3A_298 = arith.constant 0 : i32
      %dma_start3A_299 = arith.constant 0 : i32
      %dma_start3A_300 = tpu.memref_slice %arg6[%dma_start3A_298, %dma_start3A_299] : memref<10240x128xf32, #tpu.memory_space<vmem_shared>> -> memref<10240x128xf32, #tpu.memory_space<vmem_shared>>
      %dma_start3A_301 = tpu.memref_slice %arg11[%dma_start3A_290] : memref<2x!tpu.dma_semaphore, #tpu.memory_space<semaphore_mem>> -> memref<1x!tpu.dma_semaphore, #tpu.memory_space<semaphore_mem>>
      %dma_start3A_302 = tpu.memref_squeeze %dma_start3A_301 : memref<1x!tpu.dma_semaphore, #tpu.memory_space<semaphore_mem>> -> memref<!tpu.dma_semaphore, #tpu.memory_space<semaphore_mem>>
      tpu.enqueue_indirect_dma source(%dma_start3A_294 : memref<128x128xf32, #tpu.memory_space<vmem>>) target(%dma_start3A_300 : memref<10240x128xf32, #tpu.memory_space<vmem_shared>>) offsets(%dma_start3A_297 : memref<128xi32, #tpu.memory_space<vmem>>) semaphore(%dma_start3A_302 : memref<!tpu.dma_semaphore, #tpu.memory_space<semaphore_mem>>) {add = true}
      %dma_wait3A_303 = arith.constant 0 : i32
      %dma_wait3A_304 = arith.constant 0 : i32
      %dma_wait3A_305 = arith.constant 0 : i32
      %dma_wait3A_306 = arith.constant 0 : i32
      %dma_wait3A_307 = tpu.memref_slice %arg9[%dma_wait3A_303, %dma_wait3A_305, %dma_wait3A_306] : memref<2x128x128xf32, #tpu.memory_space<vmem>> -> memref<1x128x128xf32, #tpu.memory_space<vmem>>
      %dma_wait3A_308 = tpu.memref_squeeze %dma_wait3A_307 : memref<1x128x128xf32, #tpu.memory_space<vmem>> -> memref<128x128xf32, #tpu.memory_space<vmem>>
      %dma_wait3A_309 = arith.constant 0 : i32
      %dma_wait3A_310 = tpu.memref_slice %arg8[%mul3A_224, %dma_wait3A_309] : memref<16x128xi32, #tpu.memory_space<vmem>> -> memref<1x128xi32, #tpu.memory_space<vmem>>
      %dma_wait3A_311 = tpu.memref_squeeze %dma_wait3A_310 : memref<1x128xi32, #tpu.memory_space<vmem>> -> memref<128xi32, #tpu.memory_space<vmem>>
      %dma_wait3A_312 = arith.constant 0 : i32
      %dma_wait3A_313 = arith.constant 0 : i32
      %dma_wait3A_314 = tpu.memref_slice %arg6[%dma_wait3A_312, %dma_wait3A_313] : memref<10240x128xf32, #tpu.memory_space<vmem_shared>> -> memref<10240x128xf32, #tpu.memory_space<vmem_shared>>
      %dma_wait3A_315 = tpu.memref_slice %arg11[%dma_wait3A_304] : memref<2x!tpu.dma_semaphore, #tpu.memory_space<semaphore_mem>> -> memref<1x!tpu.dma_semaphore, #tpu.memory_space<semaphore_mem>>
      %dma_wait3A_316 = tpu.memref_squeeze %dma_wait3A_315 : memref<1x!tpu.dma_semaphore, #tpu.memory_space<semaphore_mem>> -> memref<!tpu.dma_semaphore, #tpu.memory_space<semaphore_mem>>
      tpu.wait_indirect_dma semaphore(%dma_wait3A_316 : memref<!tpu.dma_semaphore, #tpu.memory_space<semaphore_mem>>) src(%dma_wait3A_308 : memref<128x128xf32, #tpu.memory_space<vmem>>) dst(%dma_wait3A_314 : memref<10240x128xf32, #tpu.memory_space<vmem_shared>>)
      %lt3A = arith.constant 7 : i32
      %lt3A_317 = arith.cmpi slt, %scan3A_221, %lt3A : i32
      %convert_element_type3A_318 = arith.extui %lt3A_317 : i1 to i32
      %cond3A_319 = arith.constant 0 : i32
      %cond3A_320 = arith.cmpi ne, %convert_element_type3A_318, %cond3A_319 : i32
      scf.if %cond3A_320 {
        %add3A_322 = arith.constant 2 : i32
        %add3A_323 = arith.addi %mul3A_224, %add3A_322 : i32
        %dma_start3A_324 = arith.constant 0 : i32
        %dma_start3A_325 = arith.constant 0 : i32
        %dma_start3A_326 = arith.constant 0 : i32
        %dma_start3A_327 = arith.constant 0 : i32
        %dma_start3A_328 = tpu.memref_slice %arg9[%dma_start3A_324, %dma_start3A_326, %dma_start3A_327] : memref<2x128x128xf32, #tpu.memory_space<vmem>> -> memref<1x128x128xf32, #tpu.memory_space<vmem>>
        %dma_start3A_329 = tpu.memref_squeeze %dma_start3A_328 : memref<1x128x128xf32, #tpu.memory_space<vmem>> -> memref<128x128xf32, #tpu.memory_space<vmem>>
        %dma_start3A_330 = arith.constant 0 : i32
        %dma_start3A_331 = tpu.memref_slice %arg7[%add3A_323, %dma_start3A_330] : memref<16x128xi32, #tpu.memory_space<vmem>> -> memref<1x128xi32, #tpu.memory_space<vmem>>
        %dma_start3A_332 = tpu.memref_squeeze %dma_start3A_331 : memref<1x128xi32, #tpu.memory_space<vmem>> -> memref<128xi32, #tpu.memory_space<vmem>>
        %dma_start3A_333 = arith.constant 0 : i32
        %dma_start3A_334 = arith.constant 0 : i32
        %dma_start3A_335 = tpu.memref_slice %arg2[%dma_start3A_333, %dma_start3A_334] : memref<10000x128xf32, #tpu.memory_space<hbm>> -> memref<10000x128xf32, #tpu.memory_space<hbm>>
        %dma_start3A_336 = tpu.memref_slice %arg10[%dma_start3A_325] : memref<2x!tpu.dma_semaphore, #tpu.memory_space<semaphore_mem>> -> memref<1x!tpu.dma_semaphore, #tpu.memory_space<semaphore_mem>>
        %dma_start3A_337 = tpu.memref_squeeze %dma_start3A_336 : memref<1x!tpu.dma_semaphore, #tpu.memory_space<semaphore_mem>> -> memref<!tpu.dma_semaphore, #tpu.memory_space<semaphore_mem>>
        tpu.enqueue_indirect_dma source(%dma_start3A_335 : memref<10000x128xf32, #tpu.memory_space<hbm>>) target(%dma_start3A_329 : memref<128x128xf32, #tpu.memory_space<vmem>>) offsets(%dma_start3A_332 : memref<128xi32, #tpu.memory_space<vmem>>) semaphore(%dma_start3A_337 : memref<!tpu.dma_semaphore, #tpu.memory_space<semaphore_mem>>)
      } else {
      }
      %scan3A_321 = arith.constant 0 : i32
      scf.yield %scan3A_321 : i32
    }
    %scan3A_202 = arith.constant 8 : i32
    %dma_wait3A_203 = arith.constant 1 : i32
    %dma_wait3A_204 = arith.constant 15 : i32
    %dma_wait3A_205 = arith.constant 1 : i32
    %dma_wait3A_206 = arith.constant 0 : i32
    %dma_wait3A_207 = arith.constant 0 : i32
    %dma_wait3A_208 = tpu.memref_slice %arg9[%dma_wait3A_203, %dma_wait3A_206, %dma_wait3A_207] : memref<2x128x128xf32, #tpu.memory_space<vmem>> -> memref<1x128x128xf32, #tpu.memory_space<vmem>>
    %dma_wait3A_209 = tpu.memref_squeeze %dma_wait3A_208 : memref<1x128x128xf32, #tpu.memory_space<vmem>> -> memref<128x128xf32, #tpu.memory_space<vmem>>
    %dma_wait3A_210 = arith.constant 0 : i32
    %dma_wait3A_211 = tpu.memref_slice %arg8[%dma_wait3A_204, %dma_wait3A_210] : memref<16x128xi32, #tpu.memory_space<vmem>> -> memref<1x128xi32, #tpu.memory_space<vmem>>
    %dma_wait3A_212 = tpu.memref_squeeze %dma_wait3A_211 : memref<1x128xi32, #tpu.memory_space<vmem>> -> memref<128xi32, #tpu.memory_space<vmem>>
    %dma_wait3A_213 = arith.constant 0 : i32
    %dma_wait3A_214 = arith.constant 0 : i32
    %dma_wait3A_215 = tpu.memref_slice %arg6[%dma_wait3A_213, %dma_wait3A_214] : memref<10240x128xf32, #tpu.memory_space<vmem_shared>> -> memref<10240x128xf32, #tpu.memory_space<vmem_shared>>
    %dma_wait3A_216 = tpu.memref_slice %arg11[%dma_wait3A_205] : memref<2x!tpu.dma_semaphore, #tpu.memory_space<semaphore_mem>> -> memref<1x!tpu.dma_semaphore, #tpu.memory_space<semaphore_mem>>
    %dma_wait3A_217 = tpu.memref_squeeze %dma_wait3A_216 : memref<1x!tpu.dma_semaphore, #tpu.memory_space<semaphore_mem>> -> memref<!tpu.dma_semaphore, #tpu.memory_space<semaphore_mem>>
    tpu.wait_indirect_dma semaphore(%dma_wait3A_217 : memref<!tpu.dma_semaphore, #tpu.memory_space<semaphore_mem>>) src(%dma_wait3A_209 : memref<128x128xf32, #tpu.memory_space<vmem>>) dst(%dma_wait3A_215 : memref<10240x128xf32, #tpu.memory_space<vmem_shared>>)
    %barrier3A_218 = arith.constant 0 : index
    tpu.barrier barrier_id(%barrier3A_218)
    %mul3A_219 = arith.constant 640 : i32
    %mul3A_220 = arith.muli %arg1, %mul3A_219 : i32
    "tpu.region"() ({
      %run_scoped3A_221 = tpu.sem_alloc : memref<!tpu.dma_semaphore, #tpu.memory_space<semaphore_mem>>
      %dma_start3A_222 = arith.constant 0 : i32
      %dma_start3A_223 = tpu.memref_slice %arg5[%arg0, %mul3A_220, %dma_start3A_222] : memref<2x10240x128xf32, #tpu.memory_space<hbm>> -> memref<1x640x128xf32, #tpu.memory_space<hbm>>
      %dma_start3A_224 = tpu.memref_squeeze %dma_start3A_223 : memref<1x640x128xf32, #tpu.memory_space<hbm>> -> memref<640x128xf32, #tpu.memory_space<hbm>>
      %dma_start3A_225 = arith.constant 0 : i32
      %dma_start3A_226 = tpu.memref_slice %arg6[%mul3A_220, %dma_start3A_225] : memref<10240x128xf32, #tpu.memory_space<vmem_shared>> -> memref<640x128xf32, #tpu.memory_space<vmem_shared>>
      tpu.enqueue_dma source(%dma_start3A_226 : memref<640x128xf32, #tpu.memory_space<vmem_shared>>) target(%dma_start3A_224 : memref<640x128xf32, #tpu.memory_space<hbm>>) target_semaphore(%run_scoped3A_221 : memref<!tpu.dma_semaphore, #tpu.memory_space<semaphore_mem>>)
      %dma_wait3A_227 = arith.constant 0 : i32
      %dma_wait3A_228 = tpu.memref_slice %arg5[%arg0, %mul3A_220, %dma_wait3A_227] : memref<2x10240x128xf32, #tpu.memory_space<hbm>> -> memref<1x640x128xf32, #tpu.memory_space<hbm>>
      %dma_wait3A_229 = tpu.memref_squeeze %dma_wait3A_228 : memref<1x640x128xf32, #tpu.memory_space<hbm>> -> memref<640x128xf32, #tpu.memory_space<hbm>>
      %dma_wait3A_230 = arith.constant 0 : i32
      %dma_wait3A_231 = tpu.memref_slice %arg6[%mul3A_220, %dma_wait3A_230] : memref<10240x128xf32, #tpu.memory_space<vmem_shared>> -> memref<640x128xf32, #tpu.memory_space<vmem_shared>>
      tpu.wait_dma2 semaphore(%run_scoped3A_221 : memref<!tpu.dma_semaphore, #tpu.memory_space<semaphore_mem>>) src(%dma_wait3A_231 : memref<640x128xf32, #tpu.memory_space<vmem_shared>>) dst(%dma_wait3A_229 : memref<640x128xf32, #tpu.memory_space<hbm>>)
      tpu.yield
    }) : () -> ()
    return
  }
}

module attributes {stable_mosaic.version = 14 : i64} {
  func.func @_combine_body(%arg0: i32, %arg1: memref<2x1000x128xf32, #tpu.memory_space<vmem>>, %arg2: memref<1000x128xf32, #tpu.memory_space<vmem>>) attributes {dimension_semantics = [#tpu.dimension_semantics<arbitrary>], iteration_bounds = array<i64: 10>, scalar_prefetch = 0 : i64, scratch_operands = 0 : i64, tpu.core_type = #tpu.core_type<tc>, window_params = [{transform_indices = @transform_0, window_bounds = array<i64: 2, 1000, 128>}, {transform_indices = @transform_1, window_bounds = array<i64: 1000, 128>}]} {
    %get3A = arith.constant 0 : index
    %get3A_0 = arith.constant 0 : index
    %get3A_1 = arith.constant 0 : index
    %get3A_2 = vector.load %arg1[%get3A, %get3A_0, %get3A_1] : memref<2x1000x128xf32, #tpu.memory_space<vmem>>, vector<1x1000x128xf32>
    %get3A_3 = vector.shape_cast %get3A_2 : vector<1x1000x128xf32> to vector<1000x128xf32>
    %get3A_4 = arith.constant 1 : index
    %get3A_5 = arith.constant 0 : index
    %get3A_6 = arith.constant 0 : index
    %get3A_7 = vector.load %arg1[%get3A_4, %get3A_5, %get3A_6] : memref<2x1000x128xf32, #tpu.memory_space<vmem>>, vector<1x1000x128xf32>
    %get3A_8 = vector.shape_cast %get3A_7 : vector<1x1000x128xf32> to vector<1000x128xf32>
    %add3A = arith.addf %get3A_3, %get3A_8 : vector<1000x128xf32>
    %swap3A = arith.constant 0 : index
    %swap3A_9 = arith.constant 0 : index
    %swap3A_10 = vector.load %arg2[%swap3A, %swap3A_9] : memref<1000x128xf32, #tpu.memory_space<vmem>>, vector<1000x128xf32>
    tpu.vector_store %arg2[%swap3A, %swap3A_9], %add3A {strides = array<i32>} : memref<1000x128xf32, #tpu.memory_space<vmem>>, vector<1000x128xf32>,
    return
  }
  func.func @transform_0(%arg0: i32) -> (i32, i32, i32) {
    %c0_i32 = arith.constant 0 : i32
    %c0_i32_0 = arith.constant 0 : i32
    %c0_i32_1 = arith.constant 0 : i32
    return %c0_i32, %arg0, %c0_i32_0 : i32, i32, i32
  }
  func.func @transform_1(%arg0: i32) -> (i32, i32) {
    %c0_i32 = arith.constant 0 : i32
    %c0_i32_0 = arith.constant 0 : i32
    return %arg0, %c0_i32 : i32, i32
  }
}

</mosaic_0001>

<sc_bundles>
// kernel: kernel.4.cloned.1.call-start
scs
__scs_entry_jumppad:
0x0: {  	(pc) =	sbr.rel $0x88, $3  }
0x1: {  	(tag) =	ssettag $0x0;
	lr =	simm.s32 $0x1  }
0x2: {  	[smem:$0x3F9F] =	sst lr;
	_ =	strace $0xD0000000  }
0x3: {  	_ = 	snop  }
0x4: {  	_ = 	snop  }
0x5: {  	_ = 	snop  }
0x6: {  	_ = 	snop  }
0x7: {  	_ = 	snop  }
__scs_overlays_trampoline_lowered:
0x8: {  	[smem:$0x3FAE] =	sst s0  }
0x9: {  	[smem:$0x3FAF] =	sst s1  }
0xa: {  	[smem:$0x3FB0] =	sst s2  }
0xb: {  	[smem:$0x3FB1] =	sst s3  }
0xc: {  	[smem:$0x3FB2] =	sst s4  }
0xd: {  	[smem:$0x3FB3] =	sst s5  }
0xe: {  	[smem:$0x3FB4] =	sst s6  }
0xf: {  	[smem:$0x3FB5] =	sst s7  }
0x10: {  	[smem:$0x3FB6] =	sst s8  }
0x11: {  	[smem:$0x3FB7] =	sst s9;
	s0 =	simm.s32 @!p0 $0x0  }
0x12: {  	s1 =	sld [smem:$0x3F9D];
	s0 =	simm.s32 @p0 $0x1  }
0x13: {  	[smem:$0x3FB8] =	sst s0;
	s0 =	simm.s32 @!p1 $0x0  }
0x14: {  	s2 =	sld [smem:$0x3F9C];
	s0 =	simm.s32 @p1 $0x1  }
0x15: {  	[smem:$0x3FB9] =	sst s0;
	s0 =	simm.s32 @!p2 $0x0  }
0x16: {  	s3 =	sld [smem:$0x3FDB];
	s0 =	simm.s32 @p2 $0x1  }
0x17: {  	s4 =	simm.s32 $0x1BF5;
	[smem:$0x3FBB] =	sst s0  }
0x18: {  	s0 =	sld [smem:$0x3F9E];
	_ =	swait.ge [sflag:s4], $0x0  }
0x19: {  	s7 =	sld [smem:$0x3F9F]  }
0x1a: {  	s8 =	sadd.s32 $0xFFFFE003, lr  }
0x1b: {  	s9 =	sadd.s32 $0xFFFFFEF7, lr;
	s5 =	simm.s32 $0xFFFFFFFF;
	p2 =	slt.u32 s8, $0xFFFFF086  }
0x1c: {  	p1 =	slt.u32 s9, $0xF7A;
	s5 =	simm.s32 @!p2 $0x0  }
0x1d: {  	s5 =	simm.s32 @p1 $0x1;
	p0 =	seq.s32 s7, s2  }
0x1e: {  	s7 =	smul.u32 @!p0 $0xF7A, s2;
	p2 =	seq.s32 @!p0 s5, $0x0  }
0x1f: {  	s9 =	smul.u32 $0xF7A, s1;
	s8 =	simm.s32 @!p0 $0x1BF5;
	p2 =	por !p2, p0  }
0x20: {  	[sflag:s8] =	ssyncset.s32 @!p0 $0xFFFFF086;
	s6 =	sadd.s32 @!p0 s3, s7;
	s7 =	simm.s32 @!p0 $0x108  }
0x21: {  	s3 =	sadd.s32 s3, s9;
	s6 =	sadd.s32 @!p0 $0x88, s6;
	s7 =	simm.s32 @p2 $0x1082  }
0x22: {  	[simem:s7], [sflag:s8] =	dma.local @!p0 [hbm:s6], $0xF7A  }
0x23: {  	s9 =	sor.u32 $0xD0000000, s2;
	s6 =	simm.s32 $0x108;
	_ =	swait.ge @!p0 [sflag:s8], $0x0  }
0x24: {  	s3 =	sadd.s32 $0x88, s3;
	s6 =	simm.s32 @!p1 $0x1082;
	[sflag:s4] =	ssyncset.s32 $0xFFFFF086  }
0x25: {  	[simem:s6], [sflag:s4] =	dma.local [hbm:s3], $0xF7A  }
0x26: {  	[smem:$0x3F9F] =	sst s1;
	(tag) =	ssettag s2;
	_ =	strace s9  }
0x27: {  	s1 =	sld [smem:$0x3FAF]  }
0x28: {  	s2 =	sld [smem:$0x3FB0]  }
0x29: {  	s4 =	sld [smem:$0x3FB2]  }
0x2a: {  	p0 =	seq.s32 s5, $0x0;
	s5 =	sld [smem:$0x3FB3]  }
0x2b: {  	s6 =	sld [smem:$0x3FB4]  }
0x2c: {  	s7 =	sld [smem:$0x3FB5]  }
0x2d: {  	s3 =	simm.s32 $0x108;
	s8 =	sld [smem:$0x3FB6]  }
0x2e: {  	s3 =	simm.s32 @!p0 $0x1082;
	s9 =	sld [smem:$0x3FB7]  }
0x2f: {  	lr =	sadd.s32 s0, s3;
	s0 =	sld [smem:$0x3FAE]  }
0x30: {  	s3 =	sld [smem:$0x3FB1]  }
0x31: {  	[smem:$0x3FBA] =	sst s10  }
0x32: {  	s10 =	sld [smem:$0x3FB8];
	_ =	sdelay $0x3  }
0x33: {  	p0 =	seq.s32 s10, $0x1;
	s10 =	sld [smem:$0x3FBA];
	_ =	sdelay $0x3  }
0x34: {  	[smem:$0x3FBA] =	sst s10  }
0x35: {  	s10 =	sld [smem:$0x3FB9];
	_ =	sdelay $0x3  }
0x36: {  	p1 =	seq.s32 s10, $0x1;
	s10 =	sld [smem:$0x3FBA];
	_ =	sdelay $0x3  }
0x37: {  	[smem:$0x3FBA] =	sst s10  }
0x38: {  	s10 =	sld [smem:$0x3FBB]  }
0x39: {  	_ = 	snop;
	(pc) =	sbr.ind lr, $3  }
0x3a: {  	_ = 	snop  }
0x3b: {  	_ = 	snop  }
0x3c: {  	p2 =	seq.s32 s10, $0x1;
	s10 =	sld [smem:$0x3FBA]  }
0x3d: {  	_ =	shalt  }
0x3e: {  	_ =	shalt  }
0x3f: {  	_ =	shalt  }
0x40: {  	_ =	shalt  }
0x41: {  	_ =	shalt  }
0x42: {  	_ =	shalt  }
0x43: {  	_ =	shalt  }
0x44: {  	_ =	shalt  }
0x45: {  	_ =	shalt  }
0x46: {  	_ =	shalt  }
0x47: {  	_ =	shalt  }
0x48: {  	_ =	shalt  }
0x49: {  	_ =	shalt  }
0x4a: {  	_ =	shalt  }
0x4b: {  	_ =	shalt  }
0x4c: {  	_ =	shalt  }
0x4d: {  	_ =	shalt  }
0x4e: {  	_ =	shalt  }
0x4f: {  	_ =	shalt  }
0x50: {  	_ =	shalt  }
0x51: {  	_ =	shalt  }
0x52: {  	_ =	shalt  }
0x53: {  	_ =	shalt  }
0x54: {  	_ =	shalt  }
0x55: {  	_ =	shalt  }
0x56: {  	_ =	shalt  }
0x57: {  	_ =	shalt  }
0x58: {  	_ =	shalt  }
0x59: {  	_ =	shalt  }
0x5a: {  	_ =	shalt  }
0x5b: {  	_ =	shalt  }
0x5c: {  	_ =	shalt  }
0x5d: {  	_ =	shalt  }
0x5e: {  	_ =	shalt  }
0x5f: {  	_ =	shalt  }
0x60: {  	_ =	shalt  }
0x61: {  	_ =	shalt  }
0x62: {  	_ =	shalt  }
0x63: {  	_ =	shalt  }
0x64: {  	_ =	shalt  }
0x65: {  	_ =	shalt  }
0x66: {  	_ =	shalt  }
0x67: {  	_ =	shalt  }
0x68: {  	_ =	shalt  }
0x69: {  	_ =	shalt  }
0x6a: {  	_ =	shalt  }
0x6b: {  	_ =	shalt  }
0x6c: {  	_ =	shalt  }
0x6d: {  	_ =	shalt  }
0x6e: {  	_ =	shalt  }
0x6f: {  	_ =	shalt  }
0x70: {  	_ =	shalt  }
0x71: {  	_ =	shalt  }
0x72: {  	_ =	shalt  }
0x73: {  	_ =	shalt  }
0x74: {  	_ =	shalt  }
0x75: {  	_ =	shalt  }
0x76: {  	_ =	shalt  }
0x77: {  	_ =	shalt  }
0x78: {  	_ =	shalt  }
0x79: {  	_ =	shalt  }
0x7a: {  	_ =	shalt  }
0x7b: {  	_ =	shalt  }
0x7c: {  	_ =	shalt  }
0x7d: {  	_ =	shalt  }
0x7e: {  	_ =	shalt  }
0x7f: {  	_ =	shalt  }
0x80: {  	_ =	shalt  }
0x81: {  	_ =	shalt  }
0x82: {  	_ =	shalt  }
0x83: {  	_ =	shalt  }
0x84: {  	_ =	shalt  }
0x85: {  	_ =	shalt  }
0x86: {  	_ =	shalt  }
0x87: {  	_ =	shalt  }
.Lfunc_end0:
.L_simem_size_0:
called_computation_lowered:
.L_overlay_start_0:
0x88: {  	s2 =	sld [smem:$0x3FD9]  }
0x89: {  	s3 =	sld [smem:$0x3FFE];
	_ =	sdelay $0x1  }
0x8a: {  	s1 =	srdreg.scid  }
0x8b: {  	s0 =	sand.u32 $0x1, s1  }
0x8c: {  	s17 =	sshll.u32 s0, $0xA;
	s2 =	sadd.s32 s3, s2  }
0x8d: {  	s2 =	sadd.s32 s2, s17  }
0x8e: {  	[smem:$0x3FC6] =	sst s2  }
0x8f: {  	_ = 	snop  }
0x90: {  	s2 =	sld [smem:$0x3FC9]  }
0x91: {  	s18 =	sld [smem:$0x3FD0];
	(tm) =	ssettm $0x1  }
0x92: {  	s4 =	sld [smem:$0x3FFB];
	_ =	sdelay $0x3  }
0x93: {  	_ =	strace s4  }
0x94: {  	s4 =	sld [smem:$0x3FFC];
	_ =	sdelay $0x3  }
0x95: {  	_ =	strace s4  }
0x96: {  	s4 =	sld [smem:$0x3FFD];
	_ =	sdelay $0x3  }
0x97: {  	_ =	strace s4  }
0x98: {  	_ =	strace $0x8FFFFFFF  }
0x99: {  	s19 =	sld [smem:$0x3FDB];
	_ =	sdelay $0x1  }
0x9a: {  	s5 =	simm.s32 $_scs_section_size  }
0x9b: {  	s6 =	simm.s32 $_size__tile_overlayer_lowered;
	s7 =	simm.s32 $_tile_overlayer_lowered  }
0x9c: {  	s22 =	simm.s32 $0x1BFF;
	s21 =	sshll.u32 s7, $0x1;
	s4 =	sadd.s32 s5, s19  }
0x9d: {  	s8 =	simm.s32 $0x0;
	s20 =	sshll.u32 s6, $0x1;
	s6 =	sadd.s32 s21, s4  }
0x9e: {  	[timem:s8], [sflag:s22] =	dma.local [hbm:s6], s20  }
0x9f: {  	_ =	swait.ge [sflag:s22], s20  }
0xa0: {  	s5 =	ssub.s32 $0x0, s20;
	[sflag:s22] =	ssyncset.done $0x0  }
0xa1: {  	[sflag:s22] =	ssyncadd.s32 s5;
	_ =	sdelay $0x1  }
0xa2: {  	s23 =	simm.s32 $0x1B8B  }
0xa3: {  	_ =	swait.ge [sflag:s23], $0x1  }
0xa4: {  	[sflag:s23] =	ssyncset.done $0x0  }
0xa5: {  	s25 =	simm.s32 $0x1B8E;
	s24 =	sld [smem:$0x3FFE];
	[sflag:s23] =	ssyncadd.s32 $0xFFFFFFFF  }
0xa6: {  	s26 =	simm.s32 $execute0_lowered;
	[smem:$0x3FD2] =	sst s25  }
0xa7: {  	s6 =	sshll.u32 s26, $0x1;
	_ =	strace $0x80000046;
	[dreg:$0x1] =	wrdreg $0xFFFFFFFF  }
0xa8: {  	s28 =	simm.s32 $_size_execute0_lowered;
	s4 =	sadd.s32 s4, s6;
	[dreg:$0x0] =	wrdreg $0x0  }
0xa9: {  	s6 =	sshll.u32 s28, $0x1;
	[dreg:$0x2] =	wrdreg s4  }
0xaa: {  	[dreg:$0x3] =	wrdreg s6  }
0xab: {  	[dreg:$0x4] =	wrdreg $0xC0  }
0xac: {  	_ =	task [dreg:s8], $0x5FFFF  }
0xad: {  	[dreg:$0x1] =	wrdreg $0xFFFFFFFF  }
0xae: {  	[dreg:$0x0] =	wrdreg $0x60  }
0xaf: {  	[dreg:$0x2] =	wrdreg s2  }
0xb0: {  	[dreg:$0x3] =	wrdreg s18  }
0xb1: {  	[dreg:$0x4] =	wrdreg s24  }
0xb2: {  	[dreg:$0x5] =	wrdreg $0x0  }
0xb3: {  	[dreg:$0x6] =	wrdreg $0x9  }
0xb4: {  	_ =	task.clear_ibuf [dreg:s8], $0x7FFFF;
	_ =	strace $0x90000046  }
0xb5: {  	s29 =	simm.s32 $0x9;
	_ =	strace $0x80000048  }
0xb6: {  	_ =	swait.ge [sflag:s29], $0x1  }
0xb7: {  	[sflag:s29] =	ssyncadd.s32 $0xFFFFFFFF  }
0xb8: {  	_ =	strace $0x90000048  }
0xb9: {  	_ =	sfence  }
0xba: {  	s30 =	sld [smem:$0x0];
	_ =	sdelay $0x2  }
0xbb: {  	s31 =	sshll.u32 s1, $0xD;
	s1 =	sshrl.u32 s1, $0x2  }
0xbc: {  	s3 =	sand.u32 $0x4000, s31;
	s1 =	sadd.s32 s1, s30  }
0xbd: {  	s0 =	sor.u32 s3, s0;
	s1 =	sshll.u32 s1, $0x11  }
0xbe: {  	s0 =	sor.u32 s1, s0  }
0xbf: {  	s0 =	sadd.s32 $0x8F2B, s0  }
0xc0: {  	[sflag:s0] =	ssyncadd.remote.s32 $0x1  }
0xc1: {  	_ =	sfence.sel $0xFFFF  }
0xc2: {  	[dreg:$0x0] =	wrdreg $0xFFFFFFFF;
	(pc) =	sbr.abs _section_cstart, $3  }
0xc3: {  	[dreg:$0x1] =	wrdreg $0xFFFFFFFF  }
0xc4: {  	_ =	task.clear_ibuf [dreg:s8], $0x2FFFF;
	_ =	strace $0x9FFFFFFF  }
0xc5: {  	(tm) =	ssettm $0x7FFFFFFF  }
tec
execute0_lowered:
.L_overlay_start_1:
0x0: {  	(tag) =	ssettag $0x1  }
0x1: {  	s0 =	rddreg [dreg:$0x0]  }
0x2: {  	s1 =	rddreg [dreg:$0x1];
	s2 =	srdreg.scid  }
0x3: {  	s4 =	rddreg [dreg:$0x2];
	s9 =	stileid.u32  }
0x4: {  	s3 =	rddreg [dreg:$0x3];
	s7 =	simm.s32 $0x0;
	s6 =	smul.u32 $0x14000, s9  }
0x5: {  	s2 =	sand.u32 $0x1, s2;
	s11 =	smul.u32 $0x50000, s9;
	s9 =	sshll.u32 s9, $0x1  }
0x6: {  	s5 =	smul.u32 $0x140000, s2;
	s8 =	ssub.s32 $0x2, s2;
	s2 =	sor.u32 s2, s9  }
0x7: {  	s28 =	simm.s32 $0x1;
	[smem:$0x7FF] =	sst s7;
	s13 =	smul.u32 $0x2800, s2  }
0x8: {  	s2 =	smul.u32 $0x500, s2;
	s5 =	sadd.s32 s6, s5;
	s6 =	sshrl.u32 s11, $0x2  }
0x9: {  	s30 =	simm.s32 $0x19000;
	_ =	strace $0x80000047;
	s12 =	sadd.s32 s6, s3  }
0xa: {  	s10 =	sshrl.u32 s8, $0x1;
	s17 =	sadd.s32 s1, s2;
	[dreg:$0x5] =	wrdreg s12  }
0xb: {  	s8 =	ssub.s32 s8, s10;
	s2 =	sadd.s32 s4, s2;
	[dreg:$0xa] =	wrdreg s17  }
0xc: {  	s31 =	simm.s32 $0x2;
	s29 =	smax.u32 s8, $0x1;
	[dreg:$0xb] =	wrdreg s2  }
0xd: {  	s5 =	sshrl.u32 s5, $0x3;
	s14 =	sadd.s32 $0x4000, s12;
	[dreg:$0x15] =	wrdreg s29  }
0xe: {  	s6 =	sshrl.u32 s13, $0x3;
	s15 =	sadd.s32 $0x8000, s12;
	[dreg:$0x6] =	wrdreg s14  }
0xf: {  	s8 =	simm.s32 $0x4;
	s16 =	sadd.s32 $0xC000, s12;
	[dreg:$0x7] =	wrdreg s15  }
0x10: {  	s9 =	sadd.s32 $0x10000, s12;
	s18 =	sadd.s32 $0x100, s6;
	[dreg:$0x8] =	wrdreg s16  }
0x11: {  	s5 =	sadd.s32 s5, s4;
	[dreg:$0x9] =	wrdreg s9;
	s19 =	sadd.s32 s1, s18  }
0x12: {  	s20 =	sadd.s32 $0x200, s6;
	s2 =	sadd.s32 s4, s18;
	[dreg:$0xc] =	wrdreg s19  }
0x13: {  	s22 =	sadd.s32 $0x300, s6;
	s21 =	sadd.s32 s1, s20;
	[dreg:$0xd] =	wrdreg s2  }
0x14: {  	s24 =	sadd.s32 $0x400, s6;
	s23 =	sadd.s32 s1, s22;
	[dreg:$0xe] =	wrdreg s21  }
0x15: {  	s17 =	simm.s32 $0x0;
	s1 =	sadd.s32 s1, s24;
	[dreg:$0x10] =	wrdreg s23  }
0x16: {  	s25 =	sadd.s32 s4, s24;
	s26 =	sadd.s32 $0xA000, s5;
	[dreg:$0x12] =	wrdreg s1  }
0x17: {  	s24 =	simm.s32 $0x0;
	s2 =	sadd.s32 s4, s20;
	[dreg:$0x13] =	wrdreg s25  }
0x18: {  	[dreg:$0x14] =	wrdreg s26;
	s23 =	simm.s32 $0x5;
	s26 =	simm.s32 $0x80  }
0x19: {  	s1 =	simm.s32 $0x3;
	[dreg:$0xf] =	wrdreg s2;
	s2 =	sadd.s32 s4, s22  }
0x1a: {  	v0 =	vimm.f32 $0.0e+00;
	s25 =	simm.s32 $0x14000;
	s22 =	simm.s32 $0x15000;
	[dreg:$0x11] =	wrdreg s2  }
.LBB2_1:
0x1b: {  	s18 =	simm.s32 $0x0;
	s19 =	simm.s32 $0x200  }
.LBB2_2:
0x1c: {  	p0 =	sne.s32 s19, $0xFE00;
	[tilespmem:s18+$0x15070] =	vst v0  }
0x1d: {  	[tilespmem:s18+$0x15000] =	vst v0  }
0x1e: {  	[tilespmem:s18+$0x15010] =	vst v0  }
.Ltmp0:
0x1f: {  	[tilespmem:s18+$0x15020] =	vst v0;
	(pc) =	sbr.rel @p0 .LBB2_2-.Ltmp0, $4  }
0x20: {  	[tilespmem:s18+$0x15030] =	vst v0  }
0x21: {  	[tilespmem:s18+$0x15040] =	vst v0  }
0x22: {  	[tilespmem:s18+$0x15050] =	vst v0  }
0x23: {  	[tilespmem:s18+$0x15060] =	vst v0;
	s18 =	sshra.s32 s19, $0x2;
	s19 =	sadd.s32 $0x200, s19  }
0x24: {  	[tilespmem:s18+$0x15070] =	vst v0  }
0x25: {  	[tilespmem:s18+$0x15000] =	vst v0  }
0x26: {  	[tilespmem:s18+$0x15010] =	vst v0  }
0x27: {  	[tilespmem:s18+$0x15020] =	vst v0  }
0x28: {  	[tilespmem:s18+$0x15030] =	vst v0  }
0x29: {  	[tilespmem:s18+$0x15040] =	vst v0  }
0x2a: {  	[tilespmem:s18+$0x15050] =	vst v0  }
0x2b: {  	[tilespmem:s18+$0x15060] =	vst v0;
	s2 =	rddreg [dreg:$0x5]  }
0x2c: {  	[spmem:s2] =	stream.linear.scatter [tilespmem:s22], [sflag:$0x5], $0x4000, $0x38;
	[tilespmem:$0x1D000] =	vst v63  }
0x2d: {  	_ =	swait.ge [sflag:s23], $0x4000  }
0x2e: {  	[sflag:s23] =	ssyncset.done $0x0  }
0x2f: {  	s9 =	rddreg [dreg:$0x6];
	[sflag:s23] =	ssyncadd.s32 $0xFFFFC000  }
0x30: {  	[spmem:s9] =	stream.linear.scatter [tilespmem:s22], [sflag:$0x5], $0x4000, $0x38;
	[tilespmem:$0x1D000] =	vst v63  }
0x31: {  	_ =	swait.ge [sflag:s23], $0x4000  }
0x32: {  	[sflag:s23] =	ssyncset.done $0x0  }
0x33: {  	s10 =	rddreg [dreg:$0x7];
	[sflag:s23] =	ssyncadd.s32 $0xFFFFC000  }
0x34: {  	[spmem:s10] =	stream.linear.scatter [tilespmem:s22], [sflag:$0x5], $0x4000, $0x38;
	[tilespmem:$0x1D000] =	vst v63  }
0x35: {  	_ =	swait.ge [sflag:s23], $0x4000  }
0x36: {  	[sflag:s23] =	ssyncset.done $0x0  }
0x37: {  	s11 =	rddreg [dreg:$0x8];
	[sflag:s23] =	ssyncadd.s32 $0xFFFFC000  }
0x38: {  	[spmem:s11] =	stream.linear.scatter [tilespmem:s22], [sflag:$0x5], $0x4000, $0x38;
	[tilespmem:$0x1D000] =	vst v63  }
0x39: {  	_ =	swait.ge [sflag:s23], $0x4000  }
0x3a: {  	[sflag:s23] =	ssyncset.done $0x0  }
0x3b: {  	s12 =	rddreg [dreg:$0x9];
	[sflag:s23] =	ssyncadd.s32 $0xFFFFC000  }
0x3c: {  	[spmem:s12] =	stream.linear.scatter [tilespmem:s22], [sflag:$0x5], $0x4000, $0x38;
	[tilespmem:$0x1D000] =	vst v63  }
0x3d: {  	_ =	swait.ge [sflag:s23], $0x4000  }
0x3e: {  	[sflag:s23] =	ssyncset.done $0x0  }
0x3f: {  	[sflag:s23] =	ssyncadd.s32 $0xFFFFC000  }
0x40: {  	[bflag:$0x0] =	sbarrier.arrive $0xFFFF  }
0x41: {  	s13 =	rddreg [dreg:$0xa]  }
0x42: {  	[tilespmem:s25], [sflag:$0x5] =	stream.linear.gather [hbm4b:s13+s24], $0x800, $0x38;
	[tilespmem:$0x1D000] =	vst v63  }
0x43: {  	_ =	swait.ge [sflag:s23], $0x800  }
0x44: {  	[sflag:s23] =	ssyncset.done $0x0  }
0x45: {  	s4 =	simm.s32 $0x14800;
	s14 =	rddreg [dreg:$0xb];
	[sflag:s23] =	ssyncadd.s32 $0xFFFFF800  }
0x46: {  	[tilespmem:s4], [sflag:$0x5] =	stream.linear.gather [hbm4b:s14+s24], $0x800, $0x38;
	[tilespmem:$0x1D000] =	vst v63  }
0x47: {  	_ =	swait.ge [sflag:s23], $0x800  }
0x48: {  	[sflag:s23] =	ssyncset.done $0x0  }
0x49: {  	[sflag:s23] =	ssyncadd.s32 $0xFFFFF800  }
0x4a: {  	[tilespmem:s22], [sflag:$0x1] =	stream.indirect.gather [hbm4b:s0+s26], $0x80, s25, s26, $0xb8;
	[tilespmem:$0x1D000] =	vst v63  }
0x4b: {  	_ =	swait.ge [sflag:s28], $0x4000  }
0x4c: {  	[sflag:s28] =	ssyncset.done $0x0  }
0x4d: {  	[sflag:s28] =	ssyncadd.s32 $0xFFFFC000  }
0x4e: {  	[spmem:s3] =	stream.indirect.scatter.add.f32 [tilespmem:s22], [sflag:$0x3], $0x80, s4, s26, $0xb8;
	[tilespmem:$0x1D000] =	vst v63  }
0x4f: {  	s15 =	simm.s32 $0x14080  }
0x50: {  	[tilespmem:s30], [sflag:$0x2] =	stream.indirect.gather [hbm4b:s0+s26], $0x80, s15, s26, $0xb8;
	[tilespmem:$0x1D000] =	vst v63  }
0x51: {  	_ =	swait.ge [sflag:s31], $0x4000  }
0x52: {  	[sflag:s31] =	ssyncset.done $0x0  }
0x53: {  	s16 =	simm.s32 $0x14880;
	[sflag:s31] =	ssyncadd.s32 $0xFFFFC000  }
0x54: {  	[spmem:s3] =	stream.indirect.scatter.add.f32 [tilespmem:s30], [sflag:$0x4], $0x80, s16, s26, $0xb8;
	[tilespmem:$0x1D000] =	vst v63  }
0x55: {  	_ =	swait.ge [sflag:s1], $0x4000  }
0x56: {  	[sflag:s1] =	ssyncset.done $0x0  }
0x57: {  	s18 =	simm.s32 $0x14100;
	[sflag:s1] =	ssyncadd.s32 $0xFFFFC000  }
0x58: {  	[tilespmem:s22], [sflag:$0x1] =	stream.indirect.gather [hbm4b:s0+s26], $0x80, s18, s26, $0xb8;
	[tilespmem:$0x1D000] =	vst v63  }
0x59: {  	_ =	swait.ge [sflag:s28], $0x4000  }
0x5a: {  	[sflag:s28] =	ssyncset.done $0x0  }
0x5b: {  	s19 =	simm.s32 $0x14900;
	[sflag:s28] =	ssyncadd.s32 $0xFFFFC000  }
0x5c: {  	[spmem:s3] =	stream.indirect.scatter.add.f32 [tilespmem:s22], [sflag:$0x3], $0x80, s19, s26, $0xb8;
	[tilespmem:$0x1D000] =	vst v63  }
0x5d: {  	_ =	swait.ge [sflag:s8], $0x4000  }
0x5e: {  	[sflag:s8] =	ssyncset.done $0x0  }
0x5f: {  	s20 =	simm.s32 $0x14180;
	[sflag:s8] =	ssyncadd.s32 $0xFFFFC000  }
0x60: {  	[tilespmem:s30], [sflag:$0x2] =	stream.indirect.gather [hbm4b:s0+s26], $0x80, s20, s26, $0xb8;
	[tilespmem:$0x1D000] =	vst v63  }
0x61: {  	_ =	swait.ge [sflag:s31], $0x4000  }
0x62: {  	[sflag:s31] =	ssyncset.done $0x0  }
0x63: {  	s29 =	simm.s32 $0x14980;
	[sflag:s31] =	ssyncadd.s32 $0xFFFFC000  }
0x64: {  	[spmem:s3] =	stream.indirect.scatter.add.f32 [tilespmem:s30], [sflag:$0x4], $0x80, s29, s26, $0xb8;
	[tilespmem:$0x1D000] =	vst v63  }
0x65: {  	_ =	swait.ge [sflag:s1], $0x4000  }
0x66: {  	[sflag:s1] =	ssyncset.done $0x0  }
0x67: {  	s5 =	simm.s32 $0x14200;
	[sflag:s1] =	ssyncadd.s32 $0xFFFFC000  }
0x68: {  	[tilespmem:s22], [sflag:$0x1] =	stream.indirect.gather [hbm4b:s0+s26], $0x80, s5, s26, $0xb8;
	[tilespmem:$0x1D000] =	vst v63  }
0x69: {  	_ =	swait.ge [sflag:s28], $0x4000  }
0x6a: {  	[sflag:s28] =	ssyncset.done $0x0  }
0x6b: {  	s10 =	simm.s32 $0x14A00;
	[sflag:s28] =	ssyncadd.s32 $0xFFFFC000  }
0x6c: {  	[spmem:s3] =	stream.indirect.scatter.add.f32 [tilespmem:s22], [sflag:$0x3], $0x80, s10, s26, $0xb8;
	[tilespmem:$0x1D000] =	vst v63  }
0x6d: {  	_ =	swait.ge [sflag:s8], $0x4000  }
0x6e: {  	[sflag:s8] =	ssyncset.done $0x0  }
0x6f: {  	s11 =	simm.s32 $0x14280;
	[sflag:s8] =	ssyncadd.s32 $0xFFFFC000  }
0x70: {  	[tilespmem:s30], [sflag:$0x2] =	stream.indirect.gather [hbm4b:s0+s26], $0x80, s11, s26, $0xb8;
	[tilespmem:$0x1D000] =	vst v63  }
0x71: {  	_ =	swait.ge [sflag:s31], $0x4000  }
0x72: {  	[sflag:s31] =	ssyncset.done $0x0  }
0x73: {  	s12 =	simm.s32 $0x14A80;
	[sflag:s31] =	ssyncadd.s32 $0xFFFFC000  }
0x74: {  	[spmem:s3] =	stream.indirect.scatter.add.f32 [tilespmem:s30], [sflag:$0x4], $0x80, s12, s26, $0xb8;
	[tilespmem:$0x1D000] =	vst v63  }
0x75: {  	_ =	swait.ge [sflag:s1], $0x4000  }
0x76: {  	[sflag:s1] =	ssyncset.done $0x0  }
0x77: {  	s13 =	simm.s32 $0x14300;
	[sflag:s1] =	ssyncadd.s32 $0xFFFFC000  }
0x78: {  	[tilespmem:s22], [sflag:$0x1] =	stream.indirect.gather [hbm4b:s0+s26], $0x80, s13, s26, $0xb8;
	[tilespmem:$0x1D000] =	vst v63  }
0x79: {  	_ =	swait.ge [sflag:s28], $0x4000  }
0x7a: {  	[sflag:s28] =	ssyncset.done $0x0  }
0x7b: {  	s14 =	simm.s32 $0x14B00;
	[sflag:s28] =	ssyncadd.s32 $0xFFFFC000  }
0x7c: {  	[spmem:s3] =	stream.indirect.scatter.add.f32 [tilespmem:s22], [sflag:$0x3], $0x80, s14, s26, $0xb8;
	[tilespmem:$0x1D000] =	vst v63  }
0x7d: {  	_ =	swait.ge [sflag:s8], $0x4000  }
0x7e: {  	[sflag:s8] =	ssyncset.done $0x0  }
0x7f: {  	s15 =	simm.s32 $0x14380;
	[sflag:s8] =	ssyncadd.s32 $0xFFFFC000  }
0x80: {  	[tilespmem:s30], [sflag:$0x2] =	stream.indirect.gather [hbm4b:s0+s26], $0x80, s15, s26, $0xb8;
	[tilespmem:$0x1D000] =	vst v63  }
0x81: {  	_ =	swait.ge [sflag:s31], $0x4000  }
0x82: {  	[sflag:s31] =	ssyncset.done $0x0  }
0x83: {  	s16 =	simm.s32 $0x14B80;
	[sflag:s31] =	ssyncadd.s32 $0xFFFFC000  }
0x84: {  	[spmem:s3] =	stream.indirect.scatter.add.f32 [tilespmem:s30], [sflag:$0x4], $0x80, s16, s26, $0xb8;
	[tilespmem:$0x1D000] =	vst v63  }
0x85: {  	_ =	swait.ge [sflag:s1], $0x4000  }
0x86: {  	[sflag:s1] =	ssyncset.done $0x0  }
0x87: {  	s18 =	simm.s32 $0x14400;
	[sflag:s1] =	ssyncadd.s32 $0xFFFFC000  }
0x88: {  	[tilespmem:s22], [sflag:$0x1] =	stream.indirect.gather [hbm4b:s0+s26], $0x80, s18, s26, $0xb8;
	[tilespmem:$0x1D000] =	vst v63  }
0x89: {  	_ =	swait.ge [sflag:s28], $0x4000  }
0x8a: {  	[sflag:s28] =	ssyncset.done $0x0  }
0x8b: {  	s19 =	simm.s32 $0x14C00;
	[sflag:s28] =	ssyncadd.s32 $0xFFFFC000  }
0x8c: {  	[spmem:s3] =	stream.indirect.scatter.add.f32 [tilespmem:s22], [sflag:$0x3], $0x80, s19, s26, $0xb8;
	[tilespmem:$0x1D000] =	vst v63  }
0x8d: {  	_ =	swait.ge [sflag:s8], $0x4000  }
0x8e: {  	[sflag:s8] =	ssyncset.done $0x0  }
0x8f: {  	s20 =	simm.s32 $0x14480;
	[sflag:s8] =	ssyncadd.s32 $0xFFFFC000  }
0x90: {  	[tilespmem:s30], [sflag:$0x2] =	stream.indirect.gather [hbm4b:s0+s26], $0x80, s20, s26, $0xb8;
	[tilespmem:$0x1D000] =	vst v63  }
0x91: {  	_ =	swait.ge [sflag:s31], $0x4000  }
0x92: {  	[sflag:s31] =	ssyncset.done $0x0  }
0x93: {  	s29 =	simm.s32 $0x14C80;
	[sflag:s31] =	ssyncadd.s32 $0xFFFFC000  }
0x94: {  	[spmem:s3] =	stream.indirect.scatter.add.f32 [tilespmem:s30], [sflag:$0x4], $0x80, s29, s26, $0xb8;
	[tilespmem:$0x1D000] =	vst v63  }
0x95: {  	_ =	swait.ge [sflag:s1], $0x4000  }
0x96: {  	[sflag:s1] =	ssyncset.done $0x0  }
0x97: {  	s2 =	simm.s32 $0x14500;
	[sflag:s1] =	ssyncadd.s32 $0xFFFFC000  }
0x98: {  	[tilespmem:s22], [sflag:$0x1] =	stream.indirect.gather [hbm4b:s0+s26], $0x80, s2, s26, $0xb8;
	[tilespmem:$0x1D000] =	vst v63  }
0x99: {  	_ =	swait.ge [sflag:s28], $0x4000  }
0x9a: {  	[sflag:s28] =	ssyncset.done $0x0  }
0x9b: {  	s10 =	simm.s32 $0x14D00;
	[sflag:s28] =	ssyncadd.s32 $0xFFFFC000  }
0x9c: {  	[spmem:s3] =	stream.indirect.scatter.add.f32 [tilespmem:s22], [sflag:$0x3], $0x80, s10, s26, $0xb8;
	[tilespmem:$0x1D000] =	vst v63  }
0x9d: {  	_ =	swait.ge [sflag:s8], $0x4000  }
0x9e: {  	[sflag:s8] =	ssyncset.done $0x0  }
0x9f: {  	s11 =	simm.s32 $0x14580;
	[sflag:s8] =	ssyncadd.s32 $0xFFFFC000  }
0xa0: {  	[tilespmem:s30], [sflag:$0x2] =	stream.indirect.gather [hbm4b:s0+s26], $0x80, s11, s26, $0xb8;
	[tilespmem:$0x1D000] =	vst v63  }
0xa1: {  	_ =	swait.ge [sflag:s31], $0x4000  }
0xa2: {  	[sflag:s31] =	ssyncset.done $0x0  }
0xa3: {  	s12 =	simm.s32 $0x14D80;
	[sflag:s31] =	ssyncadd.s32 $0xFFFFC000  }
0xa4: {  	[spmem:s3] =	stream.indirect.scatter.add.f32 [tilespmem:s30], [sflag:$0x4], $0x80, s12, s26, $0xb8;
	[tilespmem:$0x1D000] =	vst v63  }
0xa5: {  	_ =	swait.ge [sflag:s1], $0x4000  }
0xa6: {  	[sflag:s1] =	ssyncset.done $0x0  }
0xa7: {  	s13 =	simm.s32 $0x14600;
	[sflag:s1] =	ssyncadd.s32 $0xFFFFC000  }
0xa8: {  	[tilespmem:s22], [sflag:$0x1] =	stream.indirect.gather [hbm4b:s0+s26], $0x80, s13, s26, $0xb8;
	[tilespmem:$0x1D000] =	vst v63  }
0xa9: {  	_ =	swait.ge [sflag:s28], $0x4000  }
0xaa: {  	[sflag:s28] =	ssyncset.done $0x0  }
0xab: {  	s14 =	simm.s32 $0x14E00;
	[sflag:s28] =	ssyncadd.s32 $0xFFFFC000  }
0xac: {  	[spmem:s3] =	stream.indirect.scatter.add.f32 [tilespmem:s22], [sflag:$0x3], $0x80, s14, s26, $0xb8;
	[tilespmem:$0x1D000] =	vst v63  }
0xad: {  	_ =	swait.ge [sflag:s8], $0x4000  }
0xae: {  	[sflag:s8] =	ssyncset.done $0x0  }
0xaf: {  	s15 =	simm.s32 $0x14680;
	[sflag:s8] =	ssyncadd.s32 $0xFFFFC000  }
0xb0: {  	[tilespmem:s30], [sflag:$0x2] =	stream.indirect.gather [hbm4b:s0+s26], $0x80, s15, s26, $0xb8;
	[tilespmem:$0x1D000] =	vst v63  }
0xb1: {  	_ =	swait.ge [sflag:s31], $0x4000  }
0xb2: {  	[sflag:s31] =	ssyncset.done $0x0  }
0xb3: {  	s16 =	simm.s32 $0x14E80;
	[sflag:s31] =	ssyncadd.s32 $0xFFFFC000  }
0xb4: {  	[spmem:s3] =	stream.indirect.scatter.add.f32 [tilespmem:s30], [sflag:$0x4], $0x80, s16, s26, $0xb8;
	[tilespmem:$0x1D000] =	vst v63  }
0xb5: {  	_ =	swait.ge [sflag:s1], $0x4000  }
0xb6: {  	[sflag:s1] =	ssyncset.done $0x0  }
0xb7: {  	s19 =	simm.s32 $0x14700;
	[sflag:s1] =	ssyncadd.s32 $0xFFFFC000  }
0xb8: {  	[tilespmem:s22], [sflag:$0x1] =	stream.indirect.gather [hbm4b:s0+s26], $0x80, s19, s26, $0xb8;
	[tilespmem:$0x1D000] =	vst v63  }
0xb9: {  	_ =	swait.ge [sflag:s28], $0x4000  }
0xba: {  	[sflag:s28] =	ssyncset.done $0x0  }
0xbb: {  	s29 =	simm.s32 $0x14F00;
	[sflag:s28] =	ssyncadd.s32 $0xFFFFC000  }
0xbc: {  	[spmem:s3] =	stream.indirect.scatter.add.f32 [tilespmem:s22], [sflag:$0x3], $0x80, s29, s26, $0xb8;
	[tilespmem:$0x1D000] =	vst v63  }
0xbd: {  	_ =	swait.ge [sflag:s8], $0x4000  }
0xbe: {  	[sflag:s8] =	ssyncset.done $0x0  }
0xbf: {  	s2 =	simm.s32 $0x14780;
	[sflag:s8] =	ssyncadd.s32 $0xFFFFC000  }
0xc0: {  	[tilespmem:s30], [sflag:$0x2] =	stream.indirect.gather [hbm4b:s0+s26], $0x80, s2, s26, $0xb8;
	[tilespmem:$0x1D000] =	vst v63  }
0xc1: {  	_ =	swait.ge [sflag:s31], $0x4000  }
0xc2: {  	[sflag:s31] =	ssyncset.done $0x0  }
0xc3: {  	s10 =	simm.s32 $0x14F80;
	[sflag:s31] =	ssyncadd.s32 $0xFFFFC000  }
0xc4: {  	[spmem:s3] =	stream.indirect.scatter.add.f32 [tilespmem:s30], [sflag:$0x4], $0x80, s10, s26, $0xb8;
	[tilespmem:$0x1D000] =	vst v63  }
0xc5: {  	_ =	swait.ge [sflag:s1], $0x4000  }
0xc6: {  	[sflag:s1] =	ssyncset.done $0x0  }
0xc7: {  	[sflag:s1] =	ssyncadd.s32 $0xFFFFC000  }
0xc8: {  	_ =	swait.ge [sflag:s8], $0x4000  }
0xc9: {  	[sflag:s8] =	ssyncset.done $0x0  }
0xca: {  	s11 =	rddreg [dreg:$0xc];
	[sflag:s8] =	ssyncadd.s32 $0xFFFFC000  }
0xcb: {  	[tilespmem:s25], [sflag:$0x5] =	stream.linear.gather [hbm4b:s11+s24], $0x800, $0x38;
	[tilespmem:$0x1D000] =	vst v63  }
0xcc: {  	_ =	swait.ge [sflag:s23], $0x800  }
0xcd: {  	[sflag:s23] =	ssyncset.done $0x0  }
0xce: {  	s12 =	rddreg [dreg:$0xd];
	[sflag:s23] =	ssyncadd.s32 $0xFFFFF800  }
0xcf: {  	[tilespmem:s4], [sflag:$0x5] =	stream.linear.gather [hbm4b:s12+s24], $0x800, $0x38;
	[tilespmem:$0x1D000] =	vst v63  }
0xd0: {  	_ =	swait.ge [sflag:s23], $0x800  }
0xd1: {  	[sflag:s23] =	ssyncset.done $0x0  }
0xd2: {  	[sflag:s23] =	ssyncadd.s32 $0xFFFFF800  }
0xd3: {  	[tilespmem:s22], [sflag:$0x1] =	stream.indirect.gather [hbm4b:s0+s26], $0x80, s25, s26, $0xb8;
	[tilespmem:$0x1D000] =	vst v63  }
0xd4: {  	_ =	swait.ge [sflag:s28], $0x4000  }
0xd5: {  	[sflag:s28] =	ssyncset.done $0x0  }
0xd6: {  	[sflag:s28] =	ssyncadd.s32 $0xFFFFC000  }
0xd7: {  	[spmem:s3] =	stream.indirect.scatter.add.f32 [tilespmem:s22], [sflag:$0x3], $0x80, s4, s26, $0xb8;
	[tilespmem:$0x1D000] =	vst v63  }
0xd8: {  	s9 =	simm.s32 $0x14080  }
0xd9: {  	[tilespmem:s30], [sflag:$0x2] =	stream.indirect.gather [hbm4b:s0+s26], $0x80, s9, s26, $0xb8;
	[tilespmem:$0x1D000] =	vst v63  }
0xda: {  	_ =	swait.ge [sflag:s31], $0x4000  }
0xdb: {  	[sflag:s31] =	ssyncset.done $0x0  }
0xdc: {  	s6 =	simm.s32 $0x14880;
	[sflag:s31] =	ssyncadd.s32 $0xFFFFC000  }
0xdd: {  	[spmem:s3] =	stream.indirect.scatter.add.f32 [tilespmem:s30], [sflag:$0x4], $0x80, s6, s26, $0xb8;
	[tilespmem:$0x1D000] =	vst v63  }
0xde: {  	_ =	swait.ge [sflag:s1], $0x4000  }
0xdf: {  	[sflag:s1] =	ssyncset.done $0x0  }
0xe0: {  	s21 =	simm.s32 $0x14100;
	[sflag:s1] =	ssyncadd.s32 $0xFFFFC000  }
0xe1: {  	[tilespmem:s22], [sflag:$0x1] =	stream.indirect.gather [hbm4b:s0+s26], $0x80, s21, s26, $0xb8;
	[tilespmem:$0x1D000] =	vst v63  }
0xe2: {  	_ =	swait.ge [sflag:s28], $0x4000  }
0xe3: {  	[sflag:s28] =	ssyncset.done $0x0  }
0xe4: {  	s7 =	simm.s32 $0x14900;
	[sflag:s28] =	ssyncadd.s32 $0xFFFFC000  }
0xe5: {  	[spmem:s3] =	stream.indirect.scatter.add.f32 [tilespmem:s22], [sflag:$0x3], $0x80, s7, s26, $0xb8;
	[tilespmem:$0x1D000] =	vst v63  }
0xe6: {  	_ =	swait.ge [sflag:s8], $0x4000  }
0xe7: {  	[sflag:s8] =	ssyncset.done $0x0  }
0xe8: {  	s21 =	simm.s32 $0x14180;
	[sflag:s8] =	ssyncadd.s32 $0xFFFFC000  }
0xe9: {  	[tilespmem:s30], [sflag:$0x2] =	stream.indirect.gather [hbm4b:s0+s26], $0x80, s21, s26, $0xb8;
	[tilespmem:$0x1D000] =	vst v63  }
0xea: {  	_ =	swait.ge [sflag:s31], $0x4000  }
0xeb: {  	[sflag:s31] =	ssyncset.done $0x0  }
0xec: {  	s29 =	simm.s32 $0x14980;
	[sflag:s31] =	ssyncadd.s32 $0xFFFFC000  }
0xed: {  	[spmem:s3] =	stream.indirect.scatter.add.f32 [tilespmem:s30], [sflag:$0x4], $0x80, s29, s26, $0xb8;
	[tilespmem:$0x1D000] =	vst v63  }
0xee: {  	_ =	swait.ge [sflag:s1], $0x4000  }
0xef: {  	[sflag:s1] =	ssyncset.done $0x0  }
0xf0: {  	s2 =	simm.s32 $0x14200;
	[sflag:s1] =	ssyncadd.s32 $0xFFFFC000  }
0xf1: {  	[tilespmem:s22], [sflag:$0x1] =	stream.indirect.gather [hbm4b:s0+s26], $0x80, s2, s26, $0xb8;
	[tilespmem:$0x1D000] =	vst v63  }
0xf2: {  	_ =	swait.ge [sflag:s28], $0x4000  }
0xf3: {  	[sflag:s28] =	ssyncset.done $0x0  }
0xf4: {  	s5 =	simm.s32 $0x14A00;
	[sflag:s28] =	ssyncadd.s32 $0xFFFFC000  }
0xf5: {  	[spmem:s3] =	stream.indirect.scatter.add.f32 [tilespmem:s22], [sflag:$0x3], $0x80, s5, s26, $0xb8;
	[tilespmem:$0x1D000] =	vst v63  }
0xf6: {  	_ =	swait.ge [sflag:s8], $0x4000  }
0xf7: {  	[sflag:s8] =	ssyncset.done $0x0  }
0xf8: {  	s6 =	simm.s32 $0x14280;
	[sflag:s8] =	ssyncadd.s32 $0xFFFFC000  }
0xf9: {  	[tilespmem:s30], [sflag:$0x2] =	stream.indirect.gather [hbm4b:s0+s26], $0x80, s6, s26, $0xb8;
	[tilespmem:$0x1D000] =	vst v63  }
0xfa: {  	_ =	swait.ge [sflag:s31], $0x4000  }
0xfb: {  	[sflag:s31] =	ssyncset.done $0x0  }
0xfc: {  	s5 =	simm.s32 $0x14A80;
	[sflag:s31] =	ssyncadd.s32 $0xFFFFC000  }
0xfd: {  	[spmem:s3] =	stream.indirect.scatter.add.f32 [tilespmem:s30], [sflag:$0x4], $0x80, s5, s26, $0xb8;
	[tilespmem:$0x1D000] =	vst v63  }
0xfe: {  	_ =	swait.ge [sflag:s1], $0x4000  }
0xff: {  	[sflag:s1] =	ssyncset.done $0x0  }
0x100: {  	s7 =	simm.s32 $0x14300;
	[sflag:s1] =	ssyncadd.s32 $0xFFFFC000  }
0x101: {  	[tilespmem:s22], [sflag:$0x1] =	stream.indirect.gather [hbm4b:s0+s26], $0x80, s7, s26, $0xb8;
	[tilespmem:$0x1D000] =	vst v63  }
0x102: {  	_ =	swait.ge [sflag:s28], $0x4000  }
0x103: {  	[sflag:s28] =	ssyncset.done $0x0  }
0x104: {  	s9 =	simm.s32 $0x14B00;
	[sflag:s28] =	ssyncadd.s32 $0xFFFFC000  }
0x105: {  	[spmem:s3] =	stream.indirect.scatter.add.f32 [tilespmem:s22], [sflag:$0x3], $0x80, s9, s26, $0xb8;
	[tilespmem:$0x1D000] =	vst v63  }
0x106: {  	_ =	swait.ge [sflag:s8], $0x4000  }
0x107: {  	[sflag:s8] =	ssyncset.done $0x0  }
0x108: {  	s10 =	simm.s32 $0x14380;
	[sflag:s8] =	ssyncadd.s32 $0xFFFFC000  }
0x109: {  	[tilespmem:s30], [sflag:$0x2] =	stream.indirect.gather [hbm4b:s0+s26], $0x80, s10, s26, $0xb8;
	[tilespmem:$0x1D000] =	vst v63  }
0x10a: {  	_ =	swait.ge [sflag:s31], $0x4000  }
0x10b: {  	[sflag:s31] =	ssyncset.done $0x0  }
0x10c: {  	s11 =	simm.s32 $0x14B80;
	[sflag:s31] =	ssyncadd.s32 $0xFFFFC000  }
0x10d: {  	[spmem:s3] =	stream.indirect.scatter.add.f32 [tilespmem:s30], [sflag:$0x4], $0x80, s11, s26, $0xb8;
	[tilespmem:$0x1D000] =	vst v63  }
0x10e: {  	_ =	swait.ge [sflag:s1], $0x4000  }
0x10f: {  	[sflag:s1] =	ssyncset.done $0x0  }
0x110: {  	s12 =	simm.s32 $0x14400;
	[sflag:s1] =	ssyncadd.s32 $0xFFFFC000  }
0x111: {  	[tilespmem:s22], [sflag:$0x1] =	stream.indirect.gather [hbm4b:s0+s26], $0x80, s12, s26, $0xb8;
	[tilespmem:$0x1D000] =	vst v63  }
0x112: {  	_ =	swait.ge [sflag:s28], $0x4000  }
0x113: {  	[sflag:s28] =	ssyncset.done $0x0  }
0x114: {  	s18 =	simm.s32 $0x14C00;
	[sflag:s28] =	ssyncadd.s32 $0xFFFFC000  }
0x115: {  	[spmem:s3] =	stream.indirect.scatter.add.f32 [tilespmem:s22], [sflag:$0x3], $0x80, s18, s26, $0xb8;
	[tilespmem:$0x1D000] =	vst v63  }
0x116: {  	_ =	swait.ge [sflag:s8], $0x4000  }
0x117: {  	[sflag:s8] =	ssyncset.done $0x0  }
0x118: {  	s18 =	simm.s32 $0x14480;
	[sflag:s8] =	ssyncadd.s32 $0xFFFFC000  }
0x119: {  	[tilespmem:s30], [sflag:$0x2] =	stream.indirect.gather [hbm4b:s0+s26], $0x80, s18, s26, $0xb8;
	[tilespmem:$0x1D000] =	vst v63  }
0x11a: {  	_ =	swait.ge [sflag:s31], $0x4000  }
0x11b: {  	[sflag:s31] =	ssyncset.done $0x0  }
0x11c: {  	s20 =	simm.s32 $0x14C80;
	[sflag:s31] =	ssyncadd.s32 $0xFFFFC000  }
0x11d: {  	[spmem:s3] =	stream.indirect.scatter.add.f32 [tilespmem:s30], [sflag:$0x4], $0x80, s20, s26, $0xb8;
	[tilespmem:$0x1D000] =	vst v63  }
0x11e: {  	_ =	swait.ge [sflag:s1], $0x4000  }
0x11f: {  	[sflag:s1] =	ssyncset.done $0x0  }
0x120: {  	s18 =	simm.s32 $0x14500;
	[sflag:s1] =	ssyncadd.s32 $0xFFFFC000  }
0x121: {  	[tilespmem:s22], [sflag:$0x1] =	stream.indirect.gather [hbm4b:s0+s26], $0x80, s18, s26, $0xb8;
	[tilespmem:$0x1D000] =	vst v63  }
0x122: {  	_ =	swait.ge [sflag:s28], $0x4000  }
0x123: {  	[sflag:s28] =	ssyncset.done $0x0  }
0x124: {  	s18 =	simm.s32 $0x14D00;
	[sflag:s28] =	ssyncadd.s32 $0xFFFFC000  }
0x125: {  	[spmem:s3] =	stream.indirect.scatter.add.f32 [tilespmem:s22], [sflag:$0x3], $0x80, s18, s26, $0xb8;
	[tilespmem:$0x1D000] =	vst v63  }
0x126: {  	_ =	swait.ge [sflag:s8], $0x4000  }
0x127: {  	[sflag:s8] =	ssyncset.done $0x0  }
0x128: {  	s18 =	simm.s32 $0x14580;
	[sflag:s8] =	ssyncadd.s32 $0xFFFFC000  }
0x129: {  	[tilespmem:s30], [sflag:$0x2] =	stream.indirect.gather [hbm4b:s0+s26], $0x80, s18, s26, $0xb8;
	[tilespmem:$0x1D000] =	vst v63  }
0x12a: {  	_ =	swait.ge [sflag:s31], $0x4000  }
0x12b: {  	[sflag:s31] =	ssyncset.done $0x0  }
0x12c: {  	s18 =	simm.s32 $0x14D80;
	[sflag:s31] =	ssyncadd.s32 $0xFFFFC000  }
0x12d: {  	[spmem:s3] =	stream.indirect.scatter.add.f32 [tilespmem:s30], [sflag:$0x4], $0x80, s18, s26, $0xb8;
	[tilespmem:$0x1D000] =	vst v63  }
0x12e: {  	_ =	swait.ge [sflag:s1], $0x4000  }
0x12f: {  	[sflag:s1] =	ssyncset.done $0x0  }
0x130: {  	s18 =	simm.s32 $0x14600;
	[sflag:s1] =	ssyncadd.s32 $0xFFFFC000  }
0x131: {  	[tilespmem:s22], [sflag:$0x1] =	stream.indirect.gather [hbm4b:s0+s26], $0x80, s18, s26, $0xb8;
	[tilespmem:$0x1D000] =	vst v63  }
0x132: {  	_ =	swait.ge [sflag:s28], $0x4000  }
0x133: {  	[sflag:s28] =	ssyncset.done $0x0  }
0x134: {  	s18 =	simm.s32 $0x14E00;
	[sflag:s28] =	ssyncadd.s32 $0xFFFFC000  }
0x135: {  	[spmem:s3] =	stream.indirect.scatter.add.f32 [tilespmem:s22], [sflag:$0x3], $0x80, s18, s26, $0xb8;
	[tilespmem:$0x1D000] =	vst v63  }
0x136: {  	_ =	swait.ge [sflag:s8], $0x4000  }
0x137: {  	[sflag:s8] =	ssyncset.done $0x0  }
0x138: {  	s18 =	simm.s32 $0x14680;
	[sflag:s8] =	ssyncadd.s32 $0xFFFFC000  }
0x139: {  	[tilespmem:s30], [sflag:$0x2] =	stream.indirect.gather [hbm4b:s0+s26], $0x80, s18, s26, $0xb8;
	[tilespmem:$0x1D000] =	vst v63  }
0x13a: {  	_ =	swait.ge [sflag:s31], $0x4000  }
0x13b: {  	[sflag:s31] =	ssyncset.done $0x0  }
0x13c: {  	s13 =	simm.s32 $0x14E80;
	[sflag:s31] =	ssyncadd.s32 $0xFFFFC000  }
0x13d: {  	[spmem:s3] =	stream.indirect.scatter.add.f32 [tilespmem:s30], [sflag:$0x4], $0x80, s13, s26, $0xb8;
	[tilespmem:$0x1D000] =	vst v63  }
0x13e: {  	_ =	swait.ge [sflag:s1], $0x4000  }
0x13f: {  	[sflag:s1] =	ssyncset.done $0x0  }
0x140: {  	s14 =	simm.s32 $0x14700;
	[sflag:s1] =	ssyncadd.s32 $0xFFFFC000  }
0x141: {  	[tilespmem:s22], [sflag:$0x1] =	stream.indirect.gather [hbm4b:s0+s26], $0x80, s14, s26, $0xb8;
	[tilespmem:$0x1D000] =	vst v63  }
0x142: {  	_ =	swait.ge [sflag:s28], $0x4000  }
0x143: {  	[sflag:s28] =	ssyncset.done $0x0  }
0x144: {  	s15 =	simm.s32 $0x14F00;
	[sflag:s28] =	ssyncadd.s32 $0xFFFFC000  }
0x145: {  	[spmem:s3] =	stream.indirect.scatter.add.f32 [tilespmem:s22], [sflag:$0x3], $0x80, s15, s26, $0xb8;
	[tilespmem:$0x1D000] =	vst v63  }
0x146: {  	_ =	swait.ge [sflag:s8], $0x4000  }
0x147: {  	[sflag:s8] =	ssyncset.done $0x0  }
0x148: {  	s16 =	simm.s32 $0x14780;
	[sflag:s8] =	ssyncadd.s32 $0xFFFFC000  }
0x149: {  	[tilespmem:s30], [sflag:$0x2] =	stream.indirect.gather [hbm4b:s0+s26], $0x80, s16, s26, $0xb8;
	[tilespmem:$0x1D000] =	vst v63  }
0x14a: {  	_ =	swait.ge [sflag:s31], $0x4000  }
0x14b: {  	[sflag:s31] =	ssyncset.done $0x0  }
0x14c: {  	s19 =	simm.s32 $0x14F80;
	[sflag:s31] =	ssyncadd.s32 $0xFFFFC000  }
0x14d: {  	[spmem:s3] =	stream.indirect.scatter.add.f32 [tilespmem:s30], [sflag:$0x4], $0x80, s19, s26, $0xb8;
	[tilespmem:$0x1D000] =	vst v63  }
0x14e: {  	_ =	swait.ge [sflag:s1], $0x4000  }
0x14f: {  	[sflag:s1] =	ssyncset.done $0x0  }
0x150: {  	[sflag:s1] =	ssyncadd.s32 $0xFFFFC000  }
0x151: {  	_ =	swait.ge [sflag:s8], $0x4000  }
0x152: {  	[sflag:s8] =	ssyncset.done $0x0  }
0x153: {  	s18 =	rddreg [dreg:$0xe];
	[sflag:s8] =	ssyncadd.s32 $0xFFFFC000  }
0x154: {  	[tilespmem:s25], [sflag:$0x5] =	stream.linear.gather [hbm4b:s18+s24], $0x800, $0x38;
	[tilespmem:$0x1D000] =	vst v63  }
0x155: {  	_ =	swait.ge [sflag:s23], $0x800  }
0x156: {  	[sflag:s23] =	ssyncset.done $0x0  }
0x157: {  	s18 =	rddreg [dreg:$0xf];
	[sflag:s23] =	ssyncadd.s32 $0xFFFFF800  }
0x158: {  	[tilespmem:s4], [sflag:$0x5] =	stream.linear.gather [hbm4b:s18+s24], $0x800, $0x38;
	[tilespmem:$0x1D000] =	vst v63  }
0x159: {  	_ =	swait.ge [sflag:s23], $0x800  }
0x15a: {  	[sflag:s23] =	ssyncset.done $0x0  }
0x15b: {  	[sflag:s23] =	ssyncadd.s32 $0xFFFFF800  }
0x15c: {  	[tilespmem:s22], [sflag:$0x1] =	stream.indirect.gather [hbm4b:s0+s26], $0x80, s25, s26, $0xb8;
	[tilespmem:$0x1D000] =	vst v63  }
0x15d: {  	_ =	swait.ge [sflag:s28], $0x4000  }
0x15e: {  	[sflag:s28] =	ssyncset.done $0x0  }
0x15f: {  	[sflag:s28] =	ssyncadd.s32 $0xFFFFC000  }
0x160: {  	[spmem:s3] =	stream.indirect.scatter.add.f32 [tilespmem:s22], [sflag:$0x3], $0x80, s4, s26, $0xb8;
	[tilespmem:$0x1D000] =	vst v63  }
0x161: {  	s18 =	simm.s32 $0x14080  }
0x162: {  	[tilespmem:s30], [sflag:$0x2] =	stream.indirect.gather [hbm4b:s0+s26], $0x80, s18, s26, $0xb8;
	[tilespmem:$0x1D000] =	vst v63  }
0x163: {  	_ =	swait.ge [sflag:s31], $0x4000  }
0x164: {  	[sflag:s31] =	ssyncset.done $0x0  }
0x165: {  	s18 =	simm.s32 $0x14880;
	[sflag:s31] =	ssyncadd.s32 $0xFFFFC000  }
0x166: {  	[spmem:s3] =	stream.indirect.scatter.add.f32 [tilespmem:s30], [sflag:$0x4], $0x80, s18, s26, $0xb8;
	[tilespmem:$0x1D000] =	vst v63  }
0x167: {  	_ =	swait.ge [sflag:s1], $0x4000  }
0x168: {  	[sflag:s1] =	ssyncset.done $0x0  }
0x169: {  	s18 =	simm.s32 $0x14100;
	[sflag:s1] =	ssyncadd.s32 $0xFFFFC000  }
0x16a: {  	[tilespmem:s22], [sflag:$0x1] =	stream.indirect.gather [hbm4b:s0+s26], $0x80, s18, s26, $0xb8;
	[tilespmem:$0x1D000] =	vst v63  }
0x16b: {  	_ =	swait.ge [sflag:s28], $0x4000  }
0x16c: {  	[sflag:s28] =	ssyncset.done $0x0  }
0x16d: {  	s18 =	simm.s32 $0x14900;
	[sflag:s28] =	ssyncadd.s32 $0xFFFFC000  }
0x16e: {  	[spmem:s3] =	stream.indirect.scatter.add.f32 [tilespmem:s22], [sflag:$0x3], $0x80, s18, s26, $0xb8;
	[tilespmem:$0x1D000] =	vst v63  }
0x16f: {  	_ =	swait.ge [sflag:s8], $0x4000  }
0x170: {  	[sflag:s8] =	ssyncset.done $0x0  }
0x171: {  	[sflag:s8] =	ssyncadd.s32 $0xFFFFC000  }
0x172: {  	[tilespmem:s30], [sflag:$0x2] =	stream.indirect.gather [hbm4b:s0+s26], $0x80, s21, s26, $0xb8;
	[tilespmem:$0x1D000] =	vst v63  }
0x173: {  	_ =	swait.ge [sflag:s31], $0x4000  }
0x174: {  	[sflag:s31] =	ssyncset.done $0x0  }
0x175: {  	[sflag:s31] =	ssyncadd.s32 $0xFFFFC000  }
0x176: {  	[spmem:s3] =	stream.indirect.scatter.add.f32 [tilespmem:s30], [sflag:$0x4], $0x80, s29, s26, $0xb8;
	[tilespmem:$0x1D000] =	vst v63  }
0x177: {  	_ =	swait.ge [sflag:s1], $0x4000  }
0x178: {  	[sflag:s1] =	ssyncset.done $0x0  }
0x179: {  	[sflag:s1] =	ssyncadd.s32 $0xFFFFC000  }
0x17a: {  	[tilespmem:s22], [sflag:$0x1] =	stream.indirect.gather [hbm4b:s0+s26], $0x80, s2, s26, $0xb8;
	[tilespmem:$0x1D000] =	vst v63  }
0x17b: {  	_ =	swait.ge [sflag:s28], $0x4000  }
0x17c: {  	[sflag:s28] =	ssyncset.done $0x0  }
0x17d: {  	s18 =	simm.s32 $0x14A00;
	[sflag:s28] =	ssyncadd.s32 $0xFFFFC000  }
0x17e: {  	[spmem:s3] =	stream.indirect.scatter.add.f32 [tilespmem:s22], [sflag:$0x3], $0x80, s18, s26, $0xb8;
	[tilespmem:$0x1D000] =	vst v63  }
0x17f: {  	_ =	swait.ge [sflag:s8], $0x4000  }
0x180: {  	[sflag:s8] =	ssyncset.done $0x0  }
0x181: {  	[sflag:s8] =	ssyncadd.s32 $0xFFFFC000  }
0x182: {  	[tilespmem:s30], [sflag:$0x2] =	stream.indirect.gather [hbm4b:s0+s26], $0x80, s6, s26, $0xb8;
	[tilespmem:$0x1D000] =	vst v63  }
0x183: {  	_ =	swait.ge [sflag:s31], $0x4000  }
0x184: {  	[sflag:s31] =	ssyncset.done $0x0  }
0x185: {  	[sflag:s31] =	ssyncadd.s32 $0xFFFFC000  }
0x186: {  	[spmem:s3] =	stream.indirect.scatter.add.f32 [tilespmem:s30], [sflag:$0x4], $0x80, s5, s26, $0xb8;
	[tilespmem:$0x1D000] =	vst v63  }
0x187: {  	_ =	swait.ge [sflag:s1], $0x4000  }
0x188: {  	[sflag:s1] =	ssyncset.done $0x0  }
0x189: {  	[sflag:s1] =	ssyncadd.s32 $0xFFFFC000  }
0x18a: {  	[tilespmem:s22], [sflag:$0x1] =	stream.indirect.gather [hbm4b:s0+s26], $0x80, s7, s26, $0xb8;
	[tilespmem:$0x1D000] =	vst v63  }
0x18b: {  	_ =	swait.ge [sflag:s28], $0x4000  }
0x18c: {  	[sflag:s28] =	ssyncset.done $0x0  }
0x18d: {  	[sflag:s28] =	ssyncadd.s32 $0xFFFFC000  }
0x18e: {  	[spmem:s3] =	stream.indirect.scatter.add.f32 [tilespmem:s22], [sflag:$0x3], $0x80, s9, s26, $0xb8;
	[tilespmem:$0x1D000] =	vst v63  }
0x18f: {  	_ =	swait.ge [sflag:s8], $0x4000  }
0x190: {  	[sflag:s8] =	ssyncset.done $0x0  }
0x191: {  	[sflag:s8] =	ssyncadd.s32 $0xFFFFC000  }
0x192: {  	[tilespmem:s30], [sflag:$0x2] =	stream.indirect.gather [hbm4b:s0+s26], $0x80, s10, s26, $0xb8;
	[tilespmem:$0x1D000] =	vst v63  }
0x193: {  	_ =	swait.ge [sflag:s31], $0x4000  }
0x194: {  	[sflag:s31] =	ssyncset.done $0x0  }
0x195: {  	[sflag:s31] =	ssyncadd.s32 $0xFFFFC000  }
0x196: {  	[spmem:s3] =	stream.indirect.scatter.add.f32 [tilespmem:s30], [sflag:$0x4], $0x80, s11, s26, $0xb8;
	[tilespmem:$0x1D000] =	vst v63  }
0x197: {  	_ =	swait.ge [sflag:s1], $0x4000  }
0x198: {  	[sflag:s1] =	ssyncset.done $0x0  }
0x199: {  	[sflag:s1] =	ssyncadd.s32 $0xFFFFC000  }
0x19a: {  	[tilespmem:s22], [sflag:$0x1] =	stream.indirect.gather [hbm4b:s0+s26], $0x80, s12, s26, $0xb8;
	[tilespmem:$0x1D000] =	vst v63  }
0x19b: {  	_ =	swait.ge [sflag:s28], $0x4000  }
0x19c: {  	[sflag:s28] =	ssyncset.done $0x0  }
0x19d: {  	s18 =	simm.s32 $0x14C00;
	[sflag:s28] =	ssyncadd.s32 $0xFFFFC000  }
0x19e: {  	[spmem:s3] =	stream.indirect.scatter.add.f32 [tilespmem:s22], [sflag:$0x3], $0x80, s18, s26, $0xb8;
	[tilespmem:$0x1D000] =	vst v63  }
0x19f: {  	_ =	swait.ge [sflag:s8], $0x4000  }
0x1a0: {  	[sflag:s8] =	ssyncset.done $0x0  }
0x1a1: {  	s18 =	simm.s32 $0x14480;
	[sflag:s8] =	ssyncadd.s32 $0xFFFFC000  }
0x1a2: {  	[tilespmem:s30], [sflag:$0x2] =	stream.indirect.gather [hbm4b:s0+s26], $0x80, s18, s26, $0xb8;
	[tilespmem:$0x1D000] =	vst v63  }
0x1a3: {  	_ =	swait.ge [sflag:s31], $0x4000  }
0x1a4: {  	[sflag:s31] =	ssyncset.done $0x0  }
0x1a5: {  	s20 =	simm.s32 $0x14C80;
	[sflag:s31] =	ssyncadd.s32 $0xFFFFC000  }
0x1a6: {  	[spmem:s3] =	stream.indirect.scatter.add.f32 [tilespmem:s30], [sflag:$0x4], $0x80, s20, s26, $0xb8;
	[tilespmem:$0x1D000] =	vst v63  }
0x1a7: {  	_ =	swait.ge [sflag:s1], $0x4000  }
0x1a8: {  	[sflag:s1] =	ssyncset.done $0x0  }
0x1a9: {  	s18 =	simm.s32 $0x14500;
	[sflag:s1] =	ssyncadd.s32 $0xFFFFC000  }
0x1aa: {  	[tilespmem:s22], [sflag:$0x1] =	stream.indirect.gather [hbm4b:s0+s26], $0x80, s18, s26, $0xb8;
	[tilespmem:$0x1D000] =	vst v63  }
0x1ab: {  	_ =	swait.ge [sflag:s28], $0x4000  }
0x1ac: {  	[sflag:s28] =	ssyncset.done $0x0  }
0x1ad: {  	s18 =	simm.s32 $0x14D00;
	[sflag:s28] =	ssyncadd.s32 $0xFFFFC000  }
0x1ae: {  	[spmem:s3] =	stream.indirect.scatter.add.f32 [tilespmem:s22], [sflag:$0x3], $0x80, s18, s26, $0xb8;
	[tilespmem:$0x1D000] =	vst v63  }
0x1af: {  	_ =	swait.ge [sflag:s8], $0x4000  }
0x1b0: {  	[sflag:s8] =	ssyncset.done $0x0  }
0x1b1: {  	s18 =	simm.s32 $0x14580;
	[sflag:s8] =	ssyncadd.s32 $0xFFFFC000  }
0x1b2: {  	[tilespmem:s30], [sflag:$0x2] =	stream.indirect.gather [hbm4b:s0+s26], $0x80, s18, s26, $0xb8;
	[tilespmem:$0x1D000] =	vst v63  }
0x1b3: {  	_ =	swait.ge [sflag:s31], $0x4000  }
0x1b4: {  	[sflag:s31] =	ssyncset.done $0x0  }
0x1b5: {  	s18 =	simm.s32 $0x14D80;
	[sflag:s31] =	ssyncadd.s32 $0xFFFFC000  }
0x1b6: {  	[spmem:s3] =	stream.indirect.scatter.add.f32 [tilespmem:s30], [sflag:$0x4], $0x80, s18, s26, $0xb8;
	[tilespmem:$0x1D000] =	vst v63  }
0x1b7: {  	_ =	swait.ge [sflag:s1], $0x4000  }
0x1b8: {  	[sflag:s1] =	ssyncset.done $0x0  }
0x1b9: {  	s18 =	simm.s32 $0x14600;
	[sflag:s1] =	ssyncadd.s32 $0xFFFFC000  }
0x1ba: {  	[tilespmem:s22], [sflag:$0x1] =	stream.indirect.gather [hbm4b:s0+s26], $0x80, s18, s26, $0xb8;
	[tilespmem:$0x1D000] =	vst v63  }
0x1bb: {  	_ =	swait.ge [sflag:s28], $0x4000  }
0x1bc: {  	[sflag:s28] =	ssyncset.done $0x0  }
0x1bd: {  	s18 =	simm.s32 $0x14E00;
	[sflag:s28] =	ssyncadd.s32 $0xFFFFC000  }
0x1be: {  	[spmem:s3] =	stream.indirect.scatter.add.f32 [tilespmem:s22], [sflag:$0x3], $0x80, s18, s26, $0xb8;
	[tilespmem:$0x1D000] =	vst v63  }
0x1bf: {  	_ =	swait.ge [sflag:s8], $0x4000  }
0x1c0: {  	[sflag:s8] =	ssyncset.done $0x0  }
0x1c1: {  	s18 =	simm.s32 $0x14680;
	[sflag:s8] =	ssyncadd.s32 $0xFFFFC000  }
0x1c2: {  	[tilespmem:s30], [sflag:$0x2] =	stream.indirect.gather [hbm4b:s0+s26], $0x80, s18, s26, $0xb8;
	[tilespmem:$0x1D000] =	vst v63  }
0x1c3: {  	_ =	swait.ge [sflag:s31], $0x4000  }
0x1c4: {  	[sflag:s31] =	ssyncset.done $0x0  }
0x1c5: {  	s13 =	simm.s32 $0x14E80;
	[sflag:s31] =	ssyncadd.s32 $0xFFFFC000  }
0x1c6: {  	[spmem:s3] =	stream.indirect.scatter.add.f32 [tilespmem:s30], [sflag:$0x4], $0x80, s13, s26, $0xb8;
	[tilespmem:$0x1D000] =	vst v63  }
0x1c7: {  	_ =	swait.ge [sflag:s1], $0x4000  }
0x1c8: {  	[sflag:s1] =	ssyncset.done $0x0  }
0x1c9: {  	s14 =	simm.s32 $0x14700;
	[sflag:s1] =	ssyncadd.s32 $0xFFFFC000  }
0x1ca: {  	[tilespmem:s22], [sflag:$0x1] =	stream.indirect.gather [hbm4b:s0+s26], $0x80, s14, s26, $0xb8;
	[tilespmem:$0x1D000] =	vst v63  }
0x1cb: {  	_ =	swait.ge [sflag:s28], $0x4000  }
0x1cc: {  	[sflag:s28] =	ssyncset.done $0x0  }
0x1cd: {  	s15 =	simm.s32 $0x14F00;
	[sflag:s28] =	ssyncadd.s32 $0xFFFFC000  }
0x1ce: {  	[spmem:s3] =	stream.indirect.scatter.add.f32 [tilespmem:s22], [sflag:$0x3], $0x80, s15, s26, $0xb8;
	[tilespmem:$0x1D000] =	vst v63  }
0x1cf: {  	_ =	swait.ge [sflag:s8], $0x4000  }
0x1d0: {  	[sflag:s8] =	ssyncset.done $0x0  }
0x1d1: {  	s16 =	simm.s32 $0x14780;
	[sflag:s8] =	ssyncadd.s32 $0xFFFFC000  }
0x1d2: {  	[tilespmem:s30], [sflag:$0x2] =	stream.indirect.gather [hbm4b:s0+s26], $0x80, s16, s26, $0xb8;
	[tilespmem:$0x1D000] =	vst v63  }
0x1d3: {  	_ =	swait.ge [sflag:s31], $0x4000  }
0x1d4: {  	[sflag:s31] =	ssyncset.done $0x0  }
0x1d5: {  	s19 =	simm.s32 $0x14F80;
	[sflag:s31] =	ssyncadd.s32 $0xFFFFC000  }
0x1d6: {  	[spmem:s3] =	stream.indirect.scatter.add.f32 [tilespmem:s30], [sflag:$0x4], $0x80, s19, s26, $0xb8;
	[tilespmem:$0x1D000] =	vst v63  }
0x1d7: {  	_ =	swait.ge [sflag:s1], $0x4000  }
0x1d8: {  	[sflag:s1] =	ssyncset.done $0x0  }
0x1d9: {  	[sflag:s1] =	ssyncadd.s32 $0xFFFFC000  }
0x1da: {  	_ =	swait.ge [sflag:s8], $0x4000  }
0x1db: {  	[sflag:s8] =	ssyncset.done $0x0  }
0x1dc: {  	s15 =	rddreg [dreg:$0x10];
	[sflag:s8] =	ssyncadd.s32 $0xFFFFC000  }
0x1dd: {  	[tilespmem:s25], [sflag:$0x5] =	stream.linear.gather [hbm4b:s15+s24], $0x800, $0x38;
	[tilespmem:$0x1D000] =	vst v63  }
0x1de: {  	_ =	swait.ge [sflag:s23], $0x800  }
0x1df: {  	[sflag:s23] =	ssyncset.done $0x0  }
0x1e0: {  	s16 =	rddreg [dreg:$0x11];
	[sflag:s23] =	ssyncadd.s32 $0xFFFFF800  }
0x1e1: {  	[tilespmem:s4], [sflag:$0x5] =	stream.linear.gather [hbm4b:s16+s24], $0x800, $0x38;
	[tilespmem:$0x1D000] =	vst v63  }
0x1e2: {  	_ =	swait.ge [sflag:s23], $0x800  }
0x1e3: {  	[sflag:s23] =	ssyncset.done $0x0  }
0x1e4: {  	[sflag:s23] =	ssyncadd.s32 $0xFFFFF800  }
0x1e5: {  	[tilespmem:s22], [sflag:$0x1] =	stream.indirect.gather [hbm4b:s0+s26], $0x80, s25, s26, $0xb8;
	[tilespmem:$0x1D000] =	vst v63  }
0x1e6: {  	_ =	swait.ge [sflag:s28], $0x4000  }
0x1e7: {  	[sflag:s28] =	ssyncset.done $0x0  }
0x1e8: {  	[sflag:s28] =	ssyncadd.s32 $0xFFFFC000  }
0x1e9: {  	[spmem:s3] =	stream.indirect.scatter.add.f32 [tilespmem:s22], [sflag:$0x3], $0x80, s4, s26, $0xb8;
	[tilespmem:$0x1D000] =	vst v63  }
0x1ea: {  	s18 =	simm.s32 $0x14080  }
0x1eb: {  	[tilespmem:s30], [sflag:$0x2] =	stream.indirect.gather [hbm4b:s0+s26], $0x80, s18, s26, $0xb8;
	[tilespmem:$0x1D000] =	vst v63  }
0x1ec: {  	_ =	swait.ge [sflag:s31], $0x4000  }
0x1ed: {  	[sflag:s31] =	ssyncset.done $0x0  }
0x1ee: {  	s19 =	simm.s32 $0x14880;
	[sflag:s31] =	ssyncadd.s32 $0xFFFFC000  }
0x1ef: {  	[spmem:s3] =	stream.indirect.scatter.add.f32 [tilespmem:s30], [sflag:$0x4], $0x80, s19, s26, $0xb8;
	[tilespmem:$0x1D000] =	vst v63  }
0x1f0: {  	_ =	swait.ge [sflag:s1], $0x4000  }
0x1f1: {  	[sflag:s1] =	ssyncset.done $0x0  }
0x1f2: {  	s14 =	simm.s32 $0x14100;
	[sflag:s1] =	ssyncadd.s32 $0xFFFFC000  }
0x1f3: {  	[tilespmem:s22], [sflag:$0x1] =	stream.indirect.gather [hbm4b:s0+s26], $0x80, s14, s26, $0xb8;
	[tilespmem:$0x1D000] =	vst v63  }
0x1f4: {  	_ =	swait.ge [sflag:s28], $0x4000  }
0x1f5: {  	[sflag:s28] =	ssyncset.done $0x0  }
0x1f6: {  	s15 =	simm.s32 $0x14900;
	[sflag:s28] =	ssyncadd.s32 $0xFFFFC000  }
0x1f7: {  	[spmem:s3] =	stream.indirect.scatter.add.f32 [tilespmem:s22], [sflag:$0x3], $0x80, s15, s26, $0xb8;
	[tilespmem:$0x1D000] =	vst v63  }
0x1f8: {  	_ =	swait.ge [sflag:s8], $0x4000  }
0x1f9: {  	[sflag:s8] =	ssyncset.done $0x0  }
0x1fa: {  	s21 =	simm.s32 $0x14180;
	[sflag:s8] =	ssyncadd.s32 $0xFFFFC000  }
0x1fb: {  	[tilespmem:s30], [sflag:$0x2] =	stream.indirect.gather [hbm4b:s0+s26], $0x80, s21, s26, $0xb8;
	[tilespmem:$0x1D000] =	vst v63  }
0x1fc: {  	_ =	swait.ge [sflag:s31], $0x4000  }
0x1fd: {  	[sflag:s31] =	ssyncset.done $0x0  }
0x1fe: {  	s29 =	simm.s32 $0x14980;
	[sflag:s31] =	ssyncadd.s32 $0xFFFFC000  }
0x1ff: {  	[spmem:s3] =	stream.indirect.scatter.add.f32 [tilespmem:s30], [sflag:$0x4], $0x80, s29, s26, $0xb8;
	[tilespmem:$0x1D000] =	vst v63  }
0x200: {  	_ =	swait.ge [sflag:s1], $0x4000  }
0x201: {  	[sflag:s1] =	ssyncset.done $0x0  }
0x202: {  	s2 =	simm.s32 $0x14200;
	[sflag:s1] =	ssyncadd.s32 $0xFFFFC000  }
0x203: {  	[tilespmem:s22], [sflag:$0x1] =	stream.indirect.gather [hbm4b:s0+s26], $0x80, s2, s26, $0xb8;
	[tilespmem:$0x1D000] =	vst v63  }
0x204: {  	_ =	swait.ge [sflag:s28], $0x4000  }
0x205: {  	[sflag:s28] =	ssyncset.done $0x0  }
0x206: {  	s16 =	simm.s32 $0x14A00;
	[sflag:s28] =	ssyncadd.s32 $0xFFFFC000  }
0x207: {  	[spmem:s3] =	stream.indirect.scatter.add.f32 [tilespmem:s22], [sflag:$0x3], $0x80, s16, s26, $0xb8;
	[tilespmem:$0x1D000] =	vst v63  }
0x208: {  	_ =	swait.ge [sflag:s8], $0x4000  }
0x209: {  	[sflag:s8] =	ssyncset.done $0x0  }
0x20a: {  	s6 =	simm.s32 $0x14280;
	[sflag:s8] =	ssyncadd.s32 $0xFFFFC000  }
0x20b: {  	[tilespmem:s30], [sflag:$0x2] =	stream.indirect.gather [hbm4b:s0+s26], $0x80, s6, s26, $0xb8;
	[tilespmem:$0x1D000] =	vst v63  }
0x20c: {  	_ =	swait.ge [sflag:s31], $0x4000  }
0x20d: {  	[sflag:s31] =	ssyncset.done $0x0  }
0x20e: {  	s5 =	simm.s32 $0x14A80;
	[sflag:s31] =	ssyncadd.s32 $0xFFFFC000  }
0x20f: {  	[spmem:s3] =	stream.indirect.scatter.add.f32 [tilespmem:s30], [sflag:$0x4], $0x80, s5, s26, $0xb8;
	[tilespmem:$0x1D000] =	vst v63  }
0x210: {  	_ =	swait.ge [sflag:s1], $0x4000  }
0x211: {  	[sflag:s1] =	ssyncset.done $0x0  }
0x212: {  	s7 =	simm.s32 $0x14300;
	[sflag:s1] =	ssyncadd.s32 $0xFFFFC000  }
0x213: {  	[tilespmem:s22], [sflag:$0x1] =	stream.indirect.gather [hbm4b:s0+s26], $0x80, s7, s26, $0xb8;
	[tilespmem:$0x1D000] =	vst v63  }
0x214: {  	_ =	swait.ge [sflag:s28], $0x4000  }
0x215: {  	[sflag:s28] =	ssyncset.done $0x0  }
0x216: {  	s9 =	simm.s32 $0x14B00;
	[sflag:s28] =	ssyncadd.s32 $0xFFFFC000  }
0x217: {  	[spmem:s3] =	stream.indirect.scatter.add.f32 [tilespmem:s22], [sflag:$0x3], $0x80, s9, s26, $0xb8;
	[tilespmem:$0x1D000] =	vst v63  }
0x218: {  	_ =	swait.ge [sflag:s8], $0x4000  }
0x219: {  	[sflag:s8] =	ssyncset.done $0x0  }
0x21a: {  	s10 =	simm.s32 $0x14380;
	[sflag:s8] =	ssyncadd.s32 $0xFFFFC000  }
0x21b: {  	[tilespmem:s30], [sflag:$0x2] =	stream.indirect.gather [hbm4b:s0+s26], $0x80, s10, s26, $0xb8;
	[tilespmem:$0x1D000] =	vst v63  }
0x21c: {  	_ =	swait.ge [sflag:s31], $0x4000  }
0x21d: {  	[sflag:s31] =	ssyncset.done $0x0  }
0x21e: {  	s11 =	simm.s32 $0x14B80;
	[sflag:s31] =	ssyncadd.s32 $0xFFFFC000  }
0x21f: {  	[spmem:s3] =	stream.indirect.scatter.add.f32 [tilespmem:s30], [sflag:$0x4], $0x80, s11, s26, $0xb8;
	[tilespmem:$0x1D000] =	vst v63  }
0x220: {  	_ =	swait.ge [sflag:s1], $0x4000  }
0x221: {  	[sflag:s1] =	ssyncset.done $0x0  }
0x222: {  	s12 =	simm.s32 $0x14400;
	[sflag:s1] =	ssyncadd.s32 $0xFFFFC000  }
0x223: {  	[tilespmem:s22], [sflag:$0x1] =	stream.indirect.gather [hbm4b:s0+s26], $0x80, s12, s26, $0xb8;
	[tilespmem:$0x1D000] =	vst v63  }
0x224: {  	_ =	swait.ge [sflag:s28], $0x4000  }
0x225: {  	[sflag:s28] =	ssyncset.done $0x0  }
0x226: {  	s18 =	simm.s32 $0x14C00;
	[sflag:s28] =	ssyncadd.s32 $0xFFFFC000  }
0x227: {  	[spmem:s3] =	stream.indirect.scatter.add.f32 [tilespmem:s22], [sflag:$0x3], $0x80, s18, s26, $0xb8;
	[tilespmem:$0x1D000] =	vst v63  }
0x228: {  	_ =	swait.ge [sflag:s8], $0x4000  }
0x229: {  	[sflag:s8] =	ssyncset.done $0x0  }
0x22a: {  	s13 =	simm.s32 $0x14480;
	[sflag:s8] =	ssyncadd.s32 $0xFFFFC000  }
0x22b: {  	[tilespmem:s30], [sflag:$0x2] =	stream.indirect.gather [hbm4b:s0+s26], $0x80, s13, s26, $0xb8;
	[tilespmem:$0x1D000] =	vst v63  }
0x22c: {  	_ =	swait.ge [sflag:s31], $0x4000  }
0x22d: {  	[sflag:s31] =	ssyncset.done $0x0  }
0x22e: {  	s20 =	simm.s32 $0x14C80;
	[sflag:s31] =	ssyncadd.s32 $0xFFFFC000  }
0x22f: {  	[spmem:s3] =	stream.indirect.scatter.add.f32 [tilespmem:s30], [sflag:$0x4], $0x80, s20, s26, $0xb8;
	[tilespmem:$0x1D000] =	vst v63  }
0x230: {  	_ =	swait.ge [sflag:s1], $0x4000  }
0x231: {  	[sflag:s1] =	ssyncset.done $0x0  }
0x232: {  	s14 =	simm.s32 $0x14500;
	[sflag:s1] =	ssyncadd.s32 $0xFFFFC000  }
0x233: {  	[tilespmem:s22], [sflag:$0x1] =	stream.indirect.gather [hbm4b:s0+s26], $0x80, s14, s26, $0xb8;
	[tilespmem:$0x1D000] =	vst v63  }
0x234: {  	_ =	swait.ge [sflag:s28], $0x4000  }
0x235: {  	[sflag:s28] =	ssyncset.done $0x0  }
0x236: {  	s15 =	simm.s32 $0x14D00;
	[sflag:s28] =	ssyncadd.s32 $0xFFFFC000  }
0x237: {  	[spmem:s3] =	stream.indirect.scatter.add.f32 [tilespmem:s22], [sflag:$0x3], $0x80, s15, s26, $0xb8;
	[tilespmem:$0x1D000] =	vst v63  }
0x238: {  	_ =	swait.ge [sflag:s8], $0x4000  }
0x239: {  	[sflag:s8] =	ssyncset.done $0x0  }
0x23a: {  	s16 =	simm.s32 $0x14580;
	[sflag:s8] =	ssyncadd.s32 $0xFFFFC000  }
0x23b: {  	[tilespmem:s30], [sflag:$0x2] =	stream.indirect.gather [hbm4b:s0+s26], $0x80, s16, s26, $0xb8;
	[tilespmem:$0x1D000] =	vst v63  }
0x23c: {  	_ =	swait.ge [sflag:s31], $0x4000  }
0x23d: {  	[sflag:s31] =	ssyncset.done $0x0  }
0x23e: {  	s18 =	simm.s32 $0x14D80;
	[sflag:s31] =	ssyncadd.s32 $0xFFFFC000  }
0x23f: {  	[spmem:s3] =	stream.indirect.scatter.add.f32 [tilespmem:s30], [sflag:$0x4], $0x80, s18, s26, $0xb8;
	[tilespmem:$0x1D000] =	vst v63  }
0x240: {  	_ =	swait.ge [sflag:s1], $0x4000  }
0x241: {  	[sflag:s1] =	ssyncset.done $0x0  }
0x242: {  	s18 =	simm.s32 $0x14600;
	[sflag:s1] =	ssyncadd.s32 $0xFFFFC000  }
0x243: {  	[tilespmem:s22], [sflag:$0x1] =	stream.indirect.gather [hbm4b:s0+s26], $0x80, s18, s26, $0xb8;
	[tilespmem:$0x1D000] =	vst v63  }
0x244: {  	_ =	swait.ge [sflag:s28], $0x4000  }
0x245: {  	[sflag:s28] =	ssyncset.done $0x0  }
0x246: {  	s18 =	simm.s32 $0x14E00;
	[sflag:s28] =	ssyncadd.s32 $0xFFFFC000  }
0x247: {  	[spmem:s3] =	stream.indirect.scatter.add.f32 [tilespmem:s22], [sflag:$0x3], $0x80, s18, s26, $0xb8;
	[tilespmem:$0x1D000] =	vst v63  }
0x248: {  	_ =	swait.ge [sflag:s8], $0x4000  }
0x249: {  	[sflag:s8] =	ssyncset.done $0x0  }
0x24a: {  	s18 =	simm.s32 $0x14680;
	[sflag:s8] =	ssyncadd.s32 $0xFFFFC000  }
0x24b: {  	[tilespmem:s30], [sflag:$0x2] =	stream.indirect.gather [hbm4b:s0+s26], $0x80, s18, s26, $0xb8;
	[tilespmem:$0x1D000] =	vst v63  }
0x24c: {  	_ =	swait.ge [sflag:s31], $0x4000  }
0x24d: {  	[sflag:s31] =	ssyncset.done $0x0  }
0x24e: {  	s18 =	simm.s32 $0x14E80;
	[sflag:s31] =	ssyncadd.s32 $0xFFFFC000  }
0x24f: {  	[spmem:s3] =	stream.indirect.scatter.add.f32 [tilespmem:s30], [sflag:$0x4], $0x80, s18, s26, $0xb8;
	[tilespmem:$0x1D000] =	vst v63  }
0x250: {  	_ =	swait.ge [sflag:s1], $0x4000  }
0x251: {  	[sflag:s1] =	ssyncset.done $0x0  }
0x252: {  	s18 =	simm.s32 $0x14700;
	[sflag:s1] =	ssyncadd.s32 $0xFFFFC000  }
0x253: {  	[tilespmem:s22], [sflag:$0x1] =	stream.indirect.gather [hbm4b:s0+s26], $0x80, s18, s26, $0xb8;
	[tilespmem:$0x1D000] =	vst v63  }
0x254: {  	_ =	swait.ge [sflag:s28], $0x4000  }
0x255: {  	[sflag:s28] =	ssyncset.done $0x0  }
0x256: {  	s18 =	simm.s32 $0x14F00;
	[sflag:s28] =	ssyncadd.s32 $0xFFFFC000  }
0x257: {  	[spmem:s3] =	stream.indirect.scatter.add.f32 [tilespmem:s22], [sflag:$0x3], $0x80, s18, s26, $0xb8;
	[tilespmem:$0x1D000] =	vst v63  }
0x258: {  	_ =	swait.ge [sflag:s8], $0x4000  }
0x259: {  	[sflag:s8] =	ssyncset.done $0x0  }
0x25a: {  	s18 =	simm.s32 $0x14780;
	[sflag:s8] =	ssyncadd.s32 $0xFFFFC000  }
0x25b: {  	[tilespmem:s30], [sflag:$0x2] =	stream.indirect.gather [hbm4b:s0+s26], $0x80, s18, s26, $0xb8;
	[tilespmem:$0x1D000] =	vst v63  }
0x25c: {  	_ =	swait.ge [sflag:s31], $0x4000  }
0x25d: {  	[sflag:s31] =	ssyncset.done $0x0  }
0x25e: {  	s18 =	simm.s32 $0x14F80;
	[sflag:s31] =	ssyncadd.s32 $0xFFFFC000  }
0x25f: {  	[spmem:s3] =	stream.indirect.scatter.add.f32 [tilespmem:s30], [sflag:$0x4], $0x80, s18, s26, $0xb8;
	[tilespmem:$0x1D000] =	vst v63  }
0x260: {  	_ =	swait.ge [sflag:s1], $0x4000  }
0x261: {  	[sflag:s1] =	ssyncset.done $0x0  }
0x262: {  	[sflag:s1] =	ssyncadd.s32 $0xFFFFC000  }
0x263: {  	_ =	swait.ge [sflag:s8], $0x4000  }
0x264: {  	[sflag:s8] =	ssyncset.done $0x0  }
0x265: {  	s18 =	rddreg [dreg:$0x12];
	[sflag:s8] =	ssyncadd.s32 $0xFFFFC000  }
0x266: {  	[tilespmem:s25], [sflag:$0x5] =	stream.linear.gather [hbm4b:s18+s24], $0x800, $0x38;
	[tilespmem:$0x1D000] =	vst v63  }
0x267: {  	_ =	swait.ge [sflag:s23], $0x800  }
0x268: {  	[sflag:s23] =	ssyncset.done $0x0  }
0x269: {  	s18 =	rddreg [dreg:$0x13];
	[sflag:s23] =	ssyncadd.s32 $0xFFFFF800  }
0x26a: {  	[tilespmem:s4], [sflag:$0x5] =	stream.linear.gather [hbm4b:s18+s24], $0x800, $0x38;
	[tilespmem:$0x1D000] =	vst v63  }
0x26b: {  	_ =	swait.ge [sflag:s23], $0x800  }
0x26c: {  	[sflag:s23] =	ssyncset.done $0x0  }
0x26d: {  	[sflag:s23] =	ssyncadd.s32 $0xFFFFF800  }
0x26e: {  	[tilespmem:s22], [sflag:$0x1] =	stream.indirect.gather [hbm4b:s0+s26], $0x80, s25, s26, $0xb8;
	[tilespmem:$0x1D000] =	vst v63  }
0x26f: {  	_ =	swait.ge [sflag:s28], $0x4000  }
0x270: {  	[sflag:s28] =	ssyncset.done $0x0  }
0x271: {  	[sflag:s28] =	ssyncadd.s32 $0xFFFFC000  }
0x272: {  	[spmem:s3] =	stream.indirect.scatter.add.f32 [tilespmem:s22], [sflag:$0x3], $0x80, s4, s26, $0xb8;
	[tilespmem:$0x1D000] =	vst v63  }
0x273: {  	s18 =	simm.s32 $0x14080  }
0x274: {  	[tilespmem:s30], [sflag:$0x2] =	stream.indirect.gather [hbm4b:s0+s26], $0x80, s18, s26, $0xb8;
	[tilespmem:$0x1D000] =	vst v63  }
0x275: {  	_ =	swait.ge [sflag:s31], $0x4000  }
0x276: {  	[sflag:s31] =	ssyncset.done $0x0  }
0x277: {  	s18 =	simm.s32 $0x14880;
	[sflag:s31] =	ssyncadd.s32 $0xFFFFC000  }
0x278: {  	[spmem:s3] =	stream.indirect.scatter.add.f32 [tilespmem:s30], [sflag:$0x4], $0x80, s18, s26, $0xb8;
	[tilespmem:$0x1D000] =	vst v63  }
0x279: {  	_ =	swait.ge [sflag:s1], $0x4000  }
0x27a: {  	[sflag:s1] =	ssyncset.done $0x0  }
0x27b: {  	s18 =	simm.s32 $0x14100;
	[sflag:s1] =	ssyncadd.s32 $0xFFFFC000  }
0x27c: {  	[tilespmem:s22], [sflag:$0x1] =	stream.indirect.gather [hbm4b:s0+s26], $0x80, s18, s26, $0xb8;
	[tilespmem:$0x1D000] =	vst v63  }
0x27d: {  	_ =	swait.ge [sflag:s28], $0x4000  }
0x27e: {  	[sflag:s28] =	ssyncset.done $0x0  }
0x27f: {  	s18 =	simm.s32 $0x14900;
	[sflag:s28] =	ssyncadd.s32 $0xFFFFC000  }
0x280: {  	[spmem:s3] =	stream.indirect.scatter.add.f32 [tilespmem:s22], [sflag:$0x3], $0x80, s18, s26, $0xb8;
	[tilespmem:$0x1D000] =	vst v63  }
0x281: {  	_ =	swait.ge [sflag:s8], $0x4000  }
0x282: {  	[sflag:s8] =	ssyncset.done $0x0  }
0x283: {  	s19 =	simm.s32 $0x14180;
	[sflag:s8] =	ssyncadd.s32 $0xFFFFC000  }
0x284: {  	[tilespmem:s30], [sflag:$0x2] =	stream.indirect.gather [hbm4b:s0+s26], $0x80, s19, s26, $0xb8;
	[tilespmem:$0x1D000] =	vst v63  }
0x285: {  	_ =	swait.ge [sflag:s31], $0x4000  }
0x286: {  	[sflag:s31] =	ssyncset.done $0x0  }
0x287: {  	s21 =	simm.s32 $0x14980;
	[sflag:s31] =	ssyncadd.s32 $0xFFFFC000  }
0x288: {  	[spmem:s3] =	stream.indirect.scatter.add.f32 [tilespmem:s30], [sflag:$0x4], $0x80, s21, s26, $0xb8;
	[tilespmem:$0x1D000] =	vst v63  }
0x289: {  	_ =	swait.ge [sflag:s1], $0x4000  }
0x28a: {  	[sflag:s1] =	ssyncset.done $0x0  }
0x28b: {  	s29 =	simm.s32 $0x14200;
	[sflag:s1] =	ssyncadd.s32 $0xFFFFC000  }
0x28c: {  	[tilespmem:s22], [sflag:$0x1] =	stream.indirect.gather [hbm4b:s0+s26], $0x80, s29, s26, $0xb8;
	[tilespmem:$0x1D000] =	vst v63  }
0x28d: {  	_ =	swait.ge [sflag:s28], $0x4000  }
0x28e: {  	[sflag:s28] =	ssyncset.done $0x0  }
0x28f: {  	s29 =	simm.s32 $0x14A00;
	[sflag:s28] =	ssyncadd.s32 $0xFFFFC000  }
0x290: {  	[spmem:s3] =	stream.indirect.scatter.add.f32 [tilespmem:s22], [sflag:$0x3], $0x80, s29, s26, $0xb8;
	[tilespmem:$0x1D000] =	vst v63  }
0x291: {  	_ =	swait.ge [sflag:s8], $0x4000  }
0x292: {  	[sflag:s8] =	ssyncset.done $0x0  }
0x293: {  	s6 =	simm.s32 $0x14280;
	[sflag:s8] =	ssyncadd.s32 $0xFFFFC000  }
0x294: {  	[tilespmem:s30], [sflag:$0x2] =	stream.indirect.gather [hbm4b:s0+s26], $0x80, s6, s26, $0xb8;
	[tilespmem:$0x1D000] =	vst v63  }
0x295: {  	_ =	swait.ge [sflag:s31], $0x4000  }
0x296: {  	[sflag:s31] =	ssyncset.done $0x0  }
0x297: {  	s2 =	simm.s32 $0x14A80;
	[sflag:s31] =	ssyncadd.s32 $0xFFFFC000  }
0x298: {  	[spmem:s3] =	stream.indirect.scatter.add.f32 [tilespmem:s30], [sflag:$0x4], $0x80, s2, s26, $0xb8;
	[tilespmem:$0x1D000] =	vst v63  }
0x299: {  	_ =	swait.ge [sflag:s1], $0x4000  }
0x29a: {  	[sflag:s1] =	ssyncset.done $0x0  }
0x29b: {  	s5 =	simm.s32 $0x14300;
	[sflag:s1] =	ssyncadd.s32 $0xFFFFC000  }
0x29c: {  	[tilespmem:s22], [sflag:$0x1] =	stream.indirect.gather [hbm4b:s0+s26], $0x80, s5, s26, $0xb8;
	[tilespmem:$0x1D000] =	vst v63  }
0x29d: {  	_ =	swait.ge [sflag:s28], $0x4000  }
0x29e: {  	[sflag:s28] =	ssyncset.done $0x0  }
0x29f: {  	s7 =	simm.s32 $0x14B00;
	[sflag:s28] =	ssyncadd.s32 $0xFFFFC000  }
0x2a0: {  	[spmem:s3] =	stream.indirect.scatter.add.f32 [tilespmem:s22], [sflag:$0x3], $0x80, s7, s26, $0xb8;
	[tilespmem:$0x1D000] =	vst v63  }
0x2a1: {  	_ =	swait.ge [sflag:s8], $0x4000  }
0x2a2: {  	[sflag:s8] =	ssyncset.done $0x0  }
0x2a3: {  	s9 =	simm.s32 $0x14380;
	[sflag:s8] =	ssyncadd.s32 $0xFFFFC000  }
0x2a4: {  	[tilespmem:s30], [sflag:$0x2] =	stream.indirect.gather [hbm4b:s0+s26], $0x80, s9, s26, $0xb8;
	[tilespmem:$0x1D000] =	vst v63  }
0x2a5: {  	_ =	swait.ge [sflag:s31], $0x4000  }
0x2a6: {  	[sflag:s31] =	ssyncset.done $0x0  }
0x2a7: {  	s10 =	simm.s32 $0x14B80;
	[sflag:s31] =	ssyncadd.s32 $0xFFFFC000  }
0x2a8: {  	[spmem:s3] =	stream.indirect.scatter.add.f32 [tilespmem:s30], [sflag:$0x4], $0x80, s10, s26, $0xb8;
	[tilespmem:$0x1D000] =	vst v63  }
0x2a9: {  	_ =	swait.ge [sflag:s1], $0x4000  }
0x2aa: {  	[sflag:s1] =	ssyncset.done $0x0  }
0x2ab: {  	s11 =	simm.s32 $0x14400;
	[sflag:s1] =	ssyncadd.s32 $0xFFFFC000  }
0x2ac: {  	[tilespmem:s22], [sflag:$0x1] =	stream.indirect.gather [hbm4b:s0+s26], $0x80, s11, s26, $0xb8;
	[tilespmem:$0x1D000] =	vst v63  }
0x2ad: {  	_ =	swait.ge [sflag:s28], $0x4000  }
0x2ae: {  	[sflag:s28] =	ssyncset.done $0x0  }
0x2af: {  	s6 =	simm.s32 $0x14C00;
	[sflag:s28] =	ssyncadd.s32 $0xFFFFC000  }
0x2b0: {  	[spmem:s3] =	stream.indirect.scatter.add.f32 [tilespmem:s22], [sflag:$0x3], $0x80, s6, s26, $0xb8;
	[tilespmem:$0x1D000] =	vst v63  }
0x2b1: {  	_ =	swait.ge [sflag:s8], $0x4000  }
0x2b2: {  	[sflag:s8] =	ssyncset.done $0x0  }
0x2b3: {  	s12 =	simm.s32 $0x14480;
	[sflag:s8] =	ssyncadd.s32 $0xFFFFC000  }
0x2b4: {  	[tilespmem:s30], [sflag:$0x2] =	stream.indirect.gather [hbm4b:s0+s26], $0x80, s12, s26, $0xb8;
	[tilespmem:$0x1D000] =	vst v63  }
0x2b5: {  	_ =	swait.ge [sflag:s31], $0x4000  }
0x2b6: {  	[sflag:s31] =	ssyncset.done $0x0  }
0x2b7: {  	s13 =	simm.s32 $0x14C80;
	[sflag:s31] =	ssyncadd.s32 $0xFFFFC000  }
0x2b8: {  	[spmem:s3] =	stream.indirect.scatter.add.f32 [tilespmem:s30], [sflag:$0x4], $0x80, s13, s26, $0xb8;
	[tilespmem:$0x1D000] =	vst v63  }
0x2b9: {  	_ =	swait.ge [sflag:s1], $0x4000  }
0x2ba: {  	[sflag:s1] =	ssyncset.done $0x0  }
0x2bb: {  	s20 =	simm.s32 $0x14500;
	[sflag:s1] =	ssyncadd.s32 $0xFFFFC000  }
0x2bc: {  	[tilespmem:s22], [sflag:$0x1] =	stream.indirect.gather [hbm4b:s0+s26], $0x80, s20, s26, $0xb8;
	[tilespmem:$0x1D000] =	vst v63  }
0x2bd: {  	_ =	swait.ge [sflag:s28], $0x4000  }
0x2be: {  	[sflag:s28] =	ssyncset.done $0x0  }
0x2bf: {  	s14 =	simm.s32 $0x14D00;
	[sflag:s28] =	ssyncadd.s32 $0xFFFFC000  }
0x2c0: {  	[spmem:s3] =	stream.indirect.scatter.add.f32 [tilespmem:s22], [sflag:$0x3], $0x80, s14, s26, $0xb8;
	[tilespmem:$0x1D000] =	vst v63  }
0x2c1: {  	_ =	swait.ge [sflag:s8], $0x4000  }
0x2c2: {  	[sflag:s8] =	ssyncset.done $0x0  }
0x2c3: {  	s15 =	simm.s32 $0x14580;
	[sflag:s8] =	ssyncadd.s32 $0xFFFFC000  }
0x2c4: {  	[tilespmem:s30], [sflag:$0x2] =	stream.indirect.gather [hbm4b:s0+s26], $0x80, s15, s26, $0xb8;
	[tilespmem:$0x1D000] =	vst v63  }
0x2c5: {  	_ =	swait.ge [sflag:s31], $0x4000  }
0x2c6: {  	[sflag:s31] =	ssyncset.done $0x0  }
0x2c7: {  	s16 =	simm.s32 $0x14D80;
	[sflag:s31] =	ssyncadd.s32 $0xFFFFC000  }
0x2c8: {  	[spmem:s3] =	stream.indirect.scatter.add.f32 [tilespmem:s30], [sflag:$0x4], $0x80, s16, s26, $0xb8;
	[tilespmem:$0x1D000] =	vst v63  }
0x2c9: {  	_ =	swait.ge [sflag:s1], $0x4000  }
0x2ca: {  	[sflag:s1] =	ssyncset.done $0x0  }
0x2cb: {  	s7 =	simm.s32 $0x14600;
	[sflag:s1] =	ssyncadd.s32 $0xFFFFC000  }
0x2cc: {  	[tilespmem:s22], [sflag:$0x1] =	stream.indirect.gather [hbm4b:s0+s26], $0x80, s7, s26, $0xb8;
	[tilespmem:$0x1D000] =	vst v63  }
0x2cd: {  	_ =	swait.ge [sflag:s28], $0x4000  }
0x2ce: {  	[sflag:s28] =	ssyncset.done $0x0  }
0x2cf: {  	s9 =	simm.s32 $0x14E00;
	[sflag:s28] =	ssyncadd.s32 $0xFFFFC000  }
0x2d0: {  	[spmem:s3] =	stream.indirect.scatter.add.f32 [tilespmem:s22], [sflag:$0x3], $0x80, s9, s26, $0xb8;
	[tilespmem:$0x1D000] =	vst v63  }
0x2d1: {  	_ =	swait.ge [sflag:s8], $0x4000  }
0x2d2: {  	[sflag:s8] =	ssyncset.done $0x0  }
0x2d3: {  	s10 =	simm.s32 $0x14680;
	[sflag:s8] =	ssyncadd.s32 $0xFFFFC000  }
0x2d4: {  	[tilespmem:s30], [sflag:$0x2] =	stream.indirect.gather [hbm4b:s0+s26], $0x80, s10, s26, $0xb8;
	[tilespmem:$0x1D000] =	vst v63  }
0x2d5: {  	_ =	swait.ge [sflag:s31], $0x4000  }
0x2d6: {  	[sflag:s31] =	ssyncset.done $0x0  }
0x2d7: {  	s11 =	simm.s32 $0x14E80;
	[sflag:s31] =	ssyncadd.s32 $0xFFFFC000  }
0x2d8: {  	[spmem:s3] =	stream.indirect.scatter.add.f32 [tilespmem:s30], [sflag:$0x4], $0x80, s11, s26, $0xb8;
	[tilespmem:$0x1D000] =	vst v63  }
0x2d9: {  	_ =	swait.ge [sflag:s1], $0x4000  }
0x2da: {  	[sflag:s1] =	ssyncset.done $0x0  }
0x2db: {  	s12 =	simm.s32 $0x14700;
	[sflag:s1] =	ssyncadd.s32 $0xFFFFC000  }
0x2dc: {  	[tilespmem:s22], [sflag:$0x1] =	stream.indirect.gather [hbm4b:s0+s26], $0x80, s12, s26, $0xb8;
	[tilespmem:$0x1D000] =	vst v63  }
0x2dd: {  	_ =	swait.ge [sflag:s28], $0x4000  }
0x2de: {  	[sflag:s28] =	ssyncset.done $0x0  }
0x2df: {  	s13 =	simm.s32 $0x14F00;
	[sflag:s28] =	ssyncadd.s32 $0xFFFFC000  }
0x2e0: {  	[spmem:s3] =	stream.indirect.scatter.add.f32 [tilespmem:s22], [sflag:$0x3], $0x80, s13, s26, $0xb8;
	[tilespmem:$0x1D000] =	vst v63  }
0x2e1: {  	_ =	swait.ge [sflag:s8], $0x4000  }
0x2e2: {  	[sflag:s8] =	ssyncset.done $0x0  }
0x2e3: {  	s14 =	simm.s32 $0x14780;
	[sflag:s8] =	ssyncadd.s32 $0xFFFFC000  }
0x2e4: {  	[tilespmem:s30], [sflag:$0x2] =	stream.indirect.gather [hbm4b:s0+s26], $0x80, s14, s26, $0xb8;
	[tilespmem:$0x1D000] =	vst v63  }
0x2e5: {  	_ =	swait.ge [sflag:s31], $0x4000  }
0x2e6: {  	[sflag:s31] =	ssyncset.done $0x0  }
0x2e7: {  	s15 =	simm.s32 $0x14F80;
	[sflag:s31] =	ssyncadd.s32 $0xFFFFC000  }
0x2e8: {  	[spmem:s3] =	stream.indirect.scatter.add.f32 [tilespmem:s30], [sflag:$0x4], $0x80, s15, s26, $0xb8;
	[tilespmem:$0x1D000] =	vst v63  }
0x2e9: {  	_ =	swait.ge [sflag:s1], $0x4000  }
0x2ea: {  	[sflag:s1] =	ssyncset.done $0x0  }
0x2eb: {  	[sflag:s1] =	ssyncadd.s32 $0xFFFFC000  }
0x2ec: {  	_ =	swait.ge [sflag:s8], $0x4000  }
0x2ed: {  	[sflag:s8] =	ssyncset.done $0x0  }
0x2ee: {  	[sflag:s8] =	ssyncadd.s32 $0xFFFFC000  }
0x2ef: {  	s16 =	stileid.u32;
	[bflag:$0x0] =	sbarrier.arrive $0xFFFF  }
0x2f0: {  	s18 =	sshll.u32 s16, $0x6;
	s19 =	rddreg [dreg:$0x5]  }
0x2f1: {  	s18 =	sor.u32 $0x1C05, s18;
	s21 =	rddreg [dreg:$0x14];
	s20 =	sshrl.u32 s19, $0x3  }
0x2f2: {  	[hbm:s21], [sflag:s18] =	dma.local [spmem:s20], $0x2800  }
0x2f3: {  	_ =	swait.ge [sflag:s23], $0x2800  }
0x2f4: {  	s17 =	sadd.s32 $0x1, s17;
	s29 =	rddreg [dreg:$0x15]  }
0x2f5: {  	p0 =	sne.s32 s17, s29  }
.Ltmp1:
0x2f6: {  	_ = 	snop;
	(pc) =	sbr.rel @p0 .LBB2_1-.Ltmp1, $3  }
0x2f7: {  	_ =	sdelay $0x1  }
0x2f8: {  	[sflag:s23] =	ssyncset.done $0x0  }
0x2f9: {  	[sflag:s23] =	ssyncadd.s32 $0xFFFFD800  }
0x2fa: {  	_ =	sfence.sel $0x180000  }
0x2fb: {  	[bflag:$0x0] =	sbarrier.arrive $0xFFFF  }
0x2fc: {  	_ =	strace $0x90000047  }
0x2fd: {  	s0 =	stileid.u32;
	[bflag:$0x2] =	sbarrier.arrive $0xFFFF  }
0x2fe: {  	p0 =	sne.s32 s0, $0x0;
	s0 =	rddreg [dreg:$0x4]  }
0x2ff: {  	s0 =	sadd.s32 @!p0 $0x100000, s0  }
0x300: {  	[sflag:s0] =	ssyncadd.tile.s32 @!p0 $0x1;
	_ =	shalt  }
.Lfunc_end2:
_tile_overlayer_lowered:
.L_overlay_start_2:
0x301: {  	(tag) =	ssettag $0x2  }
0x302: {  	s0 =	rddreg [dreg:$0x0];
	s2 =	stileid.u32  }
0x303: {  	s1 =	rddreg [dreg:$0x1];
	p0 =	sne.s32 s2, $0x0  }
0x304: {  	s3 =	rddreg [dreg:$0x2];
	[bflag:$0x3] =	sbarrier.arrive $0xFFFF;
	s2 =	simm.s32 @!p0 $0x1C05  }
0x305: {  	[timem:s3], [sflag:s2] =	dma.local @!p0 [hbm:s0], s1  }
0x306: {  	s0 =	simm.s32 @!p0 $0x5  }
0x307: {  	_ =	swait.ge @!p0 [sflag:s0], s1  }
0x308: {  	s1 =	ssub.s32 @!p0 $0x0, s1;
	[sflag:s0] =	ssyncset.done @!p0 $0x0  }
0x309: {  	[sflag:s0] =	ssyncadd.s32 @!p0 s1  }
0x30a: {  	[bflag:$0x3] =	sbarrier.arrive $0xFFFF  }
0x30b: {  	_ =	shalt  }

</sc_bundles>
